<compile_context>
chip_gen: v7x
topology: tpu7x:2x2x1
jax: 0.10.2.dev20260603
libtpu: 0.0.44.dev20260713+nightly
codegen_flags: <defaults>
</compile_context>

<pallas_src>
import functools

import jax
import jax.numpy as jnp
from jax import lax
from jax.experimental import pallas as pl
from jax.experimental.pallas import tpu as pltpu
from jax.experimental.pallas import tpu_sc as plsc

_NFRAMES = 4
_NALL = 1024
_NLOC = 512
_NNEI = 64
_NTYPES = 4
_NSPLINE = 1024
_RCUT = 6.0

_NC = 2
_NS = 16
_L = 16
_NW = _NC * _NS
_ATOMS_W = _NFRAMES * _NLOC // _NW
_GROUPS = _ATOMS_W // _L
_W_PER_FRAME = _NLOC // _ATOMS_W
_NEI_W = _ATOMS_W * _NNEI
_NPAIR = _NFRAMES * _NLOC * _NNEI
_NROWS = _NTYPES * _NTYPES * _NSPLINE


def _sc_phase1(coordx_hbm, atype_hbm, nlist_hbm, d2_hbm, tb_hbm,
               xs_v, ys_v, zs_v, atype_v, nlist_v, d2_v, tb_v, sem):
    wid = lax.axis_index("s") * _NC + lax.axis_index("c")
    frame = wid // _W_PER_FRAME

    copies = [
        pltpu.make_async_copy(nlist_hbm.at[pl.ds(wid * _NEI_W, _NEI_W)],
                              nlist_v, sem),
        pltpu.make_async_copy(coordx_hbm.at[pl.ds(frame * _NALL, _NALL)],
                              xs_v, sem),
        pltpu.make_async_copy(
            coordx_hbm.at[pl.ds((_NFRAMES + frame) * _NALL, _NALL)], ys_v, sem),
        pltpu.make_async_copy(
            coordx_hbm.at[pl.ds((2 * _NFRAMES + frame) * _NALL, _NALL)],
            zs_v, sem),
        pltpu.make_async_copy(atype_hbm.at[pl.ds(frame * _NALL, _NALL)],
                              atype_v, sem),
    ]
    for c in copies:
        c.start()
    for c in copies:
        c.wait()

    lane = lax.iota(jnp.int32, _L)
    for g in range(_GROUPS):
        loc = (wid % _W_PER_FRAME) * _ATOMS_W + g * _L + lane
        xi = plsc.load_gather(xs_v, [loc])
        yi = plsc.load_gather(ys_v, [loc])
        zi = plsc.load_gather(zs_v, [loc])
        itype = plsc.load_gather(atype_v, [loc])
        itab = itype * (_NTYPES * _NSPLINE)
        nbase = (g * _L + lane) * _NNEI

        @plsc.parallel_loop(0, _NNEI, unroll=4)
        def body(k):
            jn = plsc.load_gather(nlist_v, [nbase + k])
            j = jnp.maximum(jn, 0)
            xj = plsc.load_gather(xs_v, [j])
            yj = plsc.load_gather(ys_v, [j])
            zj = plsc.load_gather(zs_v, [j])
            jtype = plsc.load_gather(atype_v, [j])
            dx = xi - xj
            dy = yi - yj
            dz = zi - zj
            d2 = dx * dx + dy * dy + dz * dz
            tb = itab + jtype * _NSPLINE
            tb = jnp.where(jn == -1, jnp.full((_L,), -1, jnp.int32), tb)
            slot = k * _ATOMS_W + g * _L
            d2_v[pl.ds(slot, _L)] = d2
            tb_v[pl.ds(slot, _L)] = tb

    out_copies = [
        pltpu.make_async_copy(d2_v, d2_hbm.at[pl.ds(wid * _NEI_W, _NEI_W)],
                              sem),
        pltpu.make_async_copy(tb_v, tb_hbm.at[pl.ds(wid * _NEI_W, _NEI_W)],
                              sem),
    ]
    for c in out_copies:
        c.start()
    for c in out_copies:
        c.wait()


def _tc_phase2(d2_ref, tb_ref, info_ref, frac_ref, gidx_ref):
    rmin = info_ref[0, 0]
    hi = info_ref[0, 1]
    d2 = d2_ref[...]
    tb = tb_ref[...]
    rr = jnp.sqrt(d2)
    uu = (rr - rmin) * hi
    uu = jnp.where(tb < 0, jnp.float32(_NSPLINE + 1), uu)
    idx = uu.astype(jnp.int32)
    frac = uu - idx.astype(jnp.float32)
    cidx = jnp.clip(idx, 0, _NSPLINE - 1)
    valid = (idx <= _NSPLINE) & (rr <= _RCUT) & (tb >= 0)
    gidx = jnp.where(valid, tb + cidx, jnp.int32(-1))
    frac_ref[...] = frac
    gidx_ref[...] = gidx


def _sc_phase3(frac_hbm, gidx_hbm, tab_hbm, out_hbm,
               frac_v, gidx_v, a3_v, a2_v, a1_v, a0_v, out_v, sem):
    wid = lax.axis_index("s") * _NC + lax.axis_index("c")

    copies = [
        pltpu.make_async_copy(frac_hbm.at[pl.ds(wid * _NEI_W, _NEI_W)],
                              frac_v, sem),
        pltpu.make_async_copy(gidx_hbm.at[pl.ds(wid * _NEI_W, _NEI_W)],
                              gidx_v, sem),
        pltpu.make_async_copy(tab_hbm.at[pl.ds(0, _NROWS)], a3_v, sem),
        pltpu.make_async_copy(tab_hbm.at[pl.ds(_NROWS, _NROWS)], a2_v, sem),
        pltpu.make_async_copy(tab_hbm.at[pl.ds(2 * _NROWS, _NROWS)], a1_v, sem),
        pltpu.make_async_copy(tab_hbm.at[pl.ds(3 * _NROWS, _NROWS)], a0_v, sem),
    ]
    for c in copies:
        c.start()
    for c in copies:
        c.wait()

    zero = jnp.zeros((_L,), jnp.float32)
    for g in range(_GROUPS):

        @plsc.parallel_loop(0, _NNEI, unroll=4,
                            carry=jnp.zeros((_L,), jnp.float32))
        def acc(k, acc):
            slot = k * _ATOMS_W + g * _L
            frac = frac_v[pl.ds(slot, _L)]
            gidx = gidx_v[pl.ds(slot, _L)]
            gi = jnp.maximum(gidx, 0)
            a3 = plsc.load_gather(a3_v, [gi])
            a2 = plsc.load_gather(a2_v, [gi])
            a1 = plsc.load_gather(a1_v, [gi])
            a0 = plsc.load_gather(a0_v, [gi])
            e = ((a3 * frac + a2) * frac + a1) * frac + a0
            e = jnp.where(gidx < 0, zero, e)
            return acc + e

        out_v[pl.ds(g * _L, _L)] = 0.5 * acc

    pltpu.sync_copy(out_v, out_hbm.at[pl.ds(wid * _ATOMS_W, _ATOMS_W)])


@jax.jit
def _pair_tab(coord_pl, atype_flat, nlist_flat, tab_pl, info11):
    mesh = plsc.VectorSubcoreMesh(core_axis_name="c", subcore_axis_name="s")
    sc_params = pltpu.CompilerParams(needs_layout_passes=False)

    d2_flat, tb_flat = functools.partial(
        pl.kernel,
        mesh=mesh,
        out_type=(jax.ShapeDtypeStruct((_NPAIR,), jnp.float32),
                  jax.ShapeDtypeStruct((_NPAIR,), jnp.int32)),
        scratch_types=[
            pltpu.VMEM((_NALL,), jnp.float32),
            pltpu.VMEM((_NALL,), jnp.float32),
            pltpu.VMEM((_NALL,), jnp.float32),
            pltpu.VMEM((_NALL,), jnp.int32),
            pltpu.VMEM((_NEI_W,), jnp.int32),
            pltpu.VMEM((_NEI_W,), jnp.float32),
            pltpu.VMEM((_NEI_W,), jnp.int32),
            pltpu.SemaphoreType.DMA,
        ],
        compiler_params=sc_params,
    )(_sc_phase1)(coord_pl, atype_flat, nlist_flat)

    frac_flat, gidx_flat = pl.pallas_call(
        _tc_phase2,
        out_shape=(jax.ShapeDtypeStruct((_NPAIR // 128, 128), jnp.float32),
                   jax.ShapeDtypeStruct((_NPAIR // 128, 128), jnp.int32)),
    )(d2_flat.reshape(_NPAIR // 128, 128),
      tb_flat.reshape(_NPAIR // 128, 128), info11)

    out = functools.partial(
        pl.kernel,
        mesh=mesh,
        out_type=jax.ShapeDtypeStruct((_NFRAMES * _NLOC,), jnp.float32),
        scratch_types=[
            pltpu.VMEM((_NEI_W,), jnp.float32),
            pltpu.VMEM((_NEI_W,), jnp.int32),
            pltpu.VMEM((_NROWS,), jnp.float32),
            pltpu.VMEM((_NROWS,), jnp.float32),
            pltpu.VMEM((_NROWS,), jnp.float32),
            pltpu.VMEM((_NROWS,), jnp.float32),
            pltpu.VMEM((_ATOMS_W,), jnp.float32),
            pltpu.SemaphoreType.DMA,
        ],
        compiler_params=sc_params,
    )(_sc_phase3)(frac_flat.reshape(_NPAIR), gidx_flat.reshape(_NPAIR),
                  tab_pl)
    return out


def kernel(extended_coord, extended_atype, nlist, tab_data, tab_info):
    nframes, nloc, nnei = nlist.shape
    coord_pl = jnp.transpose(extended_coord, (2, 0, 1)).reshape(-1)
    atype_flat = extended_atype.reshape(-1)
    nlist_flat = nlist.reshape(-1)
    tab_pl = jnp.moveaxis(tab_data, 3, 0).reshape(-1)
    info11 = jnp.stack([tab_info[0], 1.0 / tab_info[1]]).reshape(1, 2)
    out = _pair_tab(coord_pl, atype_flat, nlist_flat, tab_pl, info11)
    return out.reshape(nframes, nloc)

# --- scband reference (transcript-rebuilt; emitter-appended) ---
"""Pipeline reference for scband-pair-tab-model-50233937494467 (READ-ONLY COPY).

The authoritative reference and input builder live on the scoring server;
editing this copy changes nothing except your own understanding.
"""

import jax, jax.numpy as jnp
import numpy as np

NFRAMES = 4
NALL = 1024
NLOC = 512
NNEI = 64
NTYPES = 4
NSPLINE = 1024
RCUT = 6.0
RMIN = 0.001
HH = (RCUT - RMIN) / NSPLINE


def setup_inputs(seed: int = 0) -> dict:
    key = jax.random.key(seed)
    k1, k2, k3, k4 = jax.random.split(key, 4)
    extended_coord = jax.random.uniform(k1, (NFRAMES, NALL, 3), dtype=jnp.float32) * 6.0
    extended_atype = jax.random.randint(k2, (NFRAMES, NALL), 0, NTYPES, dtype=jnp.int32)
    nlist = jax.random.randint(k3, (NFRAMES, NLOC, NNEI), 0, NALL, dtype=jnp.int32)
    # learned/tabulated parameters materialized per init (ntypes x ntypes pair table,
    # cubic spline coefficients [a3, a2, a1, a0] per spline interval)
    tab_data = jax.random.normal(k4, (NTYPES, NTYPES, NSPLINE, 4), dtype=jnp.float32) * 0.01
    tab_info = jnp.array([RMIN, HH, float(NSPLINE)], dtype=jnp.float32)
    return {
        "extended_coord": extended_coord,
        "extended_atype": extended_atype,
        "nlist": nlist,
        "tab_data": tab_data,
        "tab_info": tab_info,
    }


def reference(extended_coord, extended_atype, nlist, tab_data, tab_info):
    nframes, nloc, nnei = nlist.shape
    rmin = tab_info[0]
    hh = tab_info[1]
    hi = 1.0 / hh
    nspline = NSPLINE

    masked_nlist = jnp.clip(nlist, 0, None)
    atype = extended_atype[:, :nloc]

    # pairwise displacement / distance (nframes, nall, nall)
    pairwise_dr = extended_coord[:, :, None, :] - extended_coord[:, None, :, :]
    pairwise_rr = jnp.sqrt(jnp.sum(pairwise_dr * pairwise_dr, axis=-1))

    # neighbor types: extended_atype[arange(nframes)[:,None,None], masked_nlist]
    j_type = extended_atype[jnp.arange(nframes)[:, None, None], masked_nlist]

    # gather distances to listed neighbors (nframes, nloc, nnei)
    rr = jnp.take_along_axis(pairwise_rr[:, :nloc, :], masked_nlist, axis=2)

    # spline coordinate
    uu = (rr - rmin) * hi
    uu = jnp.where(nlist != -1, uu, float(nspline + 1))
    idx = uu.astype(jnp.int32)
    uu = uu - idx.astype(uu.dtype)

    # _extract_spline_coefficient: fused gather tab_data[i_type, j_type, clip(idx)]
    # (mathematically identical to torch's expand + gather, avoids the huge
    #  (nframes, nloc, nnei, nspline, 4) intermediate)
    expanded_i_type = jnp.broadcast_to(atype[:, :, None], (nframes, nloc, nnei))
    clipped_idx = jnp.clip(idx, 0, nspline - 1)
    final_coef = tab_data[expanded_i_type, j_type, clipped_idx]  # (nframes, nloc, nnei, 4)
    final_coef = jnp.where((idx > nspline)[..., None], 0.0, final_coef)

    # _calcualte_ener: cubic Horner evaluation
    a3 = final_coef[..., 0]
    a2 = final_coef[..., 1]
    a1 = final_coef[..., 2]
    a0 = final_coef[..., 3]
    etmp = (a3 * uu + a2) * uu + a1
    ener = etmp * uu + a0

    # rmax == rcut here, so mask_beyond_rcut applies; extrapolation branch is the
    # None path (table assumed smoothed to zero at rmax, per module docstring)
    ener = jnp.where(rr > RCUT, 0.0, ener)

    atomic_energy = 0.5 * jnp.sum(
        jnp.where(nlist != -1, ener, jnp.zeros_like(ener)), axis=-1
    )
    return atomic_energy

if __name__ == "__main__":
    import jax
    _d = setup_inputs()
    print(jax.jit(kernel)(*tuple(_d.values())))

</pallas_src>

<mosaic_0001>
#map = affine_map<(d0, d1) -> (0)>
module attributes {stable_mosaic.version = 14 : i64} {
  func.func @_sc_phase1(%arg0: i32, %arg1: i32, %arg2: memref<12288xf32, #tpu.memory_space<hbm>>, %arg3: memref<4096xi32, #tpu.memory_space<hbm>>, %arg4: memref<131072xi32, #tpu.memory_space<hbm>>, %arg5: memref<131072xf32, #tpu.memory_space<hbm>>, %arg6: memref<131072xi32, #tpu.memory_space<hbm>>, %arg7: memref<1024xf32, #tpu.memory_space<vmem>>, %arg8: memref<1024xf32, #tpu.memory_space<vmem>>, %arg9: memref<1024xf32, #tpu.memory_space<vmem>>, %arg10: memref<1024xi32, #tpu.memory_space<vmem>>, %arg11: memref<4096xi32, #tpu.memory_space<vmem>>, %arg12: memref<4096xf32, #tpu.memory_space<vmem>>, %arg13: memref<4096xi32, #tpu.memory_space<vmem>>, %arg14: memref<!tpu.dma_semaphore, #tpu.memory_space<semaphore_mem>>) attributes {dimension_semantics = [#tpu.dimension_semantics<core_parallel>, #tpu.dimension_semantics<subcore_parallel>], iteration_bounds = array<i64: 2, 16>, scalar_prefetch = 0 : i64, scratch_operands = 8 : i64, tpu.core_type = #tpu.core_type<sc_vector_subcore>, window_params = [{transform_indices = #map}, {transform_indices = #map}, {transform_indices = #map}, {transform_indices = #map}, {transform_indices = #map}]} {
    %mul3A = arith.constant 2 : i32
    %mul3A_0 = arith.muli %arg1, %mul3A : i32
    %add3A = arith.addi %mul3A_0, %arg0 : i32
    %jit3A = arith.constant 8 : i32
    %div3A = arith.divsi %add3A, %jit3A : i32
    %sign3A = arith.constant 0 : i32
    %sign3A_1 = arith.cmpi sgt, %add3A, %sign3A : i32
    %sign3A_2 = arith.extui %sign3A_1 : i1 to i32
    %sign3A_3 = arith.constant 0 : i32
    %sign3A_4 = arith.cmpi slt, %add3A, %sign3A_3 : i32
    %sign3A_5 = arith.extui %sign3A_4 : i1 to i32
    %sign3A_6 = arith.subi %sign3A_2, %sign3A_5 : i32
    %sign3A_7 = arith.constant 0 : i32
    %sign3A_8 = arith.cmpi sgt, %jit3A, %sign3A_7 : i32
    %sign3A_9 = arith.extui %sign3A_8 : i1 to i32
    %sign3A_10 = arith.constant 0 : i32
    %sign3A_11 = arith.cmpi slt, %jit3A, %sign3A_10 : i32
    %sign3A_12 = arith.extui %sign3A_11 : i1 to i32
    %sign3A_13 = arith.subi %sign3A_9, %sign3A_12 : i32
    %ne3A = arith.cmpi ne, %sign3A_6, %sign3A_13 : i32
    %rem3A = arith.remsi %add3A, %jit3A : i32
    %ne3A_14 = arith.constant 0 : i32
    %ne3A_15 = arith.cmpi ne, %rem3A, %ne3A_14 : i32
    %and3A = arith.andi %ne3A, %ne3A_15 : i1
    %sub3A = arith.constant 1 : i32
    %sub3A_16 = arith.subi %div3A, %sub3A : i32
    %select_n3A = arith.select %and3A, %sub3A_16, %div3A : i32
    %mul3A_17 = arith.constant 4096 : i32
    %mul3A_18 = arith.muli %add3A, %mul3A_17 : i32
    %mul3A_19 = arith.constant 1024 : i32
    %mul3A_20 = arith.muli %select_n3A, %mul3A_19 : i32
    %add3A_21 = arith.constant 4 : i32
    %add3A_22 = arith.addi %add3A_21, %select_n3A : i32
    %mul3A_23 = arith.constant 1024 : i32
    %mul3A_24 = arith.muli %add3A_22, %mul3A_23 : i32
    %add3A_25 = arith.constant 8 : i32
    %add3A_26 = arith.addi %add3A_25, %select_n3A : i32
    %mul3A_27 = arith.constant 1024 : i32
    %mul3A_28 = arith.muli %add3A_26, %mul3A_27 : i32
    %mul3A_29 = arith.constant 1024 : i32
    %mul3A_30 = arith.muli %select_n3A, %mul3A_29 : i32
    %dma_start3A = tpu.memref_slice %arg4[%mul3A_18] : memref<131072xi32, #tpu.memory_space<hbm>> -> memref<4096xi32, #tpu.memory_space<hbm>>
    %dma_start3A_31 = tpu.memref_slice %arg4[%mul3A_18] : memref<131072xi32, #tpu.memory_space<hbm>> -> memref<4096xi32, #tpu.memory_space<hbm>>
    tpu.enqueue_dma source(%dma_start3A_31 : memref<4096xi32, #tpu.memory_space<hbm>>) target(%arg11 : memref<4096xi32, #tpu.memory_space<vmem>>) target_semaphore(%arg14 : memref<!tpu.dma_semaphore, #tpu.memory_space<semaphore_mem>>)
    %dma_start3A_32 = tpu.memref_slice %arg2[%mul3A_20] : memref<12288xf32, #tpu.memory_space<hbm>> -> memref<1024xf32, #tpu.memory_space<hbm>>
    %dma_start3A_33 = tpu.memref_slice %arg2[%mul3A_20] : memref<12288xf32, #tpu.memory_space<hbm>> -> memref<1024xf32, #tpu.memory_space<hbm>>
    tpu.enqueue_dma source(%dma_start3A_33 : memref<1024xf32, #tpu.memory_space<hbm>>) target(%arg7 : memref<1024xf32, #tpu.memory_space<vmem>>) target_semaphore(%arg14 : memref<!tpu.dma_semaphore, #tpu.memory_space<semaphore_mem>>)
    %dma_start3A_34 = tpu.memref_slice %arg2[%mul3A_24] : memref<12288xf32, #tpu.memory_space<hbm>> -> memref<1024xf32, #tpu.memory_space<hbm>>
    %dma_start3A_35 = tpu.memref_slice %arg2[%mul3A_24] : memref<12288xf32, #tpu.memory_space<hbm>> -> memref<1024xf32, #tpu.memory_space<hbm>>
    tpu.enqueue_dma source(%dma_start3A_35 : memref<1024xf32, #tpu.memory_space<hbm>>) target(%arg8 : memref<1024xf32, #tpu.memory_space<vmem>>) target_semaphore(%arg14 : memref<!tpu.dma_semaphore, #tpu.memory_space<semaphore_mem>>)
    %dma_start3A_36 = tpu.memref_slice %arg2[%mul3A_28] : memref<12288xf32, #tpu.memory_space<hbm>> -> memref<1024xf32, #tpu.memory_space<hbm>>
    %dma_start3A_37 = tpu.memref_slice %arg2[%mul3A_28] : memref<12288xf32, #tpu.memory_space<hbm>> -> memref<1024xf32, #tpu.memory_space<hbm>>
    tpu.enqueue_dma source(%dma_start3A_37 : memref<1024xf32, #tpu.memory_space<hbm>>) target(%arg9 : memref<1024xf32, #tpu.memory_space<vmem>>) target_semaphore(%arg14 : memref<!tpu.dma_semaphore, #tpu.memory_space<semaphore_mem>>)
    %dma_start3A_38 = tpu.memref_slice %arg3[%mul3A_30] : memref<4096xi32, #tpu.memory_space<hbm>> -> memref<1024xi32, #tpu.memory_space<hbm>>
    %dma_start3A_39 = tpu.memref_slice %arg3[%mul3A_30] : memref<4096xi32, #tpu.memory_space<hbm>> -> memref<1024xi32, #tpu.memory_space<hbm>>
    tpu.enqueue_dma source(%dma_start3A_39 : memref<1024xi32, #tpu.memory_space<hbm>>) target(%arg10 : memref<1024xi32, #tpu.memory_space<vmem>>) target_semaphore(%arg14 : memref<!tpu.dma_semaphore, #tpu.memory_space<semaphore_mem>>)
    %dma_wait3A = tpu.memref_slice %arg4[%mul3A_18] : memref<131072xi32, #tpu.memory_space<hbm>> -> memref<4096xi32, #tpu.memory_space<hbm>>
    %dma_wait3A_40 = tpu.memref_slice %arg4[%mul3A_18] : memref<131072xi32, #tpu.memory_space<hbm>> -> memref<4096xi32, #tpu.memory_space<hbm>>
    tpu.wait_dma2 semaphore(%arg14 : memref<!tpu.dma_semaphore, #tpu.memory_space<semaphore_mem>>) src(%dma_wait3A_40 : memref<4096xi32, #tpu.memory_space<hbm>>) dst(%arg11 : memref<4096xi32, #tpu.memory_space<vmem>>)
    %dma_wait3A_41 = tpu.memref_slice %arg2[%mul3A_20] : memref<12288xf32, #tpu.memory_space<hbm>> -> memref<1024xf32, #tpu.memory_space<hbm>>
    %dma_wait3A_42 = tpu.memref_slice %arg2[%mul3A_20] : memref<12288xf32, #tpu.memory_space<hbm>> -> memref<1024xf32, #tpu.memory_space<hbm>>
    tpu.wait_dma2 semaphore(%arg14 : memref<!tpu.dma_semaphore, #tpu.memory_space<semaphore_mem>>) src(%dma_wait3A_42 : memref<1024xf32, #tpu.memory_space<hbm>>) dst(%arg7 : memref<1024xf32, #tpu.memory_space<vmem>>)
    %dma_wait3A_43 = tpu.memref_slice %arg2[%mul3A_24] : memref<12288xf32, #tpu.memory_space<hbm>> -> memref<1024xf32, #tpu.memory_space<hbm>>
    %dma_wait3A_44 = tpu.memref_slice %arg2[%mul3A_24] : memref<12288xf32, #tpu.memory_space<hbm>> -> memref<1024xf32, #tpu.memory_space<hbm>>
    tpu.wait_dma2 semaphore(%arg14 : memref<!tpu.dma_semaphore, #tpu.memory_space<semaphore_mem>>) src(%dma_wait3A_44 : memref<1024xf32, #tpu.memory_space<hbm>>) dst(%arg8 : memref<1024xf32, #tpu.memory_space<vmem>>)
    %dma_wait3A_45 = tpu.memref_slice %arg2[%mul3A_28] : memref<12288xf32, #tpu.memory_space<hbm>> -> memref<1024xf32, #tpu.memory_space<hbm>>
    %dma_wait3A_46 = tpu.memref_slice %arg2[%mul3A_28] : memref<12288xf32, #tpu.memory_space<hbm>> -> memref<1024xf32, #tpu.memory_space<hbm>>
    tpu.wait_dma2 semaphore(%arg14 : memref<!tpu.dma_semaphore, #tpu.memory_space<semaphore_mem>>) src(%dma_wait3A_46 : memref<1024xf32, #tpu.memory_space<hbm>>) dst(%arg9 : memref<1024xf32, #tpu.memory_space<vmem>>)
    %dma_wait3A_47 = tpu.memref_slice %arg3[%mul3A_30] : memref<4096xi32, #tpu.memory_space<hbm>> -> memref<1024xi32, #tpu.memory_space<hbm>>
    %dma_wait3A_48 = tpu.memref_slice %arg3[%mul3A_30] : memref<4096xi32, #tpu.memory_space<hbm>> -> memref<1024xi32, #tpu.memory_space<hbm>>
    tpu.wait_dma2 semaphore(%arg14 : memref<!tpu.dma_semaphore, #tpu.memory_space<semaphore_mem>>) src(%dma_wait3A_48 : memref<1024xi32, #tpu.memory_space<hbm>>) dst(%arg10 : memref<1024xi32, #tpu.memory_space<vmem>>)
    %iota3A = tpu.iota {dimensions = array<i32: 0>} : vector<16xi32>
    %jit3A_49 = arith.constant 8 : i32
    %eq3A = arith.constant 0 : i32
    %eq3A_50 = arith.cmpi eq, %jit3A_49, %eq3A : i32
    %jit3A_51 = arith.constant 1 : i32
    %select_n3A_52 = arith.select %eq3A_50, %jit3A_51, %jit3A_49 : i32
    %rem3A_53 = arith.remsi %add3A, %select_n3A_52 : i32
    %ne3A_54 = arith.constant 0 : i32
    %ne3A_55 = arith.cmpi ne, %rem3A_53, %ne3A_54 : i32
    %lt3A = arith.constant 0 : i32
    %lt3A_56 = arith.cmpi slt, %rem3A_53, %lt3A : i32
    %lt3A_57 = arith.constant 0 : i32
    %lt3A_58 = arith.cmpi slt, %select_n3A_52, %lt3A_57 : i32
    %ne3A_59 = arith.xori %lt3A_56, %lt3A_58 : i1
    %and3A_60 = arith.andi %ne3A_59, %ne3A_55 : i1
    %add3A_61 = arith.addi %rem3A_53, %select_n3A_52 : i32
    %select_n3A_62 = arith.select %and3A_60, %add3A_61, %rem3A_53 : i32
    %mul3A_63 = arith.constant 64 : i32
    %mul3A_64 = arith.muli %select_n3A_62, %mul3A_63 : i32
    %add3A_65 = arith.constant 0 : i32
    %add3A_66 = arith.addi %mul3A_64, %add3A_65 : i32
    %add3A_67 = vector.broadcast %add3A_66 : i32 to vector<16xi32>
    %add3A_68 = arith.addi %add3A_67, %iota3A : vector<16xi32>
    %gather3A = tpu.vector_load_idx %arg7[%add3A_68] : memref<1024xf32, #tpu.memory_space<vmem>>[vector<16xi32>], vector<16xf32>,
    %gather3A_69 = tpu.vector_load_idx %arg8[%add3A_68] : memref<1024xf32, #tpu.memory_space<vmem>>[vector<16xi32>], vector<16xf32>,
    %gather3A_70 = tpu.vector_load_idx %arg9[%add3A_68] : memref<1024xf32, #tpu.memory_space<vmem>>[vector<16xi32>], vector<16xf32>,
    %gather3A_71 = tpu.vector_load_idx %arg10[%add3A_68] : memref<1024xi32, #tpu.memory_space<vmem>>[vector<16xi32>], vector<16xi32>,
    %mul3A_72 = arith.constant 4096 : i32
    %mul3A_73 = vector.broadcast %mul3A_72 : i32 to vector<16xi32>
    %mul3A_74 = arith.muli %gather3A_71, %mul3A_73 : vector<16xi32>
    %add3A_75 = arith.constant 0 : i32
    %add3A_76 = vector.broadcast %add3A_75 : i32 to vector<16xi32>
    %add3A_77 = arith.addi %add3A_76, %iota3A : vector<16xi32>
    %mul3A_78 = arith.constant 64 : i32
    %mul3A_79 = vector.broadcast %mul3A_78 : i32 to vector<16xi32>
    %mul3A_80 = arith.muli %add3A_77, %mul3A_79 : vector<16xi32>
    %parallel_loop3A = arith.constant 0 : i32
    %parallel_loop3A_81 = arith.constant 64 : i32
    %parallel_loop3A_82 = arith.constant 1 : i32
    scf.for %parallel_loop3A_209 = %parallel_loop3A to %parallel_loop3A_81 step %parallel_loop3A_82  : i32 {
      %parallel_loop3A_210 = vector.broadcast %parallel_loop3A_209 : i32 to vector<16xi32>
      %parallel_loop3A_211 = arith.addi %mul3A_80, %parallel_loop3A_210 : vector<16xi32>
      %parallel_loop3A_212 = tpu.vector_load_idx %arg11[%parallel_loop3A_211] : memref<4096xi32, #tpu.memory_space<vmem>>[vector<16xi32>], vector<16xi32>,
      %parallel_loop3A_213 = arith.constant 0 : i32
      %parallel_loop3A_214 = vector.broadcast %parallel_loop3A_213 : i32 to vector<16xi32>
      %parallel_loop3A_215 = arith.maxsi %parallel_loop3A_212, %parallel_loop3A_214 : vector<16xi32>
      %parallel_loop3A_216 = tpu.vector_load_idx %arg7[%parallel_loop3A_215] : memref<1024xf32, #tpu.memory_space<vmem>>[vector<16xi32>], vector<16xf32>,
      %parallel_loop3A_217 = tpu.vector_load_idx %arg8[%parallel_loop3A_215] : memref<1024xf32, #tpu.memory_space<vmem>>[vector<16xi32>], vector<16xf32>,
      %parallel_loop3A_218 = tpu.vector_load_idx %arg9[%parallel_loop3A_215] : memref<1024xf32, #tpu.memory_space<vmem>>[vector<16xi32>], vector<16xf32>,
      %parallel_loop3A_219 = tpu.vector_load_idx %arg10[%parallel_loop3A_215] : memref<1024xi32, #tpu.memory_space<vmem>>[vector<16xi32>], vector<16xi32>,
      %parallel_loop3A_220 = arith.subf %gather3A, %parallel_loop3A_216 : vector<16xf32>
      %parallel_loop3A_221 = arith.subf %gather3A_69, %parallel_loop3A_217 : vector<16xf32>
      %parallel_loop3A_222 = arith.subf %gather3A_70, %parallel_loop3A_218 : vector<16xf32>
      %parallel_loop3A_223 = arith.mulf %parallel_loop3A_220, %parallel_loop3A_220 : vector<16xf32>
      %parallel_loop3A_224 = arith.mulf %parallel_loop3A_221, %parallel_loop3A_221 : vector<16xf32>
      %parallel_loop3A_225 = arith.addf %parallel_loop3A_223, %parallel_loop3A_224 : vector<16xf32>
      %parallel_loop3A_226 = arith.mulf %parallel_loop3A_222, %parallel_loop3A_222 : vector<16xf32>
      %parallel_loop3A_227 = arith.addf %parallel_loop3A_225, %parallel_loop3A_226 : vector<16xf32>
      %parallel_loop3A_228 = arith.constant 1024 : i32
      %parallel_loop3A_229 = vector.broadcast %parallel_loop3A_228 : i32 to vector<16xi32>
      %parallel_loop3A_230 = arith.muli %parallel_loop3A_219, %parallel_loop3A_229 : vector<16xi32>
      %parallel_loop3A_231 = arith.addi %mul3A_74, %parallel_loop3A_230 : vector<16xi32>
      %parallel_loop3A_232 = arith.constant -1 : i32
      %parallel_loop3A_233 = vector.broadcast %parallel_loop3A_232 : i32 to vector<16xi32>
      %parallel_loop3A_234 = arith.cmpi eq, %parallel_loop3A_212, %parallel_loop3A_233 : vector<16xi32>
      %parallel_loop3A_235 = arith.constant -1 : i32
      %parallel_loop3A_236 = vector.broadcast %parallel_loop3A_235 : i32 to vector<16xi32>
      %parallel_loop3A_237 = arith.select %parallel_loop3A_234, %parallel_loop3A_236, %parallel_loop3A_231 : vector<16xi1>, vector<16xi32>
      %parallel_loop3A_238 = arith.constant 64 : i32
      %parallel_loop3A_239 = arith.muli %parallel_loop3A_209, %parallel_loop3A_238 : i32
      %parallel_loop3A_240 = arith.constant 0 : i32
      %parallel_loop3A_241 = arith.addi %parallel_loop3A_239, %parallel_loop3A_240 : i32
      %parallel_loop3A_242 = arith.index_cast %parallel_loop3A_241 : i32 to index
      %parallel_loop3A_243 = tpu.vector_load %arg12[%parallel_loop3A_242] {strides = array<i32>} : memref<4096xf32, #tpu.memory_space<vmem>>, vector<16xf32>,
      tpu.vector_store %arg12[%parallel_loop3A_242], %parallel_loop3A_227 {strides = array<i32>} : memref<4096xf32, #tpu.memory_space<vmem>>, vector<16xf32>,
      %parallel_loop3A_244 = arith.index_cast %parallel_loop3A_241 : i32 to index
      %parallel_loop3A_245 = tpu.vector_load %arg13[%parallel_loop3A_244] {strides = array<i32>} : memref<4096xi32, #tpu.memory_space<vmem>>, vector<16xi32>,
      tpu.vector_store %arg13[%parallel_loop3A_244], %parallel_loop3A_237 {strides = array<i32>} : memref<4096xi32, #tpu.memory_space<vmem>>, vector<16xi32>,
    } {sc.loop_unroll_factor = 4 : i64, sc.parallel_access}
    %jit3A_83 = arith.constant 8 : i32
    %eq3A_84 = arith.constant 0 : i32
    %eq3A_85 = arith.cmpi eq, %jit3A_83, %eq3A_84 : i32
    %jit3A_86 = arith.constant 1 : i32
    %select_n3A_87 = arith.select %eq3A_85, %jit3A_86, %jit3A_83 : i32
    %rem3A_88 = arith.remsi %add3A, %select_n3A_87 : i32
    %ne3A_89 = arith.constant 0 : i32
    %ne3A_90 = arith.cmpi ne, %rem3A_88, %ne3A_89 : i32
    %lt3A_91 = arith.constant 0 : i32
    %lt3A_92 = arith.cmpi slt, %rem3A_88, %lt3A_91 : i32
    %lt3A_93 = arith.constant 0 : i32
    %lt3A_94 = arith.cmpi slt, %select_n3A_87, %lt3A_93 : i32
    %ne3A_95 = arith.xori %lt3A_92, %lt3A_94 : i1
    %and3A_96 = arith.andi %ne3A_95, %ne3A_90 : i1
    %add3A_97 = arith.addi %rem3A_88, %select_n3A_87 : i32
    %select_n3A_98 = arith.select %and3A_96, %add3A_97, %rem3A_88 : i32
    %mul3A_99 = arith.constant 64 : i32
    %mul3A_100 = arith.muli %select_n3A_98, %mul3A_99 : i32
    %add3A_101 = arith.constant 16 : i32
    %add3A_102 = arith.addi %mul3A_100, %add3A_101 : i32
    %add3A_103 = vector.broadcast %add3A_102 : i32 to vector<16xi32>
    %add3A_104 = arith.addi %add3A_103, %iota3A : vector<16xi32>
    %gather3A_105 = tpu.vector_load_idx %arg7[%add3A_104] : memref<1024xf32, #tpu.memory_space<vmem>>[vector<16xi32>], vector<16xf32>,
    %gather3A_106 = tpu.vector_load_idx %arg8[%add3A_104] : memref<1024xf32, #tpu.memory_space<vmem>>[vector<16xi32>], vector<16xf32>,
    %gather3A_107 = tpu.vector_load_idx %arg9[%add3A_104] : memref<1024xf32, #tpu.memory_space<vmem>>[vector<16xi32>], vector<16xf32>,
    %gather3A_108 = tpu.vector_load_idx %arg10[%add3A_104] : memref<1024xi32, #tpu.memory_space<vmem>>[vector<16xi32>], vector<16xi32>,
    %mul3A_109 = arith.constant 4096 : i32
    %mul3A_110 = vector.broadcast %mul3A_109 : i32 to vector<16xi32>
    %mul3A_111 = arith.muli %gather3A_108, %mul3A_110 : vector<16xi32>
    %add3A_112 = arith.constant 16 : i32
    %add3A_113 = vector.broadcast %add3A_112 : i32 to vector<16xi32>
    %add3A_114 = arith.addi %add3A_113, %iota3A : vector<16xi32>
    %mul3A_115 = arith.constant 64 : i32
    %mul3A_116 = vector.broadcast %mul3A_115 : i32 to vector<16xi32>
    %mul3A_117 = arith.muli %add3A_114, %mul3A_116 : vector<16xi32>
    %parallel_loop3A_118 = arith.constant 0 : i32
    %parallel_loop3A_119 = arith.constant 64 : i32
    %parallel_loop3A_120 = arith.constant 1 : i32
    scf.for %parallel_loop3A_209 = %parallel_loop3A_118 to %parallel_loop3A_119 step %parallel_loop3A_120  : i32 {
      %parallel_loop3A_210 = vector.broadcast %parallel_loop3A_209 : i32 to vector<16xi32>
      %parallel_loop3A_211 = arith.addi %mul3A_117, %parallel_loop3A_210 : vector<16xi32>
      %parallel_loop3A_212 = tpu.vector_load_idx %arg11[%parallel_loop3A_211] : memref<4096xi32, #tpu.memory_space<vmem>>[vector<16xi32>], vector<16xi32>,
      %parallel_loop3A_213 = arith.constant 0 : i32
      %parallel_loop3A_214 = vector.broadcast %parallel_loop3A_213 : i32 to vector<16xi32>
      %parallel_loop3A_215 = arith.maxsi %parallel_loop3A_212, %parallel_loop3A_214 : vector<16xi32>
      %parallel_loop3A_216 = tpu.vector_load_idx %arg7[%parallel_loop3A_215] : memref<1024xf32, #tpu.memory_space<vmem>>[vector<16xi32>], vector<16xf32>,
      %parallel_loop3A_217 = tpu.vector_load_idx %arg8[%parallel_loop3A_215] : memref<1024xf32, #tpu.memory_space<vmem>>[vector<16xi32>], vector<16xf32>,
      %parallel_loop3A_218 = tpu.vector_load_idx %arg9[%parallel_loop3A_215] : memref<1024xf32, #tpu.memory_space<vmem>>[vector<16xi32>], vector<16xf32>,
      %parallel_loop3A_219 = tpu.vector_load_idx %arg10[%parallel_loop3A_215] : memref<1024xi32, #tpu.memory_space<vmem>>[vector<16xi32>], vector<16xi32>,
      %parallel_loop3A_220 = arith.subf %gather3A_105, %parallel_loop3A_216 : vector<16xf32>
      %parallel_loop3A_221 = arith.subf %gather3A_106, %parallel_loop3A_217 : vector<16xf32>
      %parallel_loop3A_222 = arith.subf %gather3A_107, %parallel_loop3A_218 : vector<16xf32>
      %parallel_loop3A_223 = arith.mulf %parallel_loop3A_220, %parallel_loop3A_220 : vector<16xf32>
      %parallel_loop3A_224 = arith.mulf %parallel_loop3A_221, %parallel_loop3A_221 : vector<16xf32>
      %parallel_loop3A_225 = arith.addf %parallel_loop3A_223, %parallel_loop3A_224 : vector<16xf32>
      %parallel_loop3A_226 = arith.mulf %parallel_loop3A_222, %parallel_loop3A_222 : vector<16xf32>
      %parallel_loop3A_227 = arith.addf %parallel_loop3A_225, %parallel_loop3A_226 : vector<16xf32>
      %parallel_loop3A_228 = arith.constant 1024 : i32
      %parallel_loop3A_229 = vector.broadcast %parallel_loop3A_228 : i32 to vector<16xi32>
      %parallel_loop3A_230 = arith.muli %parallel_loop3A_219, %parallel_loop3A_229 : vector<16xi32>
      %parallel_loop3A_231 = arith.addi %mul3A_111, %parallel_loop3A_230 : vector<16xi32>
      %parallel_loop3A_232 = arith.constant -1 : i32
      %parallel_loop3A_233 = vector.broadcast %parallel_loop3A_232 : i32 to vector<16xi32>
      %parallel_loop3A_234 = arith.cmpi eq, %parallel_loop3A_212, %parallel_loop3A_233 : vector<16xi32>
      %parallel_loop3A_235 = arith.constant -1 : i32
      %parallel_loop3A_236 = vector.broadcast %parallel_loop3A_235 : i32 to vector<16xi32>
      %parallel_loop3A_237 = arith.select %parallel_loop3A_234, %parallel_loop3A_236, %parallel_loop3A_231 : vector<16xi1>, vector<16xi32>
      %parallel_loop3A_238 = arith.constant 64 : i32
      %parallel_loop3A_239 = arith.muli %parallel_loop3A_209, %parallel_loop3A_238 : i32
      %parallel_loop3A_240 = arith.constant 16 : i32
      %parallel_loop3A_241 = arith.addi %parallel_loop3A_239, %parallel_loop3A_240 : i32
      %parallel_loop3A_242 = arith.index_cast %parallel_loop3A_241 : i32 to index
      %parallel_loop3A_243 = tpu.vector_load %arg12[%parallel_loop3A_242] {strides = array<i32>} : memref<4096xf32, #tpu.memory_space<vmem>>, vector<16xf32>,
      tpu.vector_store %arg12[%parallel_loop3A_242], %parallel_loop3A_227 {strides = array<i32>} : memref<4096xf32, #tpu.memory_space<vmem>>, vector<16xf32>,
      %parallel_loop3A_244 = arith.index_cast %parallel_loop3A_241 : i32 to index
      %parallel_loop3A_245 = tpu.vector_load %arg13[%parallel_loop3A_244] {strides = array<i32>} : memref<4096xi32, #tpu.memory_space<vmem>>, vector<16xi32>,
      tpu.vector_store %arg13[%parallel_loop3A_244], %parallel_loop3A_237 {strides = array<i32>} : memref<4096xi32, #tpu.memory_space<vmem>>, vector<16xi32>,
    } {sc.loop_unroll_factor = 4 : i64, sc.parallel_access}
    %jit3A_121 = arith.constant 8 : i32
    %eq3A_122 = arith.constant 0 : i32
    %eq3A_123 = arith.cmpi eq, %jit3A_121, %eq3A_122 : i32
    %jit3A_124 = arith.constant 1 : i32
    %select_n3A_125 = arith.select %eq3A_123, %jit3A_124, %jit3A_121 : i32
    %rem3A_126 = arith.remsi %add3A, %select_n3A_125 : i32
    %ne3A_127 = arith.constant 0 : i32
    %ne3A_128 = arith.cmpi ne, %rem3A_126, %ne3A_127 : i32
    %lt3A_129 = arith.constant 0 : i32
    %lt3A_130 = arith.cmpi slt, %rem3A_126, %lt3A_129 : i32
    %lt3A_131 = arith.constant 0 : i32
    %lt3A_132 = arith.cmpi slt, %select_n3A_125, %lt3A_131 : i32
    %ne3A_133 = arith.xori %lt3A_130, %lt3A_132 : i1
    %and3A_134 = arith.andi %ne3A_133, %ne3A_128 : i1
    %add3A_135 = arith.addi %rem3A_126, %select_n3A_125 : i32
    %select_n3A_136 = arith.select %and3A_134, %add3A_135, %rem3A_126 : i32
    %mul3A_137 = arith.constant 64 : i32
    %mul3A_138 = arith.muli %select_n3A_136, %mul3A_137 : i32
    %add3A_139 = arith.constant 32 : i32
    %add3A_140 = arith.addi %mul3A_138, %add3A_139 : i32
    %add3A_141 = vector.broadcast %add3A_140 : i32 to vector<16xi32>
    %add3A_142 = arith.addi %add3A_141, %iota3A : vector<16xi32>
    %gather3A_143 = tpu.vector_load_idx %arg7[%add3A_142] : memref<1024xf32, #tpu.memory_space<vmem>>[vector<16xi32>], vector<16xf32>,
    %gather3A_144 = tpu.vector_load_idx %arg8[%add3A_142] : memref<1024xf32, #tpu.memory_space<vmem>>[vector<16xi32>], vector<16xf32>,
    %gather3A_145 = tpu.vector_load_idx %arg9[%add3A_142] : memref<1024xf32, #tpu.memory_space<vmem>>[vector<16xi32>], vector<16xf32>,
    %gather3A_146 = tpu.vector_load_idx %arg10[%add3A_142] : memref<1024xi32, #tpu.memory_space<vmem>>[vector<16xi32>], vector<16xi32>,
    %mul3A_147 = arith.constant 4096 : i32
    %mul3A_148 = vector.broadcast %mul3A_147 : i32 to vector<16xi32>
    %mul3A_149 = arith.muli %gather3A_146, %mul3A_148 : vector<16xi32>
    %add3A_150 = arith.constant 32 : i32
    %add3A_151 = vector.broadcast %add3A_150 : i32 to vector<16xi32>
    %add3A_152 = arith.addi %add3A_151, %iota3A : vector<16xi32>
    %mul3A_153 = arith.constant 64 : i32
    %mul3A_154 = vector.broadcast %mul3A_153 : i32 to vector<16xi32>
    %mul3A_155 = arith.muli %add3A_152, %mul3A_154 : vector<16xi32>
    %parallel_loop3A_156 = arith.constant 0 : i32
    %parallel_loop3A_157 = arith.constant 64 : i32
    %parallel_loop3A_158 = arith.constant 1 : i32
    scf.for %parallel_loop3A_209 = %parallel_loop3A_156 to %parallel_loop3A_157 step %parallel_loop3A_158  : i32 {
      %parallel_loop3A_210 = vector.broadcast %parallel_loop3A_209 : i32 to vector<16xi32>
      %parallel_loop3A_211 = arith.addi %mul3A_155, %parallel_loop3A_210 : vector<16xi32>
      %parallel_loop3A_212 = tpu.vector_load_idx %arg11[%parallel_loop3A_211] : memref<4096xi32, #tpu.memory_space<vmem>>[vector<16xi32>], vector<16xi32>,
      %parallel_loop3A_213 = arith.constant 0 : i32
      %parallel_loop3A_214 = vector.broadcast %parallel_loop3A_213 : i32 to vector<16xi32>
      %parallel_loop3A_215 = arith.maxsi %parallel_loop3A_212, %parallel_loop3A_214 : vector<16xi32>
      %parallel_loop3A_216 = tpu.vector_load_idx %arg7[%parallel_loop3A_215] : memref<1024xf32, #tpu.memory_space<vmem>>[vector<16xi32>], vector<16xf32>,
      %parallel_loop3A_217 = tpu.vector_load_idx %arg8[%parallel_loop3A_215] : memref<1024xf32, #tpu.memory_space<vmem>>[vector<16xi32>], vector<16xf32>,
      %parallel_loop3A_218 = tpu.vector_load_idx %arg9[%parallel_loop3A_215] : memref<1024xf32, #tpu.memory_space<vmem>>[vector<16xi32>], vector<16xf32>,
      %parallel_loop3A_219 = tpu.vector_load_idx %arg10[%parallel_loop3A_215] : memref<1024xi32, #tpu.memory_space<vmem>>[vector<16xi32>], vector<16xi32>,
      %parallel_loop3A_220 = arith.subf %gather3A_143, %parallel_loop3A_216 : vector<16xf32>
      %parallel_loop3A_221 = arith.subf %gather3A_144, %parallel_loop3A_217 : vector<16xf32>
      %parallel_loop3A_222 = arith.subf %gather3A_145, %parallel_loop3A_218 : vector<16xf32>
      %parallel_loop3A_223 = arith.mulf %parallel_loop3A_220, %parallel_loop3A_220 : vector<16xf32>
      %parallel_loop3A_224 = arith.mulf %parallel_loop3A_221, %parallel_loop3A_221 : vector<16xf32>
      %parallel_loop3A_225 = arith.addf %parallel_loop3A_223, %parallel_loop3A_224 : vector<16xf32>
      %parallel_loop3A_226 = arith.mulf %parallel_loop3A_222, %parallel_loop3A_222 : vector<16xf32>
      %parallel_loop3A_227 = arith.addf %parallel_loop3A_225, %parallel_loop3A_226 : vector<16xf32>
      %parallel_loop3A_228 = arith.constant 1024 : i32
      %parallel_loop3A_229 = vector.broadcast %parallel_loop3A_228 : i32 to vector<16xi32>
      %parallel_loop3A_230 = arith.muli %parallel_loop3A_219, %parallel_loop3A_229 : vector<16xi32>
      %parallel_loop3A_231 = arith.addi %mul3A_149, %parallel_loop3A_230 : vector<16xi32>
      %parallel_loop3A_232 = arith.constant -1 : i32
      %parallel_loop3A_233 = vector.broadcast %parallel_loop3A_232 : i32 to vector<16xi32>
      %parallel_loop3A_234 = arith.cmpi eq, %parallel_loop3A_212, %parallel_loop3A_233 : vector<16xi32>
      %parallel_loop3A_235 = arith.constant -1 : i32
      %parallel_loop3A_236 = vector.broadcast %parallel_loop3A_235 : i32 to vector<16xi32>
      %parallel_loop3A_237 = arith.select %parallel_loop3A_234, %parallel_loop3A_236, %parallel_loop3A_231 : vector<16xi1>, vector<16xi32>
      %parallel_loop3A_238 = arith.constant 64 : i32
      %parallel_loop3A_239 = arith.muli %parallel_loop3A_209, %parallel_loop3A_238 : i32
      %parallel_loop3A_240 = arith.constant 32 : i32
      %parallel_loop3A_241 = arith.addi %parallel_loop3A_239, %parallel_loop3A_240 : i32
      %parallel_loop3A_242 = arith.index_cast %parallel_loop3A_241 : i32 to index
      %parallel_loop3A_243 = tpu.vector_load %arg12[%parallel_loop3A_242] {strides = array<i32>} : memref<4096xf32, #tpu.memory_space<vmem>>, vector<16xf32>,
      tpu.vector_store %arg12[%parallel_loop3A_242], %parallel_loop3A_227 {strides = array<i32>} : memref<4096xf32, #tpu.memory_space<vmem>>, vector<16xf32>,
      %parallel_loop3A_244 = arith.index_cast %parallel_loop3A_241 : i32 to index
      %parallel_loop3A_245 = tpu.vector_load %arg13[%parallel_loop3A_244] {strides = array<i32>} : memref<4096xi32, #tpu.memory_space<vmem>>, vector<16xi32>,
      tpu.vector_store %arg13[%parallel_loop3A_244], %parallel_loop3A_237 {strides = array<i32>} : memref<4096xi32, #tpu.memory_space<vmem>>, vector<16xi32>,
    } {sc.loop_unroll_factor = 4 : i64, sc.parallel_access}
    %jit3A_159 = arith.constant 8 : i32
    %eq3A_160 = arith.constant 0 : i32
    %eq3A_161 = arith.cmpi eq, %jit3A_159, %eq3A_160 : i32
    %jit3A_162 = arith.constant 1 : i32
    %select_n3A_163 = arith.select %eq3A_161, %jit3A_162, %jit3A_159 : i32
    %rem3A_164 = arith.remsi %add3A, %select_n3A_163 : i32
    %ne3A_165 = arith.constant 0 : i32
    %ne3A_166 = arith.cmpi ne, %rem3A_164, %ne3A_165 : i32
    %lt3A_167 = arith.constant 0 : i32
    %lt3A_168 = arith.cmpi slt, %rem3A_164, %lt3A_167 : i32
    %lt3A_169 = arith.constant 0 : i32
    %lt3A_170 = arith.cmpi slt, %select_n3A_163, %lt3A_169 : i32
    %ne3A_171 = arith.xori %lt3A_168, %lt3A_170 : i1
    %and3A_172 = arith.andi %ne3A_171, %ne3A_166 : i1
    %add3A_173 = arith.addi %rem3A_164, %select_n3A_163 : i32
    %select_n3A_174 = arith.select %and3A_172, %add3A_173, %rem3A_164 : i32
    %mul3A_175 = arith.constant 64 : i32
    %mul3A_176 = arith.muli %select_n3A_174, %mul3A_175 : i32
    %add3A_177 = arith.constant 48 : i32
    %add3A_178 = arith.addi %mul3A_176, %add3A_177 : i32
    %add3A_179 = vector.broadcast %add3A_178 : i32 to vector<16xi32>
    %add3A_180 = arith.addi %add3A_179, %iota3A : vector<16xi32>
    %gather3A_181 = tpu.vector_load_idx %arg7[%add3A_180] : memref<1024xf32, #tpu.memory_space<vmem>>[vector<16xi32>], vector<16xf32>,
    %gather3A_182 = tpu.vector_load_idx %arg8[%add3A_180] : memref<1024xf32, #tpu.memory_space<vmem>>[vector<16xi32>], vector<16xf32>,
    %gather3A_183 = tpu.vector_load_idx %arg9[%add3A_180] : memref<1024xf32, #tpu.memory_space<vmem>>[vector<16xi32>], vector<16xf32>,
    %gather3A_184 = tpu.vector_load_idx %arg10[%add3A_180] : memref<1024xi32, #tpu.memory_space<vmem>>[vector<16xi32>], vector<16xi32>,
    %mul3A_185 = arith.constant 4096 : i32
    %mul3A_186 = vector.broadcast %mul3A_185 : i32 to vector<16xi32>
    %mul3A_187 = arith.muli %gather3A_184, %mul3A_186 : vector<16xi32>
    %add3A_188 = arith.constant 48 : i32
    %add3A_189 = vector.broadcast %add3A_188 : i32 to vector<16xi32>
    %add3A_190 = arith.addi %add3A_189, %iota3A : vector<16xi32>
    %mul3A_191 = arith.constant 64 : i32
    %mul3A_192 = vector.broadcast %mul3A_191 : i32 to vector<16xi32>
    %mul3A_193 = arith.muli %add3A_190, %mul3A_192 : vector<16xi32>
    %parallel_loop3A_194 = arith.constant 0 : i32
    %parallel_loop3A_195 = arith.constant 64 : i32
    %parallel_loop3A_196 = arith.constant 1 : i32
    scf.for %parallel_loop3A_209 = %parallel_loop3A_194 to %parallel_loop3A_195 step %parallel_loop3A_196  : i32 {
      %parallel_loop3A_210 = vector.broadcast %parallel_loop3A_209 : i32 to vector<16xi32>
      %parallel_loop3A_211 = arith.addi %mul3A_193, %parallel_loop3A_210 : vector<16xi32>
      %parallel_loop3A_212 = tpu.vector_load_idx %arg11[%parallel_loop3A_211] : memref<4096xi32, #tpu.memory_space<vmem>>[vector<16xi32>], vector<16xi32>,
      %parallel_loop3A_213 = arith.constant 0 : i32
      %parallel_loop3A_214 = vector.broadcast %parallel_loop3A_213 : i32 to vector<16xi32>
      %parallel_loop3A_215 = arith.maxsi %parallel_loop3A_212, %parallel_loop3A_214 : vector<16xi32>
      %parallel_loop3A_216 = tpu.vector_load_idx %arg7[%parallel_loop3A_215] : memref<1024xf32, #tpu.memory_space<vmem>>[vector<16xi32>], vector<16xf32>,
      %parallel_loop3A_217 = tpu.vector_load_idx %arg8[%parallel_loop3A_215] : memref<1024xf32, #tpu.memory_space<vmem>>[vector<16xi32>], vector<16xf32>,
      %parallel_loop3A_218 = tpu.vector_load_idx %arg9[%parallel_loop3A_215] : memref<1024xf32, #tpu.memory_space<vmem>>[vector<16xi32>], vector<16xf32>,
      %parallel_loop3A_219 = tpu.vector_load_idx %arg10[%parallel_loop3A_215] : memref<1024xi32, #tpu.memory_space<vmem>>[vector<16xi32>], vector<16xi32>,
      %parallel_loop3A_220 = arith.subf %gather3A_181, %parallel_loop3A_216 : vector<16xf32>
      %parallel_loop3A_221 = arith.subf %gather3A_182, %parallel_loop3A_217 : vector<16xf32>
      %parallel_loop3A_222 = arith.subf %gather3A_183, %parallel_loop3A_218 : vector<16xf32>
      %parallel_loop3A_223 = arith.mulf %parallel_loop3A_220, %parallel_loop3A_220 : vector<16xf32>
      %parallel_loop3A_224 = arith.mulf %parallel_loop3A_221, %parallel_loop3A_221 : vector<16xf32>
      %parallel_loop3A_225 = arith.addf %parallel_loop3A_223, %parallel_loop3A_224 : vector<16xf32>
      %parallel_loop3A_226 = arith.mulf %parallel_loop3A_222, %parallel_loop3A_222 : vector<16xf32>
      %parallel_loop3A_227 = arith.addf %parallel_loop3A_225, %parallel_loop3A_226 : vector<16xf32>
      %parallel_loop3A_228 = arith.constant 1024 : i32
      %parallel_loop3A_229 = vector.broadcast %parallel_loop3A_228 : i32 to vector<16xi32>
      %parallel_loop3A_230 = arith.muli %parallel_loop3A_219, %parallel_loop3A_229 : vector<16xi32>
      %parallel_loop3A_231 = arith.addi %mul3A_187, %parallel_loop3A_230 : vector<16xi32>
      %parallel_loop3A_232 = arith.constant -1 : i32
      %parallel_loop3A_233 = vector.broadcast %parallel_loop3A_232 : i32 to vector<16xi32>
      %parallel_loop3A_234 = arith.cmpi eq, %parallel_loop3A_212, %parallel_loop3A_233 : vector<16xi32>
      %parallel_loop3A_235 = arith.constant -1 : i32
      %parallel_loop3A_236 = vector.broadcast %parallel_loop3A_235 : i32 to vector<16xi32>
      %parallel_loop3A_237 = arith.select %parallel_loop3A_234, %parallel_loop3A_236, %parallel_loop3A_231 : vector<16xi1>, vector<16xi32>
      %parallel_loop3A_238 = arith.constant 64 : i32
      %parallel_loop3A_239 = arith.muli %parallel_loop3A_209, %parallel_loop3A_238 : i32
      %parallel_loop3A_240 = arith.constant 48 : i32
      %parallel_loop3A_241 = arith.addi %parallel_loop3A_239, %parallel_loop3A_240 : i32
      %parallel_loop3A_242 = arith.index_cast %parallel_loop3A_241 : i32 to index
      %parallel_loop3A_243 = tpu.vector_load %arg12[%parallel_loop3A_242] {strides = array<i32>} : memref<4096xf32, #tpu.memory_space<vmem>>, vector<16xf32>,
      tpu.vector_store %arg12[%parallel_loop3A_242], %parallel_loop3A_227 {strides = array<i32>} : memref<4096xf32, #tpu.memory_space<vmem>>, vector<16xf32>,
      %parallel_loop3A_244 = arith.index_cast %parallel_loop3A_241 : i32 to index
      %parallel_loop3A_245 = tpu.vector_load %arg13[%parallel_loop3A_244] {strides = array<i32>} : memref<4096xi32, #tpu.memory_space<vmem>>, vector<16xi32>,
      tpu.vector_store %arg13[%parallel_loop3A_244], %parallel_loop3A_237 {strides = array<i32>} : memref<4096xi32, #tpu.memory_space<vmem>>, vector<16xi32>,
    } {sc.loop_unroll_factor = 4 : i64, sc.parallel_access}
    %mul3A_197 = arith.constant 4096 : i32
    %mul3A_198 = arith.muli %add3A, %mul3A_197 : i32
    %mul3A_199 = arith.constant 4096 : i32
    %mul3A_200 = arith.muli %add3A, %mul3A_199 : i32
    %dma_start3A_201 = tpu.memref_slice %arg5[%mul3A_198] : memref<131072xf32, #tpu.memory_space<hbm>> -> memref<4096xf32, #tpu.memory_space<hbm>>
    %dma_start3A_202 = tpu.memref_slice %arg5[%mul3A_198] : memref<131072xf32, #tpu.memory_space<hbm>> -> memref<4096xf32, #tpu.memory_space<hbm>>
    tpu.enqueue_dma source(%arg12 : memref<4096xf32, #tpu.memory_space<vmem>>) target(%dma_start3A_202 : memref<4096xf32, #tpu.memory_space<hbm>>) target_semaphore(%arg14 : memref<!tpu.dma_semaphore, #tpu.memory_space<semaphore_mem>>)
    %dma_start3A_203 = tpu.memref_slice %arg6[%mul3A_200] : memref<131072xi32, #tpu.memory_space<hbm>> -> memref<4096xi32, #tpu.memory_space<hbm>>
    %dma_start3A_204 = tpu.memref_slice %arg6[%mul3A_200] : memref<131072xi32, #tpu.memory_space<hbm>> -> memref<4096xi32, #tpu.memory_space<hbm>>
    tpu.enqueue_dma source(%arg13 : memref<4096xi32, #tpu.memory_space<vmem>>) target(%dma_start3A_204 : memref<4096xi32, #tpu.memory_space<hbm>>) target_semaphore(%arg14 : memref<!tpu.dma_semaphore, #tpu.memory_space<semaphore_mem>>)
    %dma_wait3A_205 = tpu.memref_slice %arg5[%mul3A_198] : memref<131072xf32, #tpu.memory_space<hbm>> -> memref<4096xf32, #tpu.memory_space<hbm>>
    %dma_wait3A_206 = tpu.memref_slice %arg5[%mul3A_198] : memref<131072xf32, #tpu.memory_space<hbm>> -> memref<4096xf32, #tpu.memory_space<hbm>>
    tpu.wait_dma2 semaphore(%arg14 : memref<!tpu.dma_semaphore, #tpu.memory_space<semaphore_mem>>) src(%arg12 : memref<4096xf32, #tpu.memory_space<vmem>>) dst(%dma_wait3A_206 : memref<4096xf32, #tpu.memory_space<hbm>>)
    %dma_wait3A_207 = tpu.memref_slice %arg6[%mul3A_200] : memref<131072xi32, #tpu.memory_space<hbm>> -> memref<4096xi32, #tpu.memory_space<hbm>>
    %dma_wait3A_208 = tpu.memref_slice %arg6[%mul3A_200] : memref<131072xi32, #tpu.memory_space<hbm>> -> memref<4096xi32, #tpu.memory_space<hbm>>
    tpu.wait_dma2 semaphore(%arg14 : memref<!tpu.dma_semaphore, #tpu.memory_space<semaphore_mem>>) src(%arg13 : memref<4096xi32, #tpu.memory_space<vmem>>) dst(%dma_wait3A_208 : memref<4096xi32, #tpu.memory_space<hbm>>)
    return
  }
}

#map = affine_map<(d0, d1) -> (0)>
module attributes {stable_mosaic.version = 14 : i64} {
  func.func @_sc_phase3(%arg0: i32, %arg1: i32, %arg2: memref<131072xf32, #tpu.memory_space<hbm>>, %arg3: memref<131072xi32, #tpu.memory_space<hbm>>, %arg4: memref<65536xf32, #tpu.memory_space<hbm>>, %arg5: memref<2048xf32, #tpu.memory_space<hbm>>, %arg6: memref<4096xf32, #tpu.memory_space<vmem>>, %arg7: memref<4096xi32, #tpu.memory_space<vmem>>, %arg8: memref<16384xf32, #tpu.memory_space<vmem>>, %arg9: memref<16384xf32, #tpu.memory_space<vmem>>, %arg10: memref<16384xf32, #tpu.memory_space<vmem>>, %arg11: memref<16384xf32, #tpu.memory_space<vmem>>, %arg12: memref<64xf32, #tpu.memory_space<vmem>>, %arg13: memref<!tpu.dma_semaphore, #tpu.memory_space<semaphore_mem>>) attributes {dimension_semantics = [#tpu.dimension_semantics<core_parallel>, #tpu.dimension_semantics<subcore_parallel>], iteration_bounds = array<i64: 2, 16>, scalar_prefetch = 0 : i64, scratch_operands = 8 : i64, tpu.core_type = #tpu.core_type<sc_vector_subcore>, window_params = [{transform_indices = #map}, {transform_indices = #map}, {transform_indices = #map}, {transform_indices = #map}]} {
    %mul3A = arith.constant 2 : i32
    %mul3A_0 = arith.muli %arg1, %mul3A : i32
    %add3A = arith.addi %mul3A_0, %arg0 : i32
    %mul3A_1 = arith.constant 4096 : i32
    %mul3A_2 = arith.muli %add3A, %mul3A_1 : i32
    %mul3A_3 = arith.constant 4096 : i32
    %mul3A_4 = arith.muli %add3A, %mul3A_3 : i32
    %dma_start3A = tpu.memref_slice %arg2[%mul3A_2] : memref<131072xf32, #tpu.memory_space<hbm>> -> memref<4096xf32, #tpu.memory_space<hbm>>
    %dma_start3A_5 = tpu.memref_slice %arg2[%mul3A_2] : memref<131072xf32, #tpu.memory_space<hbm>> -> memref<4096xf32, #tpu.memory_space<hbm>>
    tpu.enqueue_dma source(%dma_start3A_5 : memref<4096xf32, #tpu.memory_space<hbm>>) target(%arg6 : memref<4096xf32, #tpu.memory_space<vmem>>) target_semaphore(%arg13 : memref<!tpu.dma_semaphore, #tpu.memory_space<semaphore_mem>>)
    %dma_start3A_6 = tpu.memref_slice %arg3[%mul3A_4] : memref<131072xi32, #tpu.memory_space<hbm>> -> memref<4096xi32, #tpu.memory_space<hbm>>
    %dma_start3A_7 = tpu.memref_slice %arg3[%mul3A_4] : memref<131072xi32, #tpu.memory_space<hbm>> -> memref<4096xi32, #tpu.memory_space<hbm>>
    tpu.enqueue_dma source(%dma_start3A_7 : memref<4096xi32, #tpu.memory_space<hbm>>) target(%arg7 : memref<4096xi32, #tpu.memory_space<vmem>>) target_semaphore(%arg13 : memref<!tpu.dma_semaphore, #tpu.memory_space<semaphore_mem>>)
    %dma_start3A_8 = arith.constant 0 : i32
    %dma_start3A_9 = tpu.memref_slice %arg4[%dma_start3A_8] : memref<65536xf32, #tpu.memory_space<hbm>> -> memref<16384xf32, #tpu.memory_space<hbm>>
    %dma_start3A_10 = arith.constant 0 : i32
    %dma_start3A_11 = tpu.memref_slice %arg4[%dma_start3A_10] : memref<65536xf32, #tpu.memory_space<hbm>> -> memref<16384xf32, #tpu.memory_space<hbm>>
    tpu.enqueue_dma source(%dma_start3A_11 : memref<16384xf32, #tpu.memory_space<hbm>>) target(%arg8 : memref<16384xf32, #tpu.memory_space<vmem>>) target_semaphore(%arg13 : memref<!tpu.dma_semaphore, #tpu.memory_space<semaphore_mem>>)
    %dma_start3A_12 = arith.constant 16384 : i32
    %dma_start3A_13 = tpu.memref_slice %arg4[%dma_start3A_12] : memref<65536xf32, #tpu.memory_space<hbm>> -> memref<16384xf32, #tpu.memory_space<hbm>>
    %dma_start3A_14 = arith.constant 16384 : i32
    %dma_start3A_15 = tpu.memref_slice %arg4[%dma_start3A_14] : memref<65536xf32, #tpu.memory_space<hbm>> -> memref<16384xf32, #tpu.memory_space<hbm>>
    tpu.enqueue_dma source(%dma_start3A_15 : memref<16384xf32, #tpu.memory_space<hbm>>) target(%arg9 : memref<16384xf32, #tpu.memory_space<vmem>>) target_semaphore(%arg13 : memref<!tpu.dma_semaphore, #tpu.memory_space<semaphore_mem>>)
    %dma_start3A_16 = arith.constant 32768 : i32
    %dma_start3A_17 = tpu.memref_slice %arg4[%dma_start3A_16] : memref<65536xf32, #tpu.memory_space<hbm>> -> memref<16384xf32, #tpu.memory_space<hbm>>
    %dma_start3A_18 = arith.constant 32768 : i32
    %dma_start3A_19 = tpu.memref_slice %arg4[%dma_start3A_18] : memref<65536xf32, #tpu.memory_space<hbm>> -> memref<16384xf32, #tpu.memory_space<hbm>>
    tpu.enqueue_dma source(%dma_start3A_19 : memref<16384xf32, #tpu.memory_space<hbm>>) target(%arg10 : memref<16384xf32, #tpu.memory_space<vmem>>) target_semaphore(%arg13 : memref<!tpu.dma_semaphore, #tpu.memory_space<semaphore_mem>>)
    %dma_start3A_20 = arith.constant 49152 : i32
    %dma_start3A_21 = tpu.memref_slice %arg4[%dma_start3A_20] : memref<65536xf32, #tpu.memory_space<hbm>> -> memref<16384xf32, #tpu.memory_space<hbm>>
    %dma_start3A_22 = arith.constant 49152 : i32
    %dma_start3A_23 = tpu.memref_slice %arg4[%dma_start3A_22] : memref<65536xf32, #tpu.memory_space<hbm>> -> memref<16384xf32, #tpu.memory_space<hbm>>
    tpu.enqueue_dma source(%dma_start3A_23 : memref<16384xf32, #tpu.memory_space<hbm>>) target(%arg11 : memref<16384xf32, #tpu.memory_space<vmem>>) target_semaphore(%arg13 : memref<!tpu.dma_semaphore, #tpu.memory_space<semaphore_mem>>)
    %dma_wait3A = tpu.memref_slice %arg2[%mul3A_2] : memref<131072xf32, #tpu.memory_space<hbm>> -> memref<4096xf32, #tpu.memory_space<hbm>>
    %dma_wait3A_24 = tpu.memref_slice %arg2[%mul3A_2] : memref<131072xf32, #tpu.memory_space<hbm>> -> memref<4096xf32, #tpu.memory_space<hbm>>
    tpu.wait_dma2 semaphore(%arg13 : memref<!tpu.dma_semaphore, #tpu.memory_space<semaphore_mem>>) src(%dma_wait3A_24 : memref<4096xf32, #tpu.memory_space<hbm>>) dst(%arg6 : memref<4096xf32, #tpu.memory_space<vmem>>)
    %dma_wait3A_25 = tpu.memref_slice %arg3[%mul3A_4] : memref<131072xi32, #tpu.memory_space<hbm>> -> memref<4096xi32, #tpu.memory_space<hbm>>
    %dma_wait3A_26 = tpu.memref_slice %arg3[%mul3A_4] : memref<131072xi32, #tpu.memory_space<hbm>> -> memref<4096xi32, #tpu.memory_space<hbm>>
    tpu.wait_dma2 semaphore(%arg13 : memref<!tpu.dma_semaphore, #tpu.memory_space<semaphore_mem>>) src(%dma_wait3A_26 : memref<4096xi32, #tpu.memory_space<hbm>>) dst(%arg7 : memref<4096xi32, #tpu.memory_space<vmem>>)
    %dma_wait3A_27 = arith.constant 0 : i32
    %dma_wait3A_28 = tpu.memref_slice %arg4[%dma_wait3A_27] : memref<65536xf32, #tpu.memory_space<hbm>> -> memref<16384xf32, #tpu.memory_space<hbm>>
    %dma_wait3A_29 = arith.constant 0 : i32
    %dma_wait3A_30 = tpu.memref_slice %arg4[%dma_wait3A_29] : memref<65536xf32, #tpu.memory_space<hbm>> -> memref<16384xf32, #tpu.memory_space<hbm>>
    tpu.wait_dma2 semaphore(%arg13 : memref<!tpu.dma_semaphore, #tpu.memory_space<semaphore_mem>>) src(%dma_wait3A_30 : memref<16384xf32, #tpu.memory_space<hbm>>) dst(%arg8 : memref<16384xf32, #tpu.memory_space<vmem>>)
    %dma_wait3A_31 = arith.constant 16384 : i32
    %dma_wait3A_32 = tpu.memref_slice %arg4[%dma_wait3A_31] : memref<65536xf32, #tpu.memory_space<hbm>> -> memref<16384xf32, #tpu.memory_space<hbm>>
    %dma_wait3A_33 = arith.constant 16384 : i32
    %dma_wait3A_34 = tpu.memref_slice %arg4[%dma_wait3A_33] : memref<65536xf32, #tpu.memory_space<hbm>> -> memref<16384xf32, #tpu.memory_space<hbm>>
    tpu.wait_dma2 semaphore(%arg13 : memref<!tpu.dma_semaphore, #tpu.memory_space<semaphore_mem>>) src(%dma_wait3A_34 : memref<16384xf32, #tpu.memory_space<hbm>>) dst(%arg9 : memref<16384xf32, #tpu.memory_space<vmem>>)
    %dma_wait3A_35 = arith.constant 32768 : i32
    %dma_wait3A_36 = tpu.memref_slice %arg4[%dma_wait3A_35] : memref<65536xf32, #tpu.memory_space<hbm>> -> memref<16384xf32, #tpu.memory_space<hbm>>
    %dma_wait3A_37 = arith.constant 32768 : i32
    %dma_wait3A_38 = tpu.memref_slice %arg4[%dma_wait3A_37] : memref<65536xf32, #tpu.memory_space<hbm>> -> memref<16384xf32, #tpu.memory_space<hbm>>
    tpu.wait_dma2 semaphore(%arg13 : memref<!tpu.dma_semaphore, #tpu.memory_space<semaphore_mem>>) src(%dma_wait3A_38 : memref<16384xf32, #tpu.memory_space<hbm>>) dst(%arg10 : memref<16384xf32, #tpu.memory_space<vmem>>)
    %dma_wait3A_39 = arith.constant 49152 : i32
    %dma_wait3A_40 = tpu.memref_slice %arg4[%dma_wait3A_39] : memref<65536xf32, #tpu.memory_space<hbm>> -> memref<16384xf32, #tpu.memory_space<hbm>>
    %dma_wait3A_41 = arith.constant 49152 : i32
    %dma_wait3A_42 = tpu.memref_slice %arg4[%dma_wait3A_41] : memref<65536xf32, #tpu.memory_space<hbm>> -> memref<16384xf32, #tpu.memory_space<hbm>>
    tpu.wait_dma2 semaphore(%arg13 : memref<!tpu.dma_semaphore, #tpu.memory_space<semaphore_mem>>) src(%dma_wait3A_42 : memref<16384xf32, #tpu.memory_space<hbm>>) dst(%arg11 : memref<16384xf32, #tpu.memory_space<vmem>>)
    %broadcast_in_dim3A = arith.constant 0.000000e+00 : f32
    %broadcast_in_dim3A_43 = vector.broadcast %broadcast_in_dim3A : f32 to vector<16xf32>
    %broadcast_in_dim3A_44 = arith.constant 0.000000e+00 : f32
    %broadcast_in_dim3A_45 = vector.broadcast %broadcast_in_dim3A_44 : f32 to vector<16xf32>
    %parallel_loop3A = arith.constant 0 : i32
    %parallel_loop3A_46 = arith.constant 64 : i32
    %parallel_loop3A_47 = arith.constant 1 : i32
    %parallel_loop3A_48 = scf.for %parallel_loop3A_88 = %parallel_loop3A to %parallel_loop3A_46 step %parallel_loop3A_47 iter_args(%parallel_loop3A_89 = %broadcast_in_dim3A_45) -> (vector<16xf32>)  : i32 {
      %parallel_loop3A_90 = arith.constant 64 : i32
      %parallel_loop3A_91 = arith.muli %parallel_loop3A_88, %parallel_loop3A_90 : i32
      %parallel_loop3A_92 = arith.constant 0 : i32
      %parallel_loop3A_93 = arith.addi %parallel_loop3A_91, %parallel_loop3A_92 : i32
      %parallel_loop3A_94 = arith.index_cast %parallel_loop3A_93 : i32 to index
      %parallel_loop3A_95 = tpu.vector_load %arg6[%parallel_loop3A_94] {strides = array<i32>} : memref<4096xf32, #tpu.memory_space<vmem>>, vector<16xf32>,
      %parallel_loop3A_96 = arith.index_cast %parallel_loop3A_93 : i32 to index
      %parallel_loop3A_97 = tpu.vector_load %arg7[%parallel_loop3A_96] {strides = array<i32>} : memref<4096xi32, #tpu.memory_space<vmem>>, vector<16xi32>,
      %parallel_loop3A_98 = arith.constant 0 : i32
      %parallel_loop3A_99 = vector.broadcast %parallel_loop3A_98 : i32 to vector<16xi32>
      %parallel_loop3A_100 = arith.maxsi %parallel_loop3A_97, %parallel_loop3A_99 : vector<16xi32>
      %parallel_loop3A_101 = tpu.vector_load_idx %arg8[%parallel_loop3A_100] : memref<16384xf32, #tpu.memory_space<vmem>>[vector<16xi32>], vector<16xf32>,
      %parallel_loop3A_102 = tpu.vector_load_idx %arg9[%parallel_loop3A_100] : memref<16384xf32, #tpu.memory_space<vmem>>[vector<16xi32>], vector<16xf32>,
      %parallel_loop3A_103 = tpu.vector_load_idx %arg10[%parallel_loop3A_100] : memref<16384xf32, #tpu.memory_space<vmem>>[vector<16xi32>], vector<16xf32>,
      %parallel_loop3A_104 = tpu.vector_load_idx %arg11[%parallel_loop3A_100] : memref<16384xf32, #tpu.memory_space<vmem>>[vector<16xi32>], vector<16xf32>,
      %parallel_loop3A_105 = arith.mulf %parallel_loop3A_101, %parallel_loop3A_95 : vector<16xf32>
      %parallel_loop3A_106 = arith.addf %parallel_loop3A_105, %parallel_loop3A_102 : vector<16xf32>
      %parallel_loop3A_107 = arith.mulf %parallel_loop3A_106, %parallel_loop3A_95 : vector<16xf32>
      %parallel_loop3A_108 = arith.addf %parallel_loop3A_107, %parallel_loop3A_103 : vector<16xf32>
      %parallel_loop3A_109 = arith.mulf %parallel_loop3A_108, %parallel_loop3A_95 : vector<16xf32>
      %parallel_loop3A_110 = arith.addf %parallel_loop3A_109, %parallel_loop3A_104 : vector<16xf32>
      %parallel_loop3A_111 = arith.constant 0 : i32
      %parallel_loop3A_112 = vector.broadcast %parallel_loop3A_111 : i32 to vector<16xi32>
      %parallel_loop3A_113 = arith.cmpi slt, %parallel_loop3A_97, %parallel_loop3A_112 : vector<16xi32>
      %parallel_loop3A_114 = arith.select %parallel_loop3A_113, %broadcast_in_dim3A_43, %parallel_loop3A_110 : vector<16xi1>, vector<16xf32>
      %parallel_loop3A_115 = arith.addf %parallel_loop3A_89, %parallel_loop3A_114 : vector<16xf32>
      scf.yield %parallel_loop3A_115 : vector<16xf32>
    } {sc.loop_unroll_factor = 4 : i64, sc.parallel_access}
    %mul3A_49 = arith.constant 5.000000e-01 : f32
    %mul3A_50 = vector.broadcast %mul3A_49 : f32 to vector<16xf32>
    %mul3A_51 = arith.mulf %mul3A_50, %parallel_loop3A_48 : vector<16xf32>
    %swap3A = arith.constant 0 : index
    %swap3A_52 = tpu.vector_load %arg12[%swap3A] {strides = array<i32>} : memref<64xf32, #tpu.memory_space<vmem>>, vector<16xf32>,
    tpu.vector_store %arg12[%swap3A], %mul3A_51 {strides = array<i32>} : memref<64xf32, #tpu.memory_space<vmem>>, vector<16xf32>,
    %broadcast_in_dim3A_53 = arith.constant 0.000000e+00 : f32
    %broadcast_in_dim3A_54 = vector.broadcast %broadcast_in_dim3A_53 : f32 to vector<16xf32>
    %parallel_loop3A_55 = arith.constant 0 : i32
    %parallel_loop3A_56 = arith.constant 64 : i32
    %parallel_loop3A_57 = arith.constant 1 : i32
    %parallel_loop3A_58 = scf.for %parallel_loop3A_88 = %parallel_loop3A_55 to %parallel_loop3A_56 step %parallel_loop3A_57 iter_args(%parallel_loop3A_89 = %broadcast_in_dim3A_54) -> (vector<16xf32>)  : i32 {
      %parallel_loop3A_90 = arith.constant 64 : i32
      %parallel_loop3A_91 = arith.muli %parallel_loop3A_88, %parallel_loop3A_90 : i32
      %parallel_loop3A_92 = arith.constant 16 : i32
      %parallel_loop3A_93 = arith.addi %parallel_loop3A_91, %parallel_loop3A_92 : i32
      %parallel_loop3A_94 = arith.index_cast %parallel_loop3A_93 : i32 to index
      %parallel_loop3A_95 = tpu.vector_load %arg6[%parallel_loop3A_94] {strides = array<i32>} : memref<4096xf32, #tpu.memory_space<vmem>>, vector<16xf32>,
      %parallel_loop3A_96 = arith.index_cast %parallel_loop3A_93 : i32 to index
      %parallel_loop3A_97 = tpu.vector_load %arg7[%parallel_loop3A_96] {strides = array<i32>} : memref<4096xi32, #tpu.memory_space<vmem>>, vector<16xi32>,
      %parallel_loop3A_98 = arith.constant 0 : i32
      %parallel_loop3A_99 = vector.broadcast %parallel_loop3A_98 : i32 to vector<16xi32>
      %parallel_loop3A_100 = arith.maxsi %parallel_loop3A_97, %parallel_loop3A_99 : vector<16xi32>
      %parallel_loop3A_101 = tpu.vector_load_idx %arg8[%parallel_loop3A_100] : memref<16384xf32, #tpu.memory_space<vmem>>[vector<16xi32>], vector<16xf32>,
      %parallel_loop3A_102 = tpu.vector_load_idx %arg9[%parallel_loop3A_100] : memref<16384xf32, #tpu.memory_space<vmem>>[vector<16xi32>], vector<16xf32>,
      %parallel_loop3A_103 = tpu.vector_load_idx %arg10[%parallel_loop3A_100] : memref<16384xf32, #tpu.memory_space<vmem>>[vector<16xi32>], vector<16xf32>,
      %parallel_loop3A_104 = tpu.vector_load_idx %arg11[%parallel_loop3A_100] : memref<16384xf32, #tpu.memory_space<vmem>>[vector<16xi32>], vector<16xf32>,
      %parallel_loop3A_105 = arith.mulf %parallel_loop3A_101, %parallel_loop3A_95 : vector<16xf32>
      %parallel_loop3A_106 = arith.addf %parallel_loop3A_105, %parallel_loop3A_102 : vector<16xf32>
      %parallel_loop3A_107 = arith.mulf %parallel_loop3A_106, %parallel_loop3A_95 : vector<16xf32>
      %parallel_loop3A_108 = arith.addf %parallel_loop3A_107, %parallel_loop3A_103 : vector<16xf32>
      %parallel_loop3A_109 = arith.mulf %parallel_loop3A_108, %parallel_loop3A_95 : vector<16xf32>
      %parallel_loop3A_110 = arith.addf %parallel_loop3A_109, %parallel_loop3A_104 : vector<16xf32>
      %parallel_loop3A_111 = arith.constant 0 : i32
      %parallel_loop3A_112 = vector.broadcast %parallel_loop3A_111 : i32 to vector<16xi32>
      %parallel_loop3A_113 = arith.cmpi slt, %parallel_loop3A_97, %parallel_loop3A_112 : vector<16xi32>
      %parallel_loop3A_114 = arith.select %parallel_loop3A_113, %broadcast_in_dim3A_43, %parallel_loop3A_110 : vector<16xi1>, vector<16xf32>
      %parallel_loop3A_115 = arith.addf %parallel_loop3A_89, %parallel_loop3A_114 : vector<16xf32>
      scf.yield %parallel_loop3A_115 : vector<16xf32>
    } {sc.loop_unroll_factor = 4 : i64, sc.parallel_access}
    %mul3A_59 = arith.constant 5.000000e-01 : f32
    %mul3A_60 = vector.broadcast %mul3A_59 : f32 to vector<16xf32>
    %mul3A_61 = arith.mulf %mul3A_60, %parallel_loop3A_58 : vector<16xf32>
    %swap3A_62 = arith.constant 16 : index
    %swap3A_63 = tpu.vector_load %arg12[%swap3A_62] {strides = array<i32>} : memref<64xf32, #tpu.memory_space<vmem>>, vector<16xf32>,
    tpu.vector_store %arg12[%swap3A_62], %mul3A_61 {strides = array<i32>} : memref<64xf32, #tpu.memory_space<vmem>>, vector<16xf32>,
    %broadcast_in_dim3A_64 = arith.constant 0.000000e+00 : f32
    %broadcast_in_dim3A_65 = vector.broadcast %broadcast_in_dim3A_64 : f32 to vector<16xf32>
    %parallel_loop3A_66 = arith.constant 0 : i32
    %parallel_loop3A_67 = arith.constant 64 : i32
    %parallel_loop3A_68 = arith.constant 1 : i32
    %parallel_loop3A_69 = scf.for %parallel_loop3A_88 = %parallel_loop3A_66 to %parallel_loop3A_67 step %parallel_loop3A_68 iter_args(%parallel_loop3A_89 = %broadcast_in_dim3A_65) -> (vector<16xf32>)  : i32 {
      %parallel_loop3A_90 = arith.constant 64 : i32
      %parallel_loop3A_91 = arith.muli %parallel_loop3A_88, %parallel_loop3A_90 : i32
      %parallel_loop3A_92 = arith.constant 32 : i32
      %parallel_loop3A_93 = arith.addi %parallel_loop3A_91, %parallel_loop3A_92 : i32
      %parallel_loop3A_94 = arith.index_cast %parallel_loop3A_93 : i32 to index
      %parallel_loop3A_95 = tpu.vector_load %arg6[%parallel_loop3A_94] {strides = array<i32>} : memref<4096xf32, #tpu.memory_space<vmem>>, vector<16xf32>,
      %parallel_loop3A_96 = arith.index_cast %parallel_loop3A_93 : i32 to index
      %parallel_loop3A_97 = tpu.vector_load %arg7[%parallel_loop3A_96] {strides = array<i32>} : memref<4096xi32, #tpu.memory_space<vmem>>, vector<16xi32>,
      %parallel_loop3A_98 = arith.constant 0 : i32
      %parallel_loop3A_99 = vector.broadcast %parallel_loop3A_98 : i32 to vector<16xi32>
      %parallel_loop3A_100 = arith.maxsi %parallel_loop3A_97, %parallel_loop3A_99 : vector<16xi32>
      %parallel_loop3A_101 = tpu.vector_load_idx %arg8[%parallel_loop3A_100] : memref<16384xf32, #tpu.memory_space<vmem>>[vector<16xi32>], vector<16xf32>,
      %parallel_loop3A_102 = tpu.vector_load_idx %arg9[%parallel_loop3A_100] : memref<16384xf32, #tpu.memory_space<vmem>>[vector<16xi32>], vector<16xf32>,
      %parallel_loop3A_103 = tpu.vector_load_idx %arg10[%parallel_loop3A_100] : memref<16384xf32, #tpu.memory_space<vmem>>[vector<16xi32>], vector<16xf32>,
      %parallel_loop3A_104 = tpu.vector_load_idx %arg11[%parallel_loop3A_100] : memref<16384xf32, #tpu.memory_space<vmem>>[vector<16xi32>], vector<16xf32>,
      %parallel_loop3A_105 = arith.mulf %parallel_loop3A_101, %parallel_loop3A_95 : vector<16xf32>
      %parallel_loop3A_106 = arith.addf %parallel_loop3A_105, %parallel_loop3A_102 : vector<16xf32>
      %parallel_loop3A_107 = arith.mulf %parallel_loop3A_106, %parallel_loop3A_95 : vector<16xf32>
      %parallel_loop3A_108 = arith.addf %parallel_loop3A_107, %parallel_loop3A_103 : vector<16xf32>
      %parallel_loop3A_109 = arith.mulf %parallel_loop3A_108, %parallel_loop3A_95 : vector<16xf32>
      %parallel_loop3A_110 = arith.addf %parallel_loop3A_109, %parallel_loop3A_104 : vector<16xf32>
      %parallel_loop3A_111 = arith.constant 0 : i32
      %parallel_loop3A_112 = vector.broadcast %parallel_loop3A_111 : i32 to vector<16xi32>
      %parallel_loop3A_113 = arith.cmpi slt, %parallel_loop3A_97, %parallel_loop3A_112 : vector<16xi32>
      %parallel_loop3A_114 = arith.select %parallel_loop3A_113, %broadcast_in_dim3A_43, %parallel_loop3A_110 : vector<16xi1>, vector<16xf32>
      %parallel_loop3A_115 = arith.addf %parallel_loop3A_89, %parallel_loop3A_114 : vector<16xf32>
      scf.yield %parallel_loop3A_115 : vector<16xf32>
    } {sc.loop_unroll_factor = 4 : i64, sc.parallel_access}
    %mul3A_70 = arith.constant 5.000000e-01 : f32
    %mul3A_71 = vector.broadcast %mul3A_70 : f32 to vector<16xf32>
    %mul3A_72 = arith.mulf %mul3A_71, %parallel_loop3A_69 : vector<16xf32>
    %swap3A_73 = arith.constant 32 : index
    %swap3A_74 = tpu.vector_load %arg12[%swap3A_73] {strides = array<i32>} : memref<64xf32, #tpu.memory_space<vmem>>, vector<16xf32>,
    tpu.vector_store %arg12[%swap3A_73], %mul3A_72 {strides = array<i32>} : memref<64xf32, #tpu.memory_space<vmem>>, vector<16xf32>,
    %broadcast_in_dim3A_75 = arith.constant 0.000000e+00 : f32
    %broadcast_in_dim3A_76 = vector.broadcast %broadcast_in_dim3A_75 : f32 to vector<16xf32>
    %parallel_loop3A_77 = arith.constant 0 : i32
    %parallel_loop3A_78 = arith.constant 64 : i32
    %parallel_loop3A_79 = arith.constant 1 : i32
    %parallel_loop3A_80 = scf.for %parallel_loop3A_88 = %parallel_loop3A_77 to %parallel_loop3A_78 step %parallel_loop3A_79 iter_args(%parallel_loop3A_89 = %broadcast_in_dim3A_76) -> (vector<16xf32>)  : i32 {
      %parallel_loop3A_90 = arith.constant 64 : i32
      %parallel_loop3A_91 = arith.muli %parallel_loop3A_88, %parallel_loop3A_90 : i32
      %parallel_loop3A_92 = arith.constant 48 : i32
      %parallel_loop3A_93 = arith.addi %parallel_loop3A_91, %parallel_loop3A_92 : i32
      %parallel_loop3A_94 = arith.index_cast %parallel_loop3A_93 : i32 to index
      %parallel_loop3A_95 = tpu.vector_load %arg6[%parallel_loop3A_94] {strides = array<i32>} : memref<4096xf32, #tpu.memory_space<vmem>>, vector<16xf32>,
      %parallel_loop3A_96 = arith.index_cast %parallel_loop3A_93 : i32 to index
      %parallel_loop3A_97 = tpu.vector_load %arg7[%parallel_loop3A_96] {strides = array<i32>} : memref<4096xi32, #tpu.memory_space<vmem>>, vector<16xi32>,
      %parallel_loop3A_98 = arith.constant 0 : i32
      %parallel_loop3A_99 = vector.broadcast %parallel_loop3A_98 : i32 to vector<16xi32>
      %parallel_loop3A_100 = arith.maxsi %parallel_loop3A_97, %parallel_loop3A_99 : vector<16xi32>
      %parallel_loop3A_101 = tpu.vector_load_idx %arg8[%parallel_loop3A_100] : memref<16384xf32, #tpu.memory_space<vmem>>[vector<16xi32>], vector<16xf32>,
      %parallel_loop3A_102 = tpu.vector_load_idx %arg9[%parallel_loop3A_100] : memref<16384xf32, #tpu.memory_space<vmem>>[vector<16xi32>], vector<16xf32>,
      %parallel_loop3A_103 = tpu.vector_load_idx %arg10[%parallel_loop3A_100] : memref<16384xf32, #tpu.memory_space<vmem>>[vector<16xi32>], vector<16xf32>,
      %parallel_loop3A_104 = tpu.vector_load_idx %arg11[%parallel_loop3A_100] : memref<16384xf32, #tpu.memory_space<vmem>>[vector<16xi32>], vector<16xf32>,
      %parallel_loop3A_105 = arith.mulf %parallel_loop3A_101, %parallel_loop3A_95 : vector<16xf32>
      %parallel_loop3A_106 = arith.addf %parallel_loop3A_105, %parallel_loop3A_102 : vector<16xf32>
      %parallel_loop3A_107 = arith.mulf %parallel_loop3A_106, %parallel_loop3A_95 : vector<16xf32>
      %parallel_loop3A_108 = arith.addf %parallel_loop3A_107, %parallel_loop3A_103 : vector<16xf32>
      %parallel_loop3A_109 = arith.mulf %parallel_loop3A_108, %parallel_loop3A_95 : vector<16xf32>
      %parallel_loop3A_110 = arith.addf %parallel_loop3A_109, %parallel_loop3A_104 : vector<16xf32>
      %parallel_loop3A_111 = arith.constant 0 : i32
      %parallel_loop3A_112 = vector.broadcast %parallel_loop3A_111 : i32 to vector<16xi32>
      %parallel_loop3A_113 = arith.cmpi slt, %parallel_loop3A_97, %parallel_loop3A_112 : vector<16xi32>
      %parallel_loop3A_114 = arith.select %parallel_loop3A_113, %broadcast_in_dim3A_43, %parallel_loop3A_110 : vector<16xi1>, vector<16xf32>
      %parallel_loop3A_115 = arith.addf %parallel_loop3A_89, %parallel_loop3A_114 : vector<16xf32>
      scf.yield %parallel_loop3A_115 : vector<16xf32>
    } {sc.loop_unroll_factor = 4 : i64, sc.parallel_access}
    %mul3A_81 = arith.constant 5.000000e-01 : f32
    %mul3A_82 = vector.broadcast %mul3A_81 : f32 to vector<16xf32>
    %mul3A_83 = arith.mulf %mul3A_82, %parallel_loop3A_80 : vector<16xf32>
    %swap3A_84 = arith.constant 48 : index
    %swap3A_85 = tpu.vector_load %arg12[%swap3A_84] {strides = array<i32>} : memref<64xf32, #tpu.memory_space<vmem>>, vector<16xf32>,
    tpu.vector_store %arg12[%swap3A_84], %mul3A_83 {strides = array<i32>} : memref<64xf32, #tpu.memory_space<vmem>>, vector<16xf32>,
    %mul3A_86 = arith.constant 64 : i32
    %mul3A_87 = arith.muli %add3A, %mul3A_86 : i32
    "tpu.region"() ({
      %run_scoped3A = tpu.sem_alloc : memref<!tpu.dma_semaphore, #tpu.memory_space<semaphore_mem>>
      %dma_start3A_88 = tpu.memref_slice %arg5[%mul3A_87] : memref<2048xf32, #tpu.memory_space<hbm>> -> memref<64xf32, #tpu.memory_space<hbm>>
      %dma_start3A_89 = tpu.memref_slice %arg5[%mul3A_87] : memref<2048xf32, #tpu.memory_space<hbm>> -> memref<64xf32, #tpu.memory_space<hbm>>
      tpu.enqueue_dma source(%arg12 : memref<64xf32, #tpu.memory_space<vmem>>) target(%dma_start3A_89 : memref<64xf32, #tpu.memory_space<hbm>>) target_semaphore(%run_scoped3A : memref<!tpu.dma_semaphore, #tpu.memory_space<semaphore_mem>>)
      %dma_wait3A_90 = tpu.memref_slice %arg5[%mul3A_87] : memref<2048xf32, #tpu.memory_space<hbm>> -> memref<64xf32, #tpu.memory_space<hbm>>
      %dma_wait3A_91 = tpu.memref_slice %arg5[%mul3A_87] : memref<2048xf32, #tpu.memory_space<hbm>> -> memref<64xf32, #tpu.memory_space<hbm>>
      tpu.wait_dma2 semaphore(%run_scoped3A : memref<!tpu.dma_semaphore, #tpu.memory_space<semaphore_mem>>) src(%arg12 : memref<64xf32, #tpu.memory_space<vmem>>) dst(%dma_wait3A_91 : memref<64xf32, #tpu.memory_space<hbm>>)
      tpu.yield
    }) : () -> ()
    return
  }
}

module attributes {stable_mosaic.version = 14 : i64} {
  func.func @_tc_phase2(%arg0: memref<1024x128xf32, #tpu.memory_space<vmem>>, %arg1: memref<1024x128xi32, #tpu.memory_space<vmem>>, %arg2: memref<1x2xf32, #tpu.memory_space<vmem>>, %arg3: memref<1024x128xf32, #tpu.memory_space<vmem>>, %arg4: memref<1024x128xi32, #tpu.memory_space<vmem>>) attributes {dimension_semantics = [], scalar_prefetch = 0 : i64, scratch_operands = 0 : i64, tpu.core_type = #tpu.core_type<tc>} {
    %get3A = arith.constant 0 : index
    %get3A_0 = arith.constant 0 : index
    %get3A_1 = vector.load %arg2[%get3A, %get3A_0] : memref<1x2xf32, #tpu.memory_space<vmem>>, vector<1x1xf32>
    %get3A_2 = vector.extract %get3A_1[0, 0] : f32 from vector<1x1xf32>
    %get3A_3 = arith.constant 0 : index
    %get3A_4 = arith.constant 1 : index
    %get3A_5 = vector.load %arg2[%get3A_3, %get3A_4] : memref<1x2xf32, #tpu.memory_space<vmem>>, vector<1x1xf32>
    %get3A_6 = vector.extract %get3A_5[0, 0] : f32 from vector<1x1xf32>
    %get3A_7 = arith.constant 0 : index
    %get3A_8 = arith.constant 0 : index
    %get3A_9 = vector.load %arg0[%get3A_7, %get3A_8] : memref<1024x128xf32, #tpu.memory_space<vmem>>, vector<1024x128xf32>
    %get3A_10 = arith.constant 0 : index
    %get3A_11 = arith.constant 0 : index
    %get3A_12 = vector.load %arg1[%get3A_10, %get3A_11] : memref<1024x128xi32, #tpu.memory_space<vmem>>, vector<1024x128xi32>
    %sqrt3A = math.sqrt %get3A_9 : vector<1024x128xf32>
    %sub3A = vector.broadcast %get3A_2 : f32 to vector<1024x128xf32>
    %sub3A_13 = arith.subf %sqrt3A, %sub3A : vector<1024x128xf32>
    %mul3A = vector.broadcast %get3A_6 : f32 to vector<1024x128xf32>
    %mul3A_14 = arith.mulf %sub3A_13, %mul3A : vector<1024x128xf32>
    %lt3A = arith.constant 0 : i32
    %lt3A_15 = vector.broadcast %lt3A : i32 to vector<1024x128xi32>
    %lt3A_16 = arith.cmpi slt, %get3A_12, %lt3A_15 : vector<1024x128xi32>
    %jit3A = arith.constant 1.025000e+03 : f32
    %broadcast_in_dim3A = vector.broadcast %jit3A : f32 to vector<1024x128xf32>
    %select_n3A = arith.select %lt3A_16, %broadcast_in_dim3A, %mul3A_14 : vector<1024x128xi1>, vector<1024x128xf32>
    %convert_element_type3A = arith.fptosi %select_n3A : vector<1024x128xf32> to vector<1024x128xi32>
    %convert_element_type3A_17 = arith.sitofp %convert_element_type3A : vector<1024x128xi32> to vector<1024x128xf32>
    %sub3A_18 = arith.subf %select_n3A, %convert_element_type3A_17 : vector<1024x128xf32>
    %jit3A_19 = arith.constant 0 : i32
    %jit3A_20 = arith.constant 1023 : i32
    %max3A = vector.broadcast %jit3A_19 : i32 to vector<1024x128xi32>
    %max3A_21 = arith.maxsi %max3A, %convert_element_type3A : vector<1024x128xi32>
    %min3A = vector.broadcast %jit3A_20 : i32 to vector<1024x128xi32>
    %min3A_22 = arith.minsi %min3A, %max3A_21 : vector<1024x128xi32>
    %le3A = arith.constant 1024 : i32
    %le3A_23 = vector.broadcast %le3A : i32 to vector<1024x128xi32>
    %le3A_24 = arith.cmpi sle, %convert_element_type3A, %le3A_23 : vector<1024x128xi32>
    %le3A_25 = arith.constant 6.000000e+00 : f32
    %le3A_26 = vector.broadcast %le3A_25 : f32 to vector<1024x128xf32>
    %le3A_27 = arith.cmpf ole, %sqrt3A, %le3A_26 : vector<1024x128xf32>
    %and3A = arith.andi %le3A_24, %le3A_27 : vector<1024x128xi1>
    %ge3A = arith.constant 0 : i32
    %ge3A_28 = vector.broadcast %ge3A : i32 to vector<1024x128xi32>
    %ge3A_29 = arith.cmpi sge, %get3A_12, %ge3A_28 : vector<1024x128xi32>
    %and3A_30 = arith.andi %and3A, %ge3A_29 : vector<1024x128xi1>
    %add3A = arith.addi %get3A_12, %min3A_22 : vector<1024x128xi32>
    %jit3A_31 = arith.constant -1 : i32
    %broadcast_in_dim3A_32 = vector.broadcast %jit3A_31 : i32 to vector<1024x128xi32>
    %select_n3A_33 = arith.select %and3A_30, %add3A, %broadcast_in_dim3A_32 : vector<1024x128xi1>, vector<1024x128xi32>
    %swap3A = arith.constant 0 : index
    %swap3A_34 = arith.constant 0 : index
    %swap3A_35 = vector.load %arg3[%swap3A, %swap3A_34] : memref<1024x128xf32, #tpu.memory_space<vmem>>, vector<1024x128xf32>
    tpu.vector_store %arg3[%swap3A, %swap3A_34], %sub3A_18 {strides = array<i32>} : memref<1024x128xf32, #tpu.memory_space<vmem>>, vector<1024x128xf32>,
    %swap3A_36 = arith.constant 0 : index
    %swap3A_37 = arith.constant 0 : index
    %swap3A_38 = vector.load %arg4[%swap3A_36, %swap3A_37] : memref<1024x128xi32, #tpu.memory_space<vmem>>, vector<1024x128xi32>
    tpu.vector_store %arg4[%swap3A_36, %swap3A_37], %select_n3A_33 {strides = array<i32>} : memref<1024x128xi32, #tpu.memory_space<vmem>>, vector<1024x128xi32>,
    return
  }
}

</mosaic_0001>

<sc_bundles>
// kernel: _pair_tab.5.cloned.1.call-start
scs
__scs_entry_jumppad:
0x0: {  	(pc) =	sbr.rel $0x88, $3  }
0x1: {  	(tag) =	ssettag $0x0;
	lr =	simm.s32 $0x1  }
0x2: {  	[smem:$0x3F9C] =	sst lr;
	_ =	strace $0xD0000000  }
0x3: {  	_ = 	snop  }
0x4: {  	_ = 	snop  }
0x5: {  	_ = 	snop  }
0x6: {  	_ = 	snop  }
0x7: {  	_ = 	snop  }
__scs_overlays_trampoline_lowered:
0x8: {  	[smem:$0x3FAB] =	sst s0  }
0x9: {  	[smem:$0x3FAC] =	sst s1  }
0xa: {  	[smem:$0x3FAD] =	sst s2  }
0xb: {  	[smem:$0x3FAE] =	sst s3  }
0xc: {  	[smem:$0x3FAF] =	sst s4  }
0xd: {  	[smem:$0x3FB0] =	sst s5  }
0xe: {  	[smem:$0x3FB1] =	sst s6  }
0xf: {  	[smem:$0x3FB2] =	sst s7  }
0x10: {  	[smem:$0x3FB3] =	sst s8  }
0x11: {  	[smem:$0x3FB4] =	sst s9;
	s0 =	simm.s32 @!p0 $0x0  }
0x12: {  	s1 =	sld [smem:$0x3F9A];
	s0 =	simm.s32 @p0 $0x1  }
0x13: {  	[smem:$0x3FB5] =	sst s0;
	s0 =	simm.s32 @!p1 $0x0  }
0x14: {  	s2 =	sld [smem:$0x3F99];
	s0 =	simm.s32 @p1 $0x1  }
0x15: {  	[smem:$0x3FB6] =	sst s0;
	s0 =	simm.s32 @!p2 $0x0  }
0x16: {  	s3 =	sld [smem:$0x3FDB];
	s0 =	simm.s32 @p2 $0x1  }
0x17: {  	s4 =	simm.s32 $0x1BF5;
	[smem:$0x3FB8] =	sst s0  }
0x18: {  	s0 =	sld [smem:$0x3F9B];
	_ =	swait.ge [sflag:s4], $0x0  }
0x19: {  	s7 =	sld [smem:$0x3F9C]  }
0x1a: {  	s8 =	sadd.s32 $0xFFFFE003, lr  }
0x1b: {  	s9 =	sadd.s32 $0xFFFFFEF7, lr;
	s5 =	simm.s32 $0xFFFFFFFF;
	p2 =	slt.u32 s8, $0xFFFFF086  }
0x1c: {  	p1 =	slt.u32 s9, $0xF7A;
	s5 =	simm.s32 @!p2 $0x0  }
0x1d: {  	s5 =	simm.s32 @p1 $0x1;
	p0 =	seq.s32 s7, s2  }
0x1e: {  	s7 =	smul.u32 @!p0 $0xF7A, s2;
	p2 =	seq.s32 @!p0 s5, $0x0  }
0x1f: {  	s9 =	smul.u32 $0xF7A, s1;
	s8 =	simm.s32 @!p0 $0x1BF5;
	p2 =	por !p2, p0  }
0x20: {  	[sflag:s8] =	ssyncset.s32 @!p0 $0xFFFFF086;
	s6 =	sadd.s32 @!p0 s3, s7;
	s7 =	simm.s32 @!p0 $0x108  }
0x21: {  	s3 =	sadd.s32 s3, s9;
	s6 =	sadd.s32 @!p0 $0x88, s6;
	s7 =	simm.s32 @p2 $0x1082  }
0x22: {  	[simem:s7], [sflag:s8] =	dma.local @!p0 [hbm:s6], $0xF7A  }
0x23: {  	s9 =	sor.u32 $0xD0000000, s2;
	s6 =	simm.s32 $0x108;
	_ =	swait.ge @!p0 [sflag:s8], $0x0  }
0x24: {  	s3 =	sadd.s32 $0x88, s3;
	s6 =	simm.s32 @!p1 $0x1082;
	[sflag:s4] =	ssyncset.s32 $0xFFFFF086  }
0x25: {  	[simem:s6], [sflag:s4] =	dma.local [hbm:s3], $0xF7A  }
0x26: {  	[smem:$0x3F9C] =	sst s1;
	(tag) =	ssettag s2;
	_ =	strace s9  }
0x27: {  	s1 =	sld [smem:$0x3FAC]  }
0x28: {  	s2 =	sld [smem:$0x3FAD]  }
0x29: {  	s4 =	sld [smem:$0x3FAF]  }
0x2a: {  	p0 =	seq.s32 s5, $0x0;
	s5 =	sld [smem:$0x3FB0]  }
0x2b: {  	s6 =	sld [smem:$0x3FB1]  }
0x2c: {  	s7 =	sld [smem:$0x3FB2]  }
0x2d: {  	s3 =	simm.s32 $0x108;
	s8 =	sld [smem:$0x3FB3]  }
0x2e: {  	s3 =	simm.s32 @!p0 $0x1082;
	s9 =	sld [smem:$0x3FB4]  }
0x2f: {  	lr =	sadd.s32 s0, s3;
	s0 =	sld [smem:$0x3FAB]  }
0x30: {  	s3 =	sld [smem:$0x3FAE]  }
0x31: {  	[smem:$0x3FB7] =	sst s10  }
0x32: {  	s10 =	sld [smem:$0x3FB5];
	_ =	sdelay $0x3  }
0x33: {  	p0 =	seq.s32 s10, $0x1;
	s10 =	sld [smem:$0x3FB7];
	_ =	sdelay $0x3  }
0x34: {  	[smem:$0x3FB7] =	sst s10  }
0x35: {  	s10 =	sld [smem:$0x3FB6];
	_ =	sdelay $0x3  }
0x36: {  	p1 =	seq.s32 s10, $0x1;
	s10 =	sld [smem:$0x3FB7];
	_ =	sdelay $0x3  }
0x37: {  	[smem:$0x3FB7] =	sst s10  }
0x38: {  	s10 =	sld [smem:$0x3FB8]  }
0x39: {  	_ = 	snop;
	(pc) =	sbr.ind lr, $3  }
0x3a: {  	_ = 	snop  }
0x3b: {  	_ = 	snop  }
0x3c: {  	p2 =	seq.s32 s10, $0x1;
	s10 =	sld [smem:$0x3FB7]  }
0x3d: {  	_ =	shalt  }
0x3e: {  	_ =	shalt  }
0x3f: {  	_ =	shalt  }
0x40: {  	_ =	shalt  }
0x41: {  	_ =	shalt  }
0x42: {  	_ =	shalt  }
0x43: {  	_ =	shalt  }
0x44: {  	_ =	shalt  }
0x45: {  	_ =	shalt  }
0x46: {  	_ =	shalt  }
0x47: {  	_ =	shalt  }
0x48: {  	_ =	shalt  }
0x49: {  	_ =	shalt  }
0x4a: {  	_ =	shalt  }
0x4b: {  	_ =	shalt  }
0x4c: {  	_ =	shalt  }
0x4d: {  	_ =	shalt  }
0x4e: {  	_ =	shalt  }
0x4f: {  	_ =	shalt  }
0x50: {  	_ =	shalt  }
0x51: {  	_ =	shalt  }
0x52: {  	_ =	shalt  }
0x53: {  	_ =	shalt  }
0x54: {  	_ =	shalt  }
0x55: {  	_ =	shalt  }
0x56: {  	_ =	shalt  }
0x57: {  	_ =	shalt  }
0x58: {  	_ =	shalt  }
0x59: {  	_ =	shalt  }
0x5a: {  	_ =	shalt  }
0x5b: {  	_ =	shalt  }
0x5c: {  	_ =	shalt  }
0x5d: {  	_ =	shalt  }
0x5e: {  	_ =	shalt  }
0x5f: {  	_ =	shalt  }
0x60: {  	_ =	shalt  }
0x61: {  	_ =	shalt  }
0x62: {  	_ =	shalt  }
0x63: {  	_ =	shalt  }
0x64: {  	_ =	shalt  }
0x65: {  	_ =	shalt  }
0x66: {  	_ =	shalt  }
0x67: {  	_ =	shalt  }
0x68: {  	_ =	shalt  }
0x69: {  	_ =	shalt  }
0x6a: {  	_ =	shalt  }
0x6b: {  	_ =	shalt  }
0x6c: {  	_ =	shalt  }
0x6d: {  	_ =	shalt  }
0x6e: {  	_ =	shalt  }
0x6f: {  	_ =	shalt  }
0x70: {  	_ =	shalt  }
0x71: {  	_ =	shalt  }
0x72: {  	_ =	shalt  }
0x73: {  	_ =	shalt  }
0x74: {  	_ =	shalt  }
0x75: {  	_ =	shalt  }
0x76: {  	_ =	shalt  }
0x77: {  	_ =	shalt  }
0x78: {  	_ =	shalt  }
0x79: {  	_ =	shalt  }
0x7a: {  	_ =	shalt  }
0x7b: {  	_ =	shalt  }
0x7c: {  	_ =	shalt  }
0x7d: {  	_ =	shalt  }
0x7e: {  	_ =	shalt  }
0x7f: {  	_ =	shalt  }
0x80: {  	_ =	shalt  }
0x81: {  	_ =	shalt  }
0x82: {  	_ =	shalt  }
0x83: {  	_ =	shalt  }
0x84: {  	_ =	shalt  }
0x85: {  	_ =	shalt  }
0x86: {  	_ =	shalt  }
0x87: {  	_ =	shalt  }
.Lfunc_end0:
.L_simem_size_0:
called_computation_lowered:
.L_overlay_start_0:
0x88: {  	s2 =	sld [smem:$0x3FD9]  }
0x89: {  	s3 =	sld [smem:$0x3FFE];
	_ =	sdelay $0x1  }
0x8a: {  	s1 =	srdreg.scid  }
0x8b: {  	s0 =	sand.u32 $0x1, s1  }
0x8c: {  	s17 =	sshll.u32 s0, $0xA;
	s2 =	sadd.s32 s3, s2  }
0x8d: {  	s2 =	sadd.s32 s2, s17  }
0x8e: {  	[smem:$0x3FC3] =	sst s2  }
0x8f: {  	_ = 	snop  }
0x90: {  	s2 =	sld [smem:$0x3FC9]  }
0x91: {  	s18 =	sld [smem:$0x3FC8]  }
0x92: {  	s4 =	sld [smem:$0x3FC7];
	(tm) =	ssettm $0x1  }
0x93: {  	s5 =	sld [smem:$0x3FFB];
	_ =	sdelay $0x3  }
0x94: {  	_ =	strace s5  }
0x95: {  	s5 =	sld [smem:$0x3FFC];
	_ =	sdelay $0x3  }
0x96: {  	_ =	strace s5  }
0x97: {  	s5 =	sld [smem:$0x3FFD];
	_ =	sdelay $0x3  }
0x98: {  	_ =	strace s5  }
0x99: {  	_ =	strace $0x8FFFFFFF  }
0x9a: {  	s19 =	sld [smem:$0x3FDB];
	_ =	sdelay $0x1  }
0x9b: {  	s6 =	simm.s32 $_scs_section_size  }
0x9c: {  	s7 =	simm.s32 $_size__tile_overlayer_lowered;
	s8 =	simm.s32 $_tile_overlayer_lowered  }
0x9d: {  	s22 =	simm.s32 $0x1BFF;
	s21 =	sshll.u32 s8, $0x1;
	s5 =	sadd.s32 s6, s19  }
0x9e: {  	s9 =	simm.s32 $0x0;
	s20 =	sshll.u32 s7, $0x1;
	s7 =	sadd.s32 s21, s5  }
0x9f: {  	[timem:s9], [sflag:s22] =	dma.local [hbm:s7], s20  }
0xa0: {  	_ =	swait.ge [sflag:s22], s20  }
0xa1: {  	s6 =	ssub.s32 $0x0, s20;
	[sflag:s22] =	ssyncset.done $0x0  }
0xa2: {  	[sflag:s22] =	ssyncadd.s32 s6;
	_ =	sdelay $0x1  }
0xa3: {  	s23 =	simm.s32 $0x1B8B  }
0xa4: {  	_ =	swait.ge [sflag:s23], $0x1  }
0xa5: {  	[sflag:s23] =	ssyncset.done $0x0  }
0xa6: {  	s25 =	simm.s32 $0x1B8E;
	s24 =	sld [smem:$0x3FFE];
	[sflag:s23] =	ssyncadd.s32 $0xFFFFFFFF  }
0xa7: {  	s26 =	simm.s32 $execute0_lowered;
	[smem:$0x3FD2] =	sst s25  }
0xa8: {  	s7 =	sshll.u32 s26, $0x1;
	_ =	strace $0x80000046;
	[dreg:$0x1] =	wrdreg $0xFFFFFFFF  }
0xa9: {  	s28 =	simm.s32 $_size_execute0_lowered;
	s5 =	sadd.s32 s5, s7;
	[dreg:$0x0] =	wrdreg $0x0  }
0xaa: {  	s7 =	sshll.u32 s28, $0x1;
	[dreg:$0x2] =	wrdreg s5  }
0xab: {  	[dreg:$0x3] =	wrdreg s7  }
0xac: {  	[dreg:$0x4] =	wrdreg $0xC0  }
0xad: {  	_ =	task [dreg:s9], $0x5FFFF  }
0xae: {  	[dreg:$0x1] =	wrdreg $0xFFFFFFFF  }
0xaf: {  	[dreg:$0x0] =	wrdreg $0x60  }
0xb0: {  	[dreg:$0x2] =	wrdreg s2  }
0xb1: {  	[dreg:$0x3] =	wrdreg s18  }
0xb2: {  	[dreg:$0x4] =	wrdreg s4  }
0xb3: {  	[dreg:$0x5] =	wrdreg s24  }
0xb4: {  	[dreg:$0x6] =	wrdreg $0x9  }
0xb5: {  	_ =	task.clear_ibuf [dreg:s9], $0x7FFFF;
	_ =	strace $0x90000046  }
0xb6: {  	s29 =	simm.s32 $0x9;
	_ =	strace $0x80000048  }
0xb7: {  	_ =	swait.ge [sflag:s29], $0x1  }
0xb8: {  	[sflag:s29] =	ssyncadd.s32 $0xFFFFFFFF  }
0xb9: {  	_ =	strace $0x90000048  }
0xba: {  	_ =	sfence  }
0xbb: {  	s30 =	sld [smem:$0x0];
	_ =	sdelay $0x2  }
0xbc: {  	s31 =	sshll.u32 s1, $0xD;
	s1 =	sshrl.u32 s1, $0x2  }
0xbd: {  	s3 =	sand.u32 $0x4000, s31;
	s1 =	sadd.s32 s1, s30  }
0xbe: {  	s0 =	sor.u32 s3, s0;
	s1 =	sshll.u32 s1, $0x11  }
0xbf: {  	s0 =	sor.u32 s1, s0  }
0xc0: {  	s0 =	sadd.s32 $0x8F2B, s0  }
0xc1: {  	[sflag:s0] =	ssyncadd.remote.s32 $0x1  }
0xc2: {  	_ =	sfence.sel $0xFFFF  }
0xc3: {  	[dreg:$0x0] =	wrdreg $0xFFFFFFFF;
	(pc) =	sbr.abs _section_cstart, $3  }
0xc4: {  	[dreg:$0x1] =	wrdreg $0xFFFFFFFF  }
0xc5: {  	_ =	task.clear_ibuf [dreg:s9], $0x2FFFF;
	_ =	strace $0x9FFFFFFF  }
0xc6: {  	(tm) =	ssettm $0x7FFFFFFF  }
0xc7: {  	_ =	shalt  }
tec
execute0_lowered:
.L_overlay_start_1:
0x0: {  	(tag) =	ssettag $0x1  }
0x1: {  	s4 =	rddreg [dreg:$0x0]  }
0x2: {  	s7 =	rddreg [dreg:$0x1]  }
0x3: {  	s3 =	rddreg [dreg:$0x2]  }
0x4: {  	s5 =	rddreg [dreg:$0x3]  }
0x5: {  	s0 =	rddreg [dreg:$0x4]  }
0x6: {  	s2 =	simm.s32 $0x0;
	s6 =	srdreg.scid;
	s1 =	stileid.u32  }
0x7: {  	s17 =	simm.s32 $0x3000;
	s18 =	simm.s32 $0x0;
	[smem:$0x7FF] =	sst s2  }
0x8: {  	s6 =	sand.u32 $0x1, s6;
	s8 =	sshll.u32 s1, $0x1;
	s11 =	sshll.u32 s1, $0x5  }
0x9: {  	_ =	strace $0x80000047;
	s8 =	sor.u32 s6, s8;
	s6 =	ssub.s32 $0x2, s6  }
0xa: {  	s11 =	sand.u32 $0x180, s11;
	s9 =	sshll.u32 s8, $0x9;
	s10 =	sshrl.u32 s6, $0x1  }
0xb: {  	s4 =	sadd.s32 s4, s11;
	s8 =	sshll.u32 s8, $0x6;
	s7 =	sadd.s32 s7, s11  }
0xc: {  	s11 =	simm.s32 $0x1000;
	s12 =	sadd.s32 s9, s5;
	s10 =	ssub.s32 s6, s10  }
0xd: {  	v4 =	vlaneseq.u32;
	s3 =	sadd.s32 s3, s9;
	s5 =	sadd.s32 $0x200, s4;
	s13 =	sand.u32 $0x1C0, s8  }
0xe: {  	v0 =	vmul.u32 $0x40, v4;
	s6 =	sadd.s32 $0x400, s4;
	s14 =	sor.u32 $0x10, s13;
	s15 =	sor.u32 $0x20, s13  }
0xf: {  	s16 =	sor.u32 $0x30, s13;
	s8 =	sadd.s32 $0x1800, s12;
	s9 =	sadd.s32 $0x5800, s12  }
0x10: {  	v5 =	vor.u32 $0x400, v0;
	v6 =	vor.u32 $0x800, v0;
	s10 =	smax.u32 s10, $0x1;
	s12 =	simm.s32 $0x400;
	v1 =	vor.u32 s13, v4;
	s13 =	simm.s32 $0x800  }
0x11: {  	v2 =	vor.u32 s14, v4;
	v3 =	vor.u32 s15, v4;
	s14 =	simm.s32 $0xC00;
	s15 =	simm.s32 $0x1;
	v4 =	vor.u32 s16, v4;
	s16 =	simm.s32 $0x2000  }
.LBB2_1:
0x12: {  	[tilespmem:s11], [sflag:$0x1] =	stream.linear.gather [hbm4b:s3+s2], $0x1000, $0x38;
	[tilespmem:$0x4000] =	vst v63  }
0x13: {  	_ = 	snop  }
0x14: {  	[tilespmem:s2], [sflag:$0x1] =	stream.linear.gather [hbm4b:s4+s2], $0x400, $0x38;
	[tilespmem:$0x4000] =	vst v63  }
0x15: {  	_ = 	snop  }
0x16: {  	[tilespmem:s12], [sflag:$0x1] =	stream.linear.gather [hbm4b:s5+s2], $0x400, $0x38;
	[tilespmem:$0x4000] =	vst v63  }
0x17: {  	_ = 	snop  }
0x18: {  	[tilespmem:s13], [sflag:$0x1] =	stream.linear.gather [hbm4b:s6+s2], $0x400, $0x38;
	[tilespmem:$0x4000] =	vst v63  }
0x19: {  	_ = 	snop  }
0x1a: {  	[tilespmem:s14], [sflag:$0x1] =	stream.linear.gather [hbm4b:s7+s2], $0x400, $0x38;
	[tilespmem:$0x4000] =	vst v63  }
0x1b: {  	_ =	swait.ge [sflag:s15], $0x1000  }
0x1c: {  	[sflag:s15] =	ssyncset.done $0x0  }
0x1d: {  	[sflag:s15] =	ssyncadd.s32 $0xFFFFF000  }
0x1e: {  	_ =	swait.ge [sflag:s15], $0x400  }
0x1f: {  	[sflag:s15] =	ssyncset.done $0x0  }
0x20: {  	[sflag:s15] =	ssyncadd.s32 $0xFFFFFC00  }
0x21: {  	_ =	swait.ge [sflag:s15], $0x400  }
0x22: {  	[sflag:s15] =	ssyncset.done $0x0  }
0x23: {  	[sflag:s15] =	ssyncadd.s32 $0xFFFFFC00  }
0x24: {  	s19 =	simm.s32 $0x3;
	_ =	swait.ge [sflag:s15], $0x400  }
0x25: {  	s20 =	simm.s32 $0x1;
	v7 =	vor.u32 s19, v0;
	[sflag:s15] =	ssyncset.done $0x0  }
0x26: {  	v8 =	vor.u32 s20, v0;
	[sflag:s15] =	ssyncadd.s32 $0xFFFFFC00  }
0x27: {  	_ =	swait.ge [sflag:s15], $0x400  }
0x28: {  	[sflag:s15] =	ssyncset.done $0x0  }
0x29: {  	[sflag:s15] =	ssyncadd.s32 $0xFFFFFC00  }
0x2a: {  	v15 =	vld.idx.msk [tilespmem:v7+s11+$0x0], $0xffff  }
0x2b: {  	v7 =	vor.u32 s2, v0;
	v17 =	vld.idx.msk [tilespmem:v8+s11+$0x0], $0xffff  }
0x2c: {  	s26 =	simm.s32 $0x2  }
0x2d: {  	s28 =	simm.s32 $0x7;
	v11 =	vor.u32 s26, v0  }
0x2e: {  	v12 =	vor.u32 s28, v0;
	v8 =	vld.idx.msk [tilespmem:v1+s2+$0x0], $0xffff  }
0x2f: {  	v9 =	vld.idx.msk [tilespmem:v1+s12+$0x0], $0xffff;
	vm0 =	vgt.s32 v15, $0x0  }
0x30: {  	v27 =	vld.idx.msk [tilespmem:v7+s11+$0x0], $0xffff;
	vm1 =	vgt.s32 v17, $0x0;
	v13 =	vnsel vm0, $0x0, v15  }
0x31: {  	v10 =	vld.idx.msk [tilespmem:v1+s13+$0x0], $0xffff;
	v14 =	vnsel vm1, $0x0, v17  }
0x32: {  	v16 =	vld.idx.msk [tilespmem:v11+s11+$0x0], $0xffff  }
0x33: {  	v12 =	vld.idx.msk [tilespmem:v12+s11+$0x0], $0xffff  }
0x34: {  	v7 =	vld.idx.msk [tilespmem:v1+s14+$0x0], $0xffff  }
0x35: {  	vm0 =	vgt.s32 v27, $0x0;
	v18 =	vld.idx.msk [tilespmem:v13+s12+$0x0], $0xffff  }
0x36: {  	v19 =	vnsel vm0, $0x0, v27;
	v20 =	vld.idx.msk [tilespmem:v14+s13+$0x0], $0xffff  }
0x37: {  	s29 =	simm.s32 $0x5;
	v11 =	vld.idx.msk [tilespmem:v13+s2+$0x0], $0xffff  }
0x38: {  	v22 =	vor.u32 s29, v0;
	v21 =	vld.idx.msk [tilespmem:v14+s12+$0x0], $0xffff  }
0x39: {  	v23 =	vld.idx.msk [tilespmem:v14+s2+$0x0], $0xffff;
	vm0 =	vgt.s32 v16, $0x0  }
0x3a: {  	s30 =	simm.s32 $0x4;
	v24 =	vld.idx.msk [tilespmem:v13+s13+$0x0], $0xffff;
	v28 =	vnsel vm0, $0x0, v16  }
0x3b: {  	v30 =	vor.u32 s30, v0;
	v25 =	vld.idx.msk [tilespmem:v19+s2+$0x0], $0xffff  }
0x3c: {  	s31 =	simm.s32 $0x6;
	v29 =	vld.idx.msk [tilespmem:v19+s13+$0x0], $0xffff  }
0x3d: {  	v32 =	vor.u32 s31, v0;
	v31 =	vsub.f32 v8, v11;
	v11 =	vld.idx.msk [tilespmem:v22+s11+$0x0], $0xffff;
	v18 =	vsub.f32 v9, v18  }
0x3e: {  	vm2 =	vgt.s32 v12, $0x0;
	v33 =	vsub.f32 v9, v21;
	v20 =	vsub.f32 v10, v20;
	v36 =	vld.idx.msk [tilespmem:v19+s12+$0x0], $0xffff  }
0x3f: {  	vm1 =	veq.s32 v15, $0xFFFFFFFF;
	v35 =	vsub.f32 v8, v23;
	v23 =	vsub.f32 v10, v24;
	v34 =	vld.idx.msk [tilespmem:v28+s13+$0x0], $0xffff  }
0x40: {  	vm0 =	veq.s32 v17, $0xFFFFFFFF;
	v17 =	vld.idx.msk [tilespmem:v30+s11+$0x0], $0xffff;
	v37 =	vmul.f32 v18, v18;
	v22 =	vmul.f32 v20, v20  }
0x41: {  	v7 =	vshll.u32 v7, $0xC;
	v26 =	vld.idx.msk [tilespmem:v28+s12+$0x0], $0xffff;
	v20 =	vmul.f32 v23, v23;
	v30 =	vmul.f32 v33, v33  }
0x42: {  	v15 =	vld.idx.msk [tilespmem:v32+s11+$0x0], $0xffff;
	v63 =	vmul.f32 v31, v31;
	v32 =	vmul.f32 v35, v35;
	v18 =	vsub.f32 v8, v25  }
0x43: {  	v24 =	vld.idx.msk [tilespmem:v28+s2+$0x0], $0xffff;
	v21 =	vsub.f32 v10, v29;
	vm3 =	vgt.s32 v11, $0x0;
	v31 =	vsub.f32 v9, v36  }
0x44: {  	s21 =	simm.s32 $0x3080;
	s22 =	simm.s32 $0x2080;
	v25 =	vld.idx.msk [tilespmem:v19+s14+$0x0], $0xffff;
	v19 =	vnsel vm3, $0x0, v11;
	v29 =	vsub.f32 v10, v34;
	v23 =	vmul.f32 v18, v18  }
0x45: {  	s23 =	simm.s32 $0x8;
	s19 =	simm.s32 $0x3180;
	s20 =	simm.s32 $0x2180;
	v18 =	vnsel vm2, $0x0, v12;
	vm2 =	veq.s32 v27, $0xFFFFFFFF;
	v27 =	vld.idx.msk [tilespmem:v28+s14+$0x0], $0xffff;
	v28 =	vadd.f32 v37, v63  }
.LBB2_2:
0x46: {  	s24 =	sadd.s32 $0x1, s23;
	s25 =	sadd.s32 $0x2, s23;
	s26 =	sadd.s32 $0x3, s23;
	v33 =	vld.idx.msk [tilespmem:v14+s14+$0x0], $0xffff;
	v30 =	vadd.f32 v30, v32;
	v26 =	vsub.f32 v9, v26;
	vm3 =	veq.s32 v16, $0xFFFFFFFF;
	v14 =	vmovc v19  }
0x47: {  	p0 =	slt.u32 s23, $0x3C;
	v32 =	vor.u32 s24, v0;
	v34 =	vor.u32 s25, v0;
	v16 =	vmul.f32 v31, v31;
	v31 =	vld.idx.msk [tilespmem:v13+s14+$0x0], $0xffff;
	v13 =	vmovc v18;
	s24 =	smov.u32 s23;
	s23 =	sadd.s32 $0x4, s23  }
0x48: {  	v24 =	vsub.f32 v8, v24;
	v35 =	vor.u32 s26, v0;
	vm4 =	vgt.s32 v17, $0x0;
	v37 =	vmovc v17;
	v36 =	vld.idx.msk [tilespmem:v18+s12+$0x0], $0xffff  }
0x49: {  	v38 =	vnsel vm4, $0x0, v37;
	v17 =	vld.idx.msk [tilespmem:v19+s13+$0x0], $0xffff;
	v19 =	vadd.f32 v22, v30;
	v22 =	vmul.f32 v29, v29  }
0x4a: {  	v21 =	vmul.f32 v21, v21;
	v26 =	vmul.f32 v26, v26;
	v23 =	vadd.f32 v16, v23;
	v18 =	vld.idx.msk [tilespmem:v18+s2+$0x0], $0xffff  }
0x4b: {  	v20 =	vadd.f32 v20, v28;
	v25 =	vshll.u32 v25, $0xA;
	v29 =	vld.idx.msk [tilespmem:v14+s12+$0x0], $0xffff;
	[tilespmem:s22+$0xFFFFFFC0] =	vst v19;
	v19 =	vshll.u32 v27, $0xA;
	v16 =	vmovc v15  }
0x4c: {  	v27 =	vshll.u32 v33, $0xA;
	v15 =	vld.idx.msk [tilespmem:v14+s2+$0x0], $0xffff;
	vm4 =	vgt.s32 v16, $0x0;
	v19 =	vadd.s32 v7, v19  }
0x4d: {  	v25 =	vadd.s32 v7, v25;
	v28 =	vnsel vm4, $0x0, v16;
	v30 =	vld.idx.msk [tilespmem:v13+s13+$0x0], $0xffff;
	v19 =	vsel vm3, $0xFFFFFFFF, v19;
	[tilespmem:s22+$0x40] =	vst v20  }
0x4e: {  	v24 =	vmul.f32 v24, v24;
	v33 =	vor.u32 s24, v0;
	v31 =	vshll.u32 v31, $0xA;
	v20 =	vld.idx.msk [tilespmem:v38+s2+$0x0], $0xffff  }
0x4f: {  	v21 =	vadd.f32 v21, v23;
	v23 =	vsel vm2, $0xFFFFFFFF, v25;
	v25 =	vadd.s32 v7, v27;
	v39 =	vld.idx.msk [tilespmem:v38+s13+$0x0], $0xffff  }
0x50: {  	v27 =	vld.idx.msk [tilespmem:v35+s11+$0x0], $0xffff;
	v35 =	vsub.f32 v8, v18;
	v18 =	vadd.f32 v26, v24;
	v24 =	vadd.s32 v7, v31  }
0x51: {  	v29 =	vsub.f32 v9, v29;
	v26 =	vsub.f32 v9, v36;
	v31 =	vld.idx.msk [tilespmem:v32+s11+$0x0], $0xffff;
	[tilespmem:s22+$0xFFFFFF80] =	vst v21;
	v21 =	vsel vm1, $0xFFFFFFFF, v24  }
0x52: {  	v25 =	vsel vm0, $0xFFFFFFFF, v25;
	v32 =	vsub.f32 v8, v15;
	v15 =	vsub.f32 v10, v17;
	v36 =	vld.idx.msk [tilespmem:v28+s13+$0x0], $0xffff;
	[tilespmem:s21+$0xFFFFFF80] =	vst v23  }
0x53: {  	v17 =	vsub.f32 v10, v30;
	v41 =	vmul.f32 v26, v26;
	v18 =	vadd.f32 v22, v18;
	v40 =	vld.idx.msk [tilespmem:v38+s12+$0x0], $0xffff  }
0x54: {  	vm0 =	veq.s32 v11, $0xFFFFFFFF;
	v23 =	vsub.f32 v8, v20;
	v22 =	vmul.f32 v15, v15;
	v26 =	vld.idx.msk [tilespmem:v28+s12+$0x0], $0xffff;
	[tilespmem:s21+$0x40] =	vst v21  }
.Ltmp0:
0x55: {  	vm1 =	veq.s32 v12, $0xFFFFFFFF;
	v21 =	vsub.f32 v10, v39;
	v20 =	vmul.f32 v17, v17;
	v24 =	vld.idx.msk [tilespmem:v28+s2+$0x0], $0xffff;
	[tilespmem:s22+$0x0] =	vst v18;
	s22 =	smov.u32 s20;
	(pc) =	sbr.rel @p0 .LBB2_2-.Ltmp0, $4  }
0x56: {  	v30 =	vmul.f32 v29, v29;
	vm2 =	vgt.s32 v27, $0x0;
	v23 =	vmul.f32 v23, v23;
	v17 =	vld.idx.msk [tilespmem:v33+s11+$0x0], $0xffff;
	[tilespmem:s21+$0xFFFFFFC0] =	vst v25  }
0x57: {  	v12 =	vmovc v27;
	vm3 =	vgt.s32 v31, $0x0;
	v18 =	vnsel vm2, $0x0, v27;
	v33 =	vmul.f32 v35, v35;
	v25 =	vld.idx.msk [tilespmem:v38+s14+$0x0], $0xffff;
	[tilespmem:s21+$0x0] =	vst v19;
	s21 =	smov.u32 s19  }
0x58: {  	v32 =	vmul.f32 v32, v32;
	v11 =	vmovc v31;
	v19 =	vnsel vm3, $0x0, v31;
	v29 =	vsub.f32 v10, v36;
	v15 =	vld.idx.msk [tilespmem:v34+s11+$0x0], $0xffff  }
0x59: {  	s20 =	sadd.s32 $0x100, s20;
	vm2 =	veq.s32 v37, $0xFFFFFFFF;
	s19 =	sadd.s32 $0x100, s19;
	v31 =	vsub.f32 v9, v40;
	v27 =	vld.idx.msk [tilespmem:v28+s14+$0x0], $0xffff;
	v28 =	vadd.f32 v41, v33  }
0x5a: {  	_ =	sdelay $0x3  }
0x5b: {  	v14 =	vld.idx.msk [tilespmem:v14+s14+$0x0], $0xffff  }
0x5c: {  	v30 =	vadd.f32 v30, v32;
	v13 =	vld.idx.msk [tilespmem:v13+s14+$0x0], $0xffff  }
0x5d: {  	v26 =	vsub.f32 v9, v26;
	vm4 =	veq.s32 v16, $0xFFFFFFFF;
	v16 =	vld.idx.msk [tilespmem:v18+s12+$0x0], $0xffff;
	v24 =	vsub.f32 v8, v24  }
0x5e: {  	v33 =	vld.idx.msk [tilespmem:v19+s13+$0x0], $0xffff;
	v29 =	vmul.f32 v29, v29;
	v21 =	vmul.f32 v21, v21;
	vm3 =	vgt.s32 v17, $0x0  }
0x5f: {  	v31 =	vmul.f32 v31, v31;
	v20 =	vadd.f32 v20, v28;
	v28 =	vld.idx.msk [tilespmem:v19+s2+$0x0], $0xffff;
	v59 =	vnsel vm3, $0x0, v17  }
0x60: {  	v22 =	vadd.f32 v22, v30;
	v30 =	vld.idx.msk [tilespmem:v18+s2+$0x0], $0xffff;
	v26 =	vmul.f32 v26, v26;
	v25 =	vshll.u32 v25, $0xA  }
0x61: {  	v24 =	vmul.f32 v24, v24;
	v23 =	vadd.f32 v31, v23;
	v31 =	vld.idx.msk [tilespmem:v19+s12+$0x0], $0xffff;
	vm3 =	vgt.s32 v15, $0x0  }
0x62: {  	v35 =	vld.idx.msk [tilespmem:v18+s13+$0x0], $0xffff;
	v25 =	vadd.s32 v7, v25;
	v27 =	vshll.u32 v27, $0xA;
	v34 =	vnsel vm3, $0x0, v15  }
0x63: {  	[tilespmem:s22+$0x40] =	vst v20;
	v24 =	vadd.f32 v26, v24;
	v14 =	vshll.u32 v14, $0xA;
	v27 =	vadd.s32 v7, v27  }
0x64: {  	[tilespmem:s22+$0xFFFFFFC0] =	vst v22;
	v13 =	vshll.u32 v13, $0xA;
	v21 =	vadd.f32 v21, v23;
	v23 =	vsel vm2, $0xFFFFFFFF, v25;
	v22 =	vld.idx.msk [tilespmem:v59+s2+$0x0], $0xffff  }
0x65: {  	v16 =	vsub.f32 v9, v16;
	v14 =	vadd.s32 v7, v14;
	v20 =	vsub.f32 v8, v28;
	v25 =	vld.idx.msk [tilespmem:v59+s13+$0x0], $0xffff  }
0x66: {  	v13 =	vadd.s32 v7, v13;
	v30 =	vsub.f32 v8, v30;
	v26 =	vsub.f32 v9, v31;
	v31 =	vld.idx.msk [tilespmem:v59+s12+$0x0], $0xffff  }
0x67: {  	v18 =	vld.idx.msk [tilespmem:v18+s14+$0x0], $0xffff;
	v28 =	vsub.f32 v10, v33;
	v13 =	vsel vm1, $0xFFFFFFFF, v13;
	[tilespmem:s22+$0xFFFFFF80] =	vst v21;
	v21 =	vsub.f32 v10, v35  }
0x68: {  	v27 =	vsel vm4, $0xFFFFFFFF, v27;
	v16 =	vmul.f32 v16, v16;
	[tilespmem:s21+$0x40] =	vst v13;
	v61 =	vld.idx.msk [tilespmem:v34+s12+$0x0], $0xffff;
	v13 =	vmul.f32 v30, v30  }
0x69: {  	v24 =	vadd.f32 v29, v24;
	v14 =	vsel vm0, $0xFFFFFFFF, v14;
	v20 =	vmul.f32 v20, v20;
	v29 =	vld.idx.msk [tilespmem:v34+s2+$0x0], $0xffff  }
0x6a: {  	v60 =	vld.idx.msk [tilespmem:v34+s13+$0x0], $0xffff;
	v21 =	vmul.f32 v21, v21;
	v13 =	vadd.f32 v16, v13;
	v22 =	vsub.f32 v8, v22  }
0x6b: {  	[tilespmem:s21+$0xFFFFFF80] =	vst v23;
	v23 =	vsub.f32 v10, v25;
	v25 =	vmul.f32 v26, v26;
	v26 =	vsub.f32 v9, v31  }
0x6c: {  	vm0 =	veq.s32 v12, $0xFFFFFFFF;
	v28 =	vmul.f32 v28, v28;
	v12 =	vmul.f32 v22, v22;
	v22 =	vld.idx.msk [tilespmem:v59+s14+$0x0], $0xffff  }
0x6d: {  	[tilespmem:s22+$0x0] =	vst v24;
	v13 =	vadd.f32 v21, v13;
	v16 =	vadd.f32 v25, v20;
	v20 =	vmul.f32 v26, v26  }
0x6e: {  	vm1 =	veq.s32 v17, $0xFFFFFFFF;
	[tilespmem:s21+$0xFFFFFFC0] =	vst v14;
	v14 =	vld.idx.msk [tilespmem:v19+s14+$0x0], $0xffff;
	v9 =	vsub.f32 v9, v61;
	v8 =	vsub.f32 v8, v29  }
0x6f: {  	[tilespmem:s21+$0x0] =	vst v27;
	v10 =	vsub.f32 v10, v60;
	v17 =	vmul.f32 v23, v23;
	v12 =	vadd.f32 v20, v12  }
0x70: {  	v19 =	vld.idx.msk [tilespmem:v34+s14+$0x0], $0xffff;
	v16 =	vadd.f32 v28, v16;
	v9 =	vmul.f32 v9, v9;
	v8 =	vmul.f32 v8, v8  }
0x71: {  	[tilespmem:s20+$0x40] =	vst v13;
	v13 =	vshll.u32 v18, $0xA;
	v20 =	vshll.u32 v22, $0xA;
	v12 =	vadd.f32 v17, v12  }
0x72: {  	v10 =	vmul.f32 v10, v10;
	[tilespmem:s20+$0xFFFFFFC0] =	vst v16;
	v8 =	vadd.f32 v9, v8;
	v16 =	vadd.s32 v7, v20  }
0x73: {  	s23 =	simm.s32 $0x1;
	v13 =	vadd.s32 v7, v13;
	v9 =	vshll.u32 v14, $0xA;
	v14 =	vsel vm1, $0xFFFFFFFF, v16;
	[tilespmem:s20+$0xFFFFFF80] =	vst v12  }
0x74: {  	v8 =	vadd.f32 v10, v8;
	v10 =	vor.u32 s23, v5;
	v12 =	vsel vm0, $0xFFFFFFFF, v13;
	[tilespmem:s19+$0xFFFFFF80] =	vst v14  }
0x75: {  	v9 =	vadd.s32 v7, v9;
	vm0 =	veq.s32 v11, $0xFFFFFFFF;
	v11 =	vshll.u32 v19, $0xA;
	[tilespmem:s19+$0x40] =	vst v12  }
0x76: {  	s24 =	simm.s32 $0x2;
	vm1 =	veq.s32 v15, $0xFFFFFFFF;
	v7 =	vadd.s32 v7, v11;
	v9 =	vsel vm0, $0xFFFFFFFF, v9;
	[tilespmem:s20+$0x0] =	vst v8  }
0x77: {  	v8 =	vor.u32 s24, v5;
	v7 =	vsel vm1, $0xFFFFFFFF, v7;
	[tilespmem:s19+$0xFFFFFFC0] =	vst v9  }
0x78: {  	s25 =	simm.s32 $0x3;
	[tilespmem:s19+$0x0] =	vst v7  }
0x79: {  	v7 =	vor.u32 s25, v5;
	v13 =	vld.idx.msk [tilespmem:v10+s11+$0x0], $0xffff;
	_ =	sdelay $0x2  }
0x7a: {  	s26 =	simm.s32 $0x0;
	v18 =	vld.idx.msk [tilespmem:v8+s11+$0x0], $0xffff  }
0x7b: {  	s28 =	simm.s32 $0x6;
	v11 =	vor.u32 s26, v5;
	v10 =	vld.idx.msk [tilespmem:v2+s12+$0x0], $0xffff  }
0x7c: {  	v21 =	vld.idx.msk [tilespmem:v7+s11+$0x0], $0xffff;
	v7 =	vor.u32 s28, v5;
	vm0 =	vgt.s32 v13, $0x0  }
0x7d: {  	v9 =	vld.idx.msk [tilespmem:v2+s13+$0x0], $0xffff;
	v16 =	vnsel vm0, $0x0, v13  }
0x7e: {  	v15 =	vld.idx.msk [tilespmem:v2+s14+$0x0], $0xffff  }
0x7f: {  	v8 =	vld.idx.msk [tilespmem:v2+s26+$0x0], $0xffff;
	vm0 =	vgt.s32 v18, $0x0  }
0x80: {  	v14 =	vld.idx.msk [tilespmem:v11+s11+$0x0], $0xffff;
	v19 =	vnsel vm0, $0x0, v18  }
0x81: {  	v12 =	vld.idx.msk [tilespmem:v7+s11+$0x0], $0xffff  }
0x82: {  	v22 =	vld.idx.msk [tilespmem:v16+s13+$0x0], $0xffff  }
0x83: {  	s29 =	simm.s32 $0x5;
	v23 =	vld.idx.msk [tilespmem:v16+s12+$0x0], $0xffff  }
0x84: {  	vm0 =	vgt.s32 v21, $0x0;
	v7 =	vor.u32 s29, v5;
	v27 =	vld.idx.msk [tilespmem:v16+s2+$0x0], $0xffff  }
0x85: {  	v25 =	vnsel vm0, $0x0, v21;
	v17 =	vld.idx.msk [tilespmem:v19+s14+$0x0], $0xffff  }
0x86: {  	v11 =	vld.idx.msk [tilespmem:v19+s2+$0x0], $0xffff  }
0x87: {  	v26 =	vld.idx.msk [tilespmem:v19+s12+$0x0], $0xffff  }
0x88: {  	s30 =	simm.s32 $0x7;
	v20 =	vld.idx.msk [tilespmem:v19+s13+$0x0], $0xffff  }
0x89: {  	v31 =	vor.u32 s30, v5;
	vm0 =	vgt.s32 v14, $0x0;
	v7 =	vld.idx.msk [tilespmem:v7+s11+$0x0], $0xffff  }
0x8a: {  	v24 =	vnsel vm0, $0x0, v14;
	v29 =	vld.idx.msk [tilespmem:v25+s14+$0x0], $0xffff  }
0x8b: {  	vm1 =	veq.s32 v18, $0xFFFFFFFF;
	v62 =	vld.idx.msk [tilespmem:v25+s13+$0x0], $0xffff  }
0x8c: {  	s31 =	simm.s32 $0x4;
	vm0 =	veq.s32 v21, $0xFFFFFFFF;
	v28 =	vld.idx.msk [tilespmem:v25+s12+$0x0], $0xffff;
	v23 =	vsub.f32 v10, v23;
	v30 =	vsub.f32 v8, v11  }
0x8d: {  	v19 =	vor.u32 s31, v5;
	v63 =	vsub.f32 v10, v26;
	v26 =	vld.idx.msk [tilespmem:v25+s2+$0x0], $0xffff;
	v25 =	vsub.f32 v9, v22  }
0x8e: {  	s22 =	simm.s32 $0x3090;
	v11 =	vshll.u32 v15, $0xC;
	v15 =	vld.idx.msk [tilespmem:v31+s11+$0x0], $0xffff;
	vm2 =	vgt.s32 v7, $0x0;
	v30 =	vmul.f32 v30, v30  }
0x8f: {  	s21 =	simm.s32 $0x1C0;
	s23 =	simm.s32 $0x2090;
	s24 =	simm.s32 $0xC0;
	v22 =	vld.idx.msk [tilespmem:v24+s12+$0x0], $0xffff;
	v31 =	vmul.f32 v63, v63;
	v21 =	vmul.f32 v25, v25;
	v25 =	vshll.u32 v29, $0xA  }
0x90: {  	s20 =	simm.s32 $0x2190;
	s25 =	simm.s32 $0x8;
	s19 =	simm.s32 $0x3190;
	v18 =	vnsel vm2, $0x0, v7;
	v29 =	vld.idx.msk [tilespmem:v24+s2+$0x0], $0xffff;
	v32 =	vsub.f32 v9, v62;
	v25 =	vadd.s32 v11, v25  }
.LBB2_4:
0x91: {  	s26 =	sadd.s32 $0x1, s25;
	s28 =	sadd.s32 $0x2, s25;
	s29 =	sadd.s32 $0x3, s25;
	vm2 =	vgt.s32 v12, $0x0;
	v33 =	vld.idx.msk [tilespmem:v24+s13+$0x0], $0xffff;
	v30 =	vadd.f32 v31, v30;
	v28 =	vsub.f32 v10, v28  }
0x92: {  	p0 =	slt.u32 s25, $0x3C;
	v31 =	vor.u32 s26, v5;
	v34 =	vor.u32 s28, v5;
	v35 =	vld.idx.msk [tilespmem:v16+s14+$0x0], $0xffff;
	v32 =	vmul.f32 v32, v32;
	v16 =	vmovc v18;
	s28 =	smov.u32 s25;
	s25 =	sadd.s32 $0x4, s25  }
0x93: {  	v26 =	vsub.f32 v8, v26;
	v36 =	vor.u32 s29, v5;
	v37 =	vnsel vm2, $0x0, v12;
	s26 =	smov.u32 s22;
	s22 =	smov.u32 s19;
	v24 =	vld.idx.msk [tilespmem:v24+s14+$0x0], $0xffff  }
0x94: {  	v23 =	vmul.f32 v23, v23;
	v20 =	vsub.f32 v9, v20;
	v38 =	vld.idx.msk [tilespmem:v19+s11+$0x0], $0xffff;
	v19 =	vsub.f32 v8, v27  }
0x95: {  	v39 =	vshll.u32 v17, $0xA;
	v26 =	vmul.f32 v26, v26;
	v28 =	vmul.f32 v28, v28;
	v27 =	vld.idx.msk [tilespmem:v18+s13+$0x0], $0xffff  }
0x96: {  	vm2 =	vgt.s32 v15, $0x0;
	v18 =	vld.idx.msk [tilespmem:v18+s12+$0x0], $0xffff;
	v40 =	vmul.f32 v19, v19;
	v19 =	vmul.f32 v20, v20  }
0x97: {  	v41 =	vnsel vm2, $0x0, v15;
	v29 =	vsub.f32 v8, v29;
	v33 =	vsub.f32 v9, v33;
	v34 =	vld.idx.msk [tilespmem:v34+s11+$0x0], $0xffff  }
0x98: {  	v35 =	vshll.u32 v35, $0xA;
	v17 =	vld.idx.msk [tilespmem:v37+s14+$0x0], $0xffff;
	v20 =	vadd.f32 v19, v30;
	v30 =	vadd.s32 v11, v39  }
0x99: {  	v19 =	vor.u32 s28, v5;
	v23 =	vadd.f32 v23, v40;
	v39 =	vld.idx.msk [tilespmem:v37+s2+$0x0], $0xffff;
	v30 =	vsel vm1, $0xFFFFFFFF, v30  }
0x9a: {  	v25 =	vsel vm0, $0xFFFFFFFF, v25;
	v22 =	vsub.f32 v10, v22;
	v26 =	vadd.f32 v28, v26;
	s28 =	sor.u32 $0x50, s24;
	s24 =	smov.u32 s21;
	v40 =	vld.idx.msk [tilespmem:v37+s12+$0x0], $0xffff;
	[tilespmem:s23+$0x0] =	vst v20  }
0x9b: {  	vm0 =	veq.s32 v13, $0xFFFFFFFF;
	v28 =	vmul.f32 v29, v29;
	v21 =	vadd.f32 v21, v23;
	v20 =	vld.idx.msk [tilespmem:v37+s13+$0x0], $0xffff;
	[tilespmem:s28+$0x3000] =	vst v25  }
0x9c: {  	v13 =	vmovc v7;
	v22 =	vmul.f32 v22, v22;
	v29 =	vmul.f32 v33, v33;
	v33 =	vshll.u32 v24, $0xA;
	v25 =	vld.idx.msk [tilespmem:v41+s14+$0x0], $0xffff  }
0x9d: {  	vm1 =	vgt.s32 v38, $0x0;
	v23 =	vsub.f32 v10, v18;
	v18 =	vsub.f32 v9, v27;
	v7 =	vld.idx.msk [tilespmem:v31+s11+$0x0], $0xffff;
	[tilespmem:s23+$0xFFFFFFC0] =	vst v21  }
0x9e: {  	v24 =	vnsel vm1, $0x0, v38;
	v21 =	vadd.f32 v22, v28;
	v22 =	vadd.s32 v11, v33;
	v37 =	vld.idx.msk [tilespmem:v41+s13+$0x0], $0xffff  }
0x9f: {  	vm1 =	veq.s32 v14, $0xFFFFFFFF;
	v31 =	vsub.f32 v8, v39;
	v39 =	vadd.f32 v32, v26;
	v28 =	vld.idx.msk [tilespmem:v41+s12+$0x0], $0xffff;
	[tilespmem:s26+$0x0] =	vst v30  }
.Ltmp1:
0xa0: {  	v32 =	vsub.f32 v10, v40;
	v21 =	vadd.f32 v29, v21;
	v29 =	vadd.s32 v11, v35;
	v26 =	vld.idx.msk [tilespmem:v41+s2+$0x0], $0xffff;
	(pc) =	sbr.rel @p0 .LBB2_4-.Ltmp1, $4  }
0xa1: {  	v14 =	vmovc v38;
	v33 =	vsel vm1, $0xFFFFFFFF, v22;
	v30 =	vmul.f32 v31, v31;
	v35 =	vsel vm0, $0xFFFFFFFF, v29;
	v27 =	vld.idx.msk [tilespmem:v16+s2+$0x0], $0xffff;
	[tilespmem:s28+$0x2000] =	vst v39  }
0xa2: {  	vm1 =	veq.s32 v12, $0xFFFFFFFF;
	v12 =	vmovc v34;
	vm0 =	veq.s32 v15, $0xFFFFFFFF;
	v31 =	vmul.f32 v32, v32;
	v15 =	vld.idx.msk [tilespmem:v36+s11+$0x0], $0xffff;
	[tilespmem:s23+$0xFFFFFF80] =	vst v21;
	s23 =	smov.u32 s20  }
0xa3: {  	v25 =	vshll.u32 v25, $0xA;
	vm2 =	vgt.s32 v7, $0x0;
	v21 =	vmul.f32 v18, v18;
	v22 =	vld.idx.msk [tilespmem:v24+s12+$0x0], $0xffff;
	[tilespmem:s26+$0xFFFFFF80] =	vst v33  }
0xa4: {  	s19 =	sadd.s32 $0x100, s19;
	s21 =	sadd.s32 $0x100, s21;
	v25 =	vadd.s32 v11, v25;
	s20 =	sadd.s32 $0x100, s20;
	v18 =	vnsel vm2, $0x0, v7;
	v32 =	vsub.f32 v9, v37;
	v29 =	vld.idx.msk [tilespmem:v24+s2+$0x0], $0xffff;
	[tilespmem:s26+$0xFFFFFFC0] =	vst v35  }
0xa5: {  	_ =	sdelay $0x2  }
0xa6: {  	v30 =	vadd.f32 v31, v30  }
0xa7: {  	vm2 =	vgt.s32 v12, $0x0;
	v33 =	vld.idx.msk [tilespmem:v24+s13+$0x0], $0xffff;
	v28 =	vsub.f32 v10, v28;
	v26 =	vsub.f32 v8, v26  }
0xa8: {  	v16 =	vld.idx.msk [tilespmem:v16+s14+$0x0], $0xffff;
	v23 =	vmul.f32 v23, v23;
	v20 =	vsub.f32 v9, v20;
	v58 =	vnsel vm2, $0x0, v12  }
0xa9: {  	v24 =	vld.idx.msk [tilespmem:v24+s14+$0x0], $0xffff;
	v17 =	vshll.u32 v17, $0xA;
	v25 =	vsel vm0, $0xFFFFFFFF, v25;
	vm0 =	veq.s32 v13, $0xFFFFFFFF  }
0xaa: {  	v19 =	vld.idx.msk [tilespmem:v19+s11+$0x0], $0xffff;
	v31 =	vmul.f32 v32, v32;
	v27 =	vsub.f32 v8, v27;
	v26 =	vmul.f32 v26, v26  }
0xab: {  	v36 =	vld.idx.msk [tilespmem:v18+s12+$0x0], $0xffff;
	v17 =	vadd.s32 v11, v17;
	v28 =	vmul.f32 v28, v28;
	v20 =	vmul.f32 v20, v20  }
0xac: {  	v34 =	vld.idx.msk [tilespmem:v18+s13+$0x0], $0xffff;
	vm2 =	vgt.s32 v15, $0x0;
	v27 =	vmul.f32 v27, v27;
	v22 =	vsub.f32 v10, v22  }
0xad: {  	v35 =	vnsel vm2, $0x0, v15;
	v29 =	vsub.f32 v8, v29;
	v20 =	vadd.f32 v20, v30;
	v37 =	vld.idx.msk [tilespmem:v58+s14+$0x0], $0xffff  }
0xae: {  	v17 =	vsel vm1, $0xFFFFFFFF, v17;
	v26 =	vadd.f32 v28, v26;
	v23 =	vadd.f32 v23, v27;
	v27 =	vld.idx.msk [tilespmem:v58+s2+$0x0], $0xffff  }
0xaf: {  	v33 =	vsub.f32 v9, v33;
	v16 =	vshll.u32 v16, $0xA;
	v13 =	vmul.f32 v22, v22;
	v28 =	vld.idx.msk [tilespmem:v58+s12+$0x0], $0xffff  }
0xb0: {  	vm1 =	vgt.s32 v19, $0x0;
	v59 =	vsub.f32 v10, v36;
	v24 =	vshll.u32 v24, $0xA;
	[tilespmem:s23+$0x0] =	vst v20;
	v20 =	vld.idx.msk [tilespmem:v18+s2+$0x0], $0xffff  }
0xb1: {  	v29 =	vmul.f32 v29, v29;
	v60 =	vnsel vm1, $0x0, v19;
	v21 =	vadd.f32 v21, v23;
	v23 =	vld.idx.msk [tilespmem:v58+s13+$0x0], $0xffff  }
0xb2: {  	v34 =	vsub.f32 v9, v34;
	v24 =	vadd.s32 v11, v24;
	vm1 =	veq.s32 v14, $0xFFFFFFFF;
	v22 =	vld.idx.msk [tilespmem:v35+s14+$0x0], $0xffff  }
0xb3: {  	s24 =	sor.u32 $0x50, s24;
	v16 =	vadd.s32 v11, v16;
	v30 =	vmul.f32 v33, v33;
	v61 =	vld.idx.msk [tilespmem:v35+s13+$0x0], $0xffff;
	v13 =	vadd.f32 v13, v29  }
0xb4: {  	[tilespmem:s24+$0x3000] =	vst v25;
	v26 =	vadd.f32 v31, v26;
	v24 =	vsel vm1, $0xFFFFFFFF, v24;
	v16 =	vsel vm0, $0xFFFFFFFF, v16;
	v29 =	vld.idx.msk [tilespmem:v35+s12+$0x0], $0xffff  }
0xb5: {  	[tilespmem:s22+$0x0] =	vst v17;
	vm1 =	veq.s32 v15, $0xFFFFFFFF;
	v15 =	vmul.f32 v34, v34;
	v25 =	vld.idx.msk [tilespmem:v35+s2+$0x0], $0xffff;
	v13 =	vadd.f32 v30, v13  }
0xb6: {  	vm0 =	veq.s32 v12, $0xFFFFFFFF;
	[tilespmem:s24+$0x2000] =	vst v26;
	v27 =	vsub.f32 v8, v27;
	v14 =	vsub.f32 v10, v28;
	v12 =	vld.idx.msk [tilespmem:v60+s12+$0x0], $0xffff  }
0xb7: {  	[tilespmem:s23+$0xFFFFFFC0] =	vst v21;
	v17 =	vld.idx.msk [tilespmem:v60+s2+$0x0], $0xffff;
	v20 =	vsub.f32 v8, v20;
	v23 =	vsub.f32 v9, v23  }
0xb8: {  	[tilespmem:s23+$0xFFFFFF80] =	vst v13;
	v27 =	vmul.f32 v27, v27;
	v14 =	vmul.f32 v14, v14;
	v21 =	vsub.f32 v9, v61  }
0xb9: {  	v22 =	vshll.u32 v22, $0xA;
	v26 =	vsub.f32 v10, v29;
	[tilespmem:s22+$0xFFFFFF80] =	vst v24;
	v24 =	vshll.u32 v37, $0xA  }
0xba: {  	v20 =	vmul.f32 v20, v20;
	v22 =	vadd.s32 v11, v22;
	v14 =	vadd.f32 v14, v27;
	v27 =	vld.idx.msk [tilespmem:v60+s13+$0x0], $0xffff  }
0xbb: {  	v23 =	vmul.f32 v23, v23;
	v13 =	vmul.f32 v21, v21;
	v21 =	vsub.f32 v8, v25  }
0xbc: {  	v18 =	vld.idx.msk [tilespmem:v18+s14+$0x0], $0xffff;
	v25 =	vmul.f32 v59, v59;
	v8 =	vsub.f32 v8, v17;
	v10 =	vsub.f32 v10, v12  }
0xbd: {  	[tilespmem:s22+$0xFFFFFFC0] =	vst v16;
	v17 =	vmul.f32 v26, v26;
	v16 =	vmul.f32 v21, v21;
	v14 =	vadd.f32 v23, v14  }
0xbe: {  	v12 =	vld.idx.msk [tilespmem:v60+s14+$0x0], $0xffff;
	v20 =	vadd.f32 v25, v20;
	v8 =	vmul.f32 v8, v8;
	v10 =	vmul.f32 v10, v10  }
0xbf: {  	[tilespmem:s20+$0x0] =	vst v14;
	v14 =	vadd.f32 v17, v16;
	v17 =	vadd.s32 v11, v24;
	v9 =	vsub.f32 v9, v27  }
0xc0: {  	v16 =	vsel vm1, $0xFFFFFFFF, v22;
	v8 =	vadd.f32 v10, v8;
	v10 =	vsel vm0, $0xFFFFFFFF, v17  }
0xc1: {  	s21 =	sor.u32 $0x50, s21;
	v15 =	vadd.f32 v15, v20;
	[tilespmem:s19+$0x0] =	vst v10;
	v10 =	vshll.u32 v18, $0xA;
	v9 =	vmul.f32 v9, v9  }
0xc2: {  	s23 =	simm.s32 $0x1;
	vm1 =	veq.s32 v7, $0xFFFFFFFF;
	[tilespmem:s21+$0x3000] =	vst v16;
	v13 =	vadd.f32 v13, v14;
	v7 =	vadd.s32 v11, v10  }
0xc3: {  	s25 =	simm.s32 $0x3;
	[tilespmem:s20+$0xFFFFFFC0] =	vst v15;
	v7 =	vsel vm1, $0xFFFFFFFF, v7;
	v8 =	vadd.f32 v9, v8;
	v9 =	vor.u32 s23, v6  }
0xc4: {  	v12 =	vshll.u32 v12, $0xA;
	[tilespmem:s19+$0xFFFFFFC0] =	vst v7;
	v7 =	vor.u32 s25, v6  }
0xc5: {  	vm0 =	veq.s32 v19, $0xFFFFFFFF;
	v12 =	vadd.s32 v11, v12;
	[tilespmem:s21+$0x2000] =	vst v13  }
0xc6: {  	s24 =	simm.s32 $0x2;
	v10 =	vsel vm0, $0xFFFFFFFF, v12;
	[tilespmem:s20+$0xFFFFFF80] =	vst v8  }
0xc7: {  	v8 =	vor.u32 s24, v6;
	[tilespmem:s19+$0xFFFFFF80] =	vst v10  }
0xc8: {  	s28 =	simm.s32 $0x6;
	v13 =	vld.idx.msk [tilespmem:v9+s11+$0x0], $0xffff  }
0xc9: {  	v21 =	vld.idx.msk [tilespmem:v7+s11+$0x0], $0xffff;
	v7 =	vor.u32 s28, v6;
	_ =	sdelay $0x2  }
0xca: {  	s26 =	simm.s32 $0x0;
	v18 =	vld.idx.msk [tilespmem:v8+s11+$0x0], $0xffff  }
0xcb: {  	s29 =	simm.s32 $0x5;
	v10 =	vor.u32 s26, v6;
	v11 =	vld.idx.msk [tilespmem:v3+s12+$0x0], $0xffff  }
0xcc: {  	vm0 =	vgt.s32 v13, $0x0;
	v12 =	vld.idx.msk [tilespmem:v7+s11+$0x0], $0xffff;
	v7 =	vor.u32 s29, v6  }
0xcd: {  	v15 =	vld.idx.msk [tilespmem:v3+s14+$0x0], $0xffff;
	v16 =	vnsel vm0, $0x0, v13  }
0xce: {  	v9 =	vld.idx.msk [tilespmem:v3+s13+$0x0], $0xffff  }
0xcf: {  	v8 =	vld.idx.msk [tilespmem:v3+s26+$0x0], $0xffff;
	vm0 =	vgt.s32 v18, $0x0  }
0xd0: {  	v14 =	vld.idx.msk [tilespmem:v10+s11+$0x0], $0xffff;
	v19 =	vnsel vm0, $0x0, v18  }
0xd1: {  	v7 =	vld.idx.msk [tilespmem:v7+s11+$0x0], $0xffff  }
0xd2: {  	v22 =	vld.idx.msk [tilespmem:v16+s13+$0x0], $0xffff  }
0xd3: {  	vm0 =	vgt.s32 v21, $0x0;
	v23 =	vld.idx.msk [tilespmem:v16+s12+$0x0], $0xffff  }
0xd4: {  	v25 =	vnsel vm0, $0x0, v21;
	v27 =	vld.idx.msk [tilespmem:v16+s2+$0x0], $0xffff  }
0xd5: {  	v17 =	vld.idx.msk [tilespmem:v19+s14+$0x0], $0xffff  }
0xd6: {  	v10 =	vld.idx.msk [tilespmem:v19+s2+$0x0], $0xffff  }
0xd7: {  	s30 =	simm.s32 $0x7;
	v26 =	vld.idx.msk [tilespmem:v19+s12+$0x0], $0xffff  }
0xd8: {  	v31 =	vor.u32 s30, v6;
	vm0 =	vgt.s32 v14, $0x0;
	v20 =	vld.idx.msk [tilespmem:v19+s13+$0x0], $0xffff  }
0xd9: {  	v24 =	vnsel vm0, $0x0, v14;
	v29 =	vld.idx.msk [tilespmem:v25+s14+$0x0], $0xffff  }
0xda: {  	s31 =	simm.s32 $0x4;
	vm1 =	veq.s32 v18, $0xFFFFFFFF;
	v62 =	vld.idx.msk [tilespmem:v25+s13+$0x0], $0xffff  }
0xdb: {  	vm0 =	veq.s32 v21, $0xFFFFFFFF;
	v19 =	vor.u32 s31, v6;
	v28 =	vld.idx.msk [tilespmem:v25+s12+$0x0], $0xffff;
	v30 =	vsub.f32 v8, v10  }
0xdc: {  	vm2 =	vgt.s32 v7, $0x0;
	v63 =	vsub.f32 v11, v26;
	v26 =	vld.idx.msk [tilespmem:v25+s2+$0x0], $0xffff;
	v25 =	vsub.f32 v9, v22  }
0xdd: {  	s22 =	simm.s32 $0x30A0;
	v23 =	vsub.f32 v11, v23;
	v10 =	vshll.u32 v15, $0xC;
	v15 =	vld.idx.msk [tilespmem:v31+s11+$0x0], $0xffff;
	v30 =	vmul.f32 v30, v30  }
0xde: {  	s21 =	simm.s32 $0x1C0;
	s23 =	simm.s32 $0x20A0;
	s25 =	simm.s32 $0x8;
	v22 =	vld.idx.msk [tilespmem:v24+s12+$0x0], $0xffff;
	v31 =	vmul.f32 v63, v63;
	v21 =	vmul.f32 v25, v25;
	v25 =	vshll.u32 v29, $0xA  }
0xdf: {  	s24 =	simm.s32 $0xC0;
	s20 =	simm.s32 $0x21A0;
	s19 =	simm.s32 $0x31A0;
	v18 =	vnsel vm2, $0x0, v7;
	v32 =	vsub.f32 v9, v62;
	v29 =	vld.idx.msk [tilespmem:v24+s2+$0x0], $0xffff;
	v25 =	vadd.s32 v10, v25  }
.LBB2_6:
0xe0: {  	s26 =	sadd.s32 $0x1, s25;
	s28 =	sadd.s32 $0x2, s25;
	s29 =	sadd.s32 $0x3, s25;
	vm2 =	vgt.s32 v12, $0x0;
	v33 =	vld.idx.msk [tilespmem:v24+s13+$0x0], $0xffff;
	v30 =	vadd.f32 v31, v30;
	v28 =	vsub.f32 v11, v28  }
0xe1: {  	p0 =	slt.u32 s25, $0x3C;
	v31 =	vor.u32 s26, v6;
	v34 =	vor.u32 s28, v6;
	v35 =	vld.idx.msk [tilespmem:v16+s14+$0x0], $0xffff;
	v32 =	vmul.f32 v32, v32;
	v16 =	vmovc v18;
	s28 =	smov.u32 s25;
	s25 =	sadd.s32 $0x4, s25  }
0xe2: {  	v26 =	vsub.f32 v8, v26;
	v36 =	vor.u32 s29, v6;
	v37 =	vnsel vm2, $0x0, v12;
	s26 =	smov.u32 s22;
	s22 =	smov.u32 s19;
	v24 =	vld.idx.msk [tilespmem:v24+s14+$0x0], $0xffff  }
0xe3: {  	v23 =	vmul.f32 v23, v23;
	v20 =	vsub.f32 v9, v20;
	v38 =	vld.idx.msk [tilespmem:v19+s11+$0x0], $0xffff;
	v19 =	vsub.f32 v8, v27  }
0xe4: {  	v39 =	vshll.u32 v17, $0xA;
	v26 =	vmul.f32 v26, v26;
	v28 =	vmul.f32 v28, v28;
	v27 =	vld.idx.msk [tilespmem:v18+s13+$0x0], $0xffff  }
0xe5: {  	vm2 =	vgt.s32 v15, $0x0;
	v18 =	vld.idx.msk [tilespmem:v18+s12+$0x0], $0xffff;
	v40 =	vmul.f32 v19, v19;
	v19 =	vmul.f32 v20, v20  }
0xe6: {  	v41 =	vnsel vm2, $0x0, v15;
	v29 =	vsub.f32 v8, v29;
	v33 =	vsub.f32 v9, v33;
	v34 =	vld.idx.msk [tilespmem:v34+s11+$0x0], $0xffff  }
0xe7: {  	v35 =	vshll.u32 v35, $0xA;
	v17 =	vld.idx.msk [tilespmem:v37+s14+$0x0], $0xffff;
	v20 =	vadd.f32 v19, v30;
	v30 =	vadd.s32 v10, v39  }
0xe8: {  	v19 =	vor.u32 s28, v6;
	v23 =	vadd.f32 v23, v40;
	v39 =	vld.idx.msk [tilespmem:v37+s2+$0x0], $0xffff;
	v30 =	vsel vm1, $0xFFFFFFFF, v30  }
0xe9: {  	v25 =	vsel vm0, $0xFFFFFFFF, v25;
	v22 =	vsub.f32 v11, v22;
	v26 =	vadd.f32 v28, v26;
	s28 =	sor.u32 $0x60, s24;
	s24 =	smov.u32 s21;
	v40 =	vld.idx.msk [tilespmem:v37+s12+$0x0], $0xffff;
	[tilespmem:s23+$0x0] =	vst v20  }
0xea: {  	vm0 =	veq.s32 v13, $0xFFFFFFFF;
	v28 =	vmul.f32 v29, v29;
	v21 =	vadd.f32 v21, v23;
	v20 =	vld.idx.msk [tilespmem:v37+s13+$0x0], $0xffff;
	[tilespmem:s28+$0x3000] =	vst v25  }
0xeb: {  	v13 =	vmovc v7;
	v22 =	vmul.f32 v22, v22;
	v29 =	vmul.f32 v33, v33;
	v33 =	vshll.u32 v24, $0xA;
	v25 =	vld.idx.msk [tilespmem:v41+s14+$0x0], $0xffff  }
0xec: {  	vm1 =	vgt.s32 v38, $0x0;
	v23 =	vsub.f32 v11, v18;
	v18 =	vsub.f32 v9, v27;
	v7 =	vld.idx.msk [tilespmem:v31+s11+$0x0], $0xffff;
	[tilespmem:s23+$0xFFFFFFC0] =	vst v21  }
0xed: {  	v24 =	vnsel vm1, $0x0, v38;
	v21 =	vadd.f32 v22, v28;
	v22 =	vadd.s32 v10, v33;
	v37 =	vld.idx.msk [tilespmem:v41+s13+$0x0], $0xffff  }
0xee: {  	vm1 =	veq.s32 v14, $0xFFFFFFFF;
	v31 =	vsub.f32 v8, v39;
	v39 =	vadd.f32 v32, v26;
	v28 =	vld.idx.msk [tilespmem:v41+s12+$0x0], $0xffff;
	[tilespmem:s26+$0x0] =	vst v30  }
.Ltmp2:
0xef: {  	v32 =	vsub.f32 v11, v40;
	v21 =	vadd.f32 v29, v21;
	v29 =	vadd.s32 v10, v35;
	v26 =	vld.idx.msk [tilespmem:v41+s2+$0x0], $0xffff;
	(pc) =	sbr.rel @p0 .LBB2_6-.Ltmp2, $4  }
0xf0: {  	v14 =	vmovc v38;
	v33 =	vsel vm1, $0xFFFFFFFF, v22;
	v30 =	vmul.f32 v31, v31;
	v35 =	vsel vm0, $0xFFFFFFFF, v29;
	v27 =	vld.idx.msk [tilespmem:v16+s2+$0x0], $0xffff;
	[tilespmem:s28+$0x2000] =	vst v39  }
0xf1: {  	vm1 =	veq.s32 v12, $0xFFFFFFFF;
	v12 =	vmovc v34;
	vm0 =	veq.s32 v15, $0xFFFFFFFF;
	v31 =	vmul.f32 v32, v32;
	v15 =	vld.idx.msk [tilespmem:v36+s11+$0x0], $0xffff;
	[tilespmem:s23+$0xFFFFFF80] =	vst v21;
	s23 =	smov.u32 s20  }
0xf2: {  	v25 =	vshll.u32 v25, $0xA;
	vm2 =	vgt.s32 v7, $0x0;
	v21 =	vmul.f32 v18, v18;
	v22 =	vld.idx.msk [tilespmem:v24+s12+$0x0], $0xffff;
	[tilespmem:s26+$0xFFFFFF80] =	vst v33  }
0xf3: {  	s19 =	sadd.s32 $0x100, s19;
	s21 =	sadd.s32 $0x100, s21;
	v25 =	vadd.s32 v10, v25;
	s20 =	sadd.s32 $0x100, s20;
	v18 =	vnsel vm2, $0x0, v7;
	v32 =	vsub.f32 v9, v37;
	v29 =	vld.idx.msk [tilespmem:v24+s2+$0x0], $0xffff;
	[tilespmem:s26+$0xFFFFFFC0] =	vst v35  }
0xf4: {  	_ =	sdelay $0x2  }
0xf5: {  	v30 =	vadd.f32 v31, v30  }
0xf6: {  	vm2 =	vgt.s32 v12, $0x0;
	v33 =	vld.idx.msk [tilespmem:v24+s13+$0x0], $0xffff;
	v28 =	vsub.f32 v11, v28;
	v26 =	vsub.f32 v8, v26  }
0xf7: {  	v16 =	vld.idx.msk [tilespmem:v16+s14+$0x0], $0xffff;
	v23 =	vmul.f32 v23, v23;
	v20 =	vsub.f32 v9, v20;
	v50 =	vnsel vm2, $0x0, v12  }
0xf8: {  	v24 =	vld.idx.msk [tilespmem:v24+s14+$0x0], $0xffff;
	v17 =	vshll.u32 v17, $0xA;
	v25 =	vsel vm0, $0xFFFFFFFF, v25;
	vm0 =	veq.s32 v13, $0xFFFFFFFF  }
0xf9: {  	v19 =	vld.idx.msk [tilespmem:v19+s11+$0x0], $0xffff;
	v31 =	vmul.f32 v32, v32;
	v27 =	vsub.f32 v8, v27;
	v26 =	vmul.f32 v26, v26  }
0xfa: {  	v36 =	vld.idx.msk [tilespmem:v18+s12+$0x0], $0xffff;
	v17 =	vadd.s32 v10, v17;
	v28 =	vmul.f32 v28, v28;
	v20 =	vmul.f32 v20, v20  }
0xfb: {  	v34 =	vld.idx.msk [tilespmem:v18+s13+$0x0], $0xffff;
	vm2 =	vgt.s32 v15, $0x0;
	v27 =	vmul.f32 v27, v27;
	v22 =	vsub.f32 v11, v22  }
0xfc: {  	v35 =	vnsel vm2, $0x0, v15;
	v29 =	vsub.f32 v8, v29;
	v20 =	vadd.f32 v20, v30;
	v37 =	vld.idx.msk [tilespmem:v50+s14+$0x0], $0xffff  }
0xfd: {  	v17 =	vsel vm1, $0xFFFFFFFF, v17;
	v26 =	vadd.f32 v28, v26;
	v23 =	vadd.f32 v23, v27;
	v27 =	vld.idx.msk [tilespmem:v50+s2+$0x0], $0xffff  }
0xfe: {  	v33 =	vsub.f32 v9, v33;
	v16 =	vshll.u32 v16, $0xA;
	v13 =	vmul.f32 v22, v22;
	v28 =	vld.idx.msk [tilespmem:v50+s12+$0x0], $0xffff  }
0xff: {  	vm1 =	vgt.s32 v19, $0x0;
	v51 =	vsub.f32 v11, v36;
	v24 =	vshll.u32 v24, $0xA;
	[tilespmem:s23+$0x0] =	vst v20;
	v20 =	vld.idx.msk [tilespmem:v18+s2+$0x0], $0xffff  }
0x100: {  	v29 =	vmul.f32 v29, v29;
	v52 =	vnsel vm1, $0x0, v19;
	v21 =	vadd.f32 v21, v23;
	v23 =	vld.idx.msk [tilespmem:v50+s13+$0x0], $0xffff  }
0x101: {  	v34 =	vsub.f32 v9, v34;
	v24 =	vadd.s32 v10, v24;
	vm1 =	veq.s32 v14, $0xFFFFFFFF;
	v22 =	vld.idx.msk [tilespmem:v35+s14+$0x0], $0xffff  }
0x102: {  	s24 =	sor.u32 $0x60, s24;
	v16 =	vadd.s32 v10, v16;
	v30 =	vmul.f32 v33, v33;
	v53 =	vld.idx.msk [tilespmem:v35+s13+$0x0], $0xffff;
	v13 =	vadd.f32 v13, v29  }
0x103: {  	[tilespmem:s24+$0x3000] =	vst v25;
	v26 =	vadd.f32 v31, v26;
	v24 =	vsel vm1, $0xFFFFFFFF, v24;
	v16 =	vsel vm0, $0xFFFFFFFF, v16;
	v29 =	vld.idx.msk [tilespmem:v35+s12+$0x0], $0xffff  }
0x104: {  	[tilespmem:s22+$0x0] =	vst v17;
	vm1 =	veq.s32 v15, $0xFFFFFFFF;
	v15 =	vmul.f32 v34, v34;
	v25 =	vld.idx.msk [tilespmem:v35+s2+$0x0], $0xffff;
	v13 =	vadd.f32 v30, v13  }
0x105: {  	vm0 =	veq.s32 v12, $0xFFFFFFFF;
	[tilespmem:s24+$0x2000] =	vst v26;
	v27 =	vsub.f32 v8, v27;
	v14 =	vsub.f32 v11, v28;
	v12 =	vld.idx.msk [tilespmem:v52+s12+$0x0], $0xffff  }
0x106: {  	[tilespmem:s23+$0xFFFFFFC0] =	vst v21;
	v17 =	vld.idx.msk [tilespmem:v52+s2+$0x0], $0xffff;
	v20 =	vsub.f32 v8, v20;
	v23 =	vsub.f32 v9, v23  }
0x107: {  	[tilespmem:s23+$0xFFFFFF80] =	vst v13;
	v27 =	vmul.f32 v27, v27;
	v14 =	vmul.f32 v14, v14;
	v21 =	vsub.f32 v9, v53  }
0x108: {  	v22 =	vshll.u32 v22, $0xA;
	v26 =	vsub.f32 v11, v29;
	[tilespmem:s22+$0xFFFFFF80] =	vst v24;
	v24 =	vshll.u32 v37, $0xA  }
0x109: {  	v20 =	vmul.f32 v20, v20;
	v22 =	vadd.s32 v10, v22;
	v14 =	vadd.f32 v14, v27;
	v27 =	vld.idx.msk [tilespmem:v52+s13+$0x0], $0xffff  }
0x10a: {  	v23 =	vmul.f32 v23, v23;
	v13 =	vmul.f32 v21, v21;
	v21 =	vsub.f32 v8, v25  }
0x10b: {  	v18 =	vld.idx.msk [tilespmem:v18+s14+$0x0], $0xffff;
	v25 =	vmul.f32 v51, v51;
	v8 =	vsub.f32 v8, v17;
	v11 =	vsub.f32 v11, v12  }
0x10c: {  	[tilespmem:s22+$0xFFFFFFC0] =	vst v16;
	v17 =	vmul.f32 v26, v26;
	v16 =	vmul.f32 v21, v21;
	v14 =	vadd.f32 v23, v14  }
0x10d: {  	v20 =	vadd.f32 v25, v20;
	v8 =	vmul.f32 v8, v8;
	v11 =	vmul.f32 v11, v11  }
0x10e: {  	v12 =	vld.idx.msk [tilespmem:v52+s14+$0x0], $0xffff;
	[tilespmem:s20+$0x0] =	vst v14;
	v14 =	vadd.f32 v17, v16;
	v16 =	vsel vm1, $0xFFFFFFFF, v22;
	v9 =	vsub.f32 v9, v27  }
0x10f: {  	s21 =	sor.u32 $0x60, s21;
	v15 =	vadd.f32 v15, v20;
	v17 =	vadd.s32 v10, v24;
	vm1 =	veq.s32 v7, $0xFFFFFFFF  }
0x110: {  	[tilespmem:s21+$0x3000] =	vst v16;
	v8 =	vadd.f32 v11, v8;
	v16 =	vsel vm0, $0xFFFFFFFF, v17;
	v9 =	vmul.f32 v9, v9  }
0x111: {  	s26 =	simm.s32 $0x2;
	v11 =	vor.u32 $0xC00, v0;
	[tilespmem:s20+$0xFFFFFFC0] =	vst v15;
	v13 =	vadd.f32 v13, v14;
	v14 =	vshll.u32 v18, $0xA  }
0x112: {  	[tilespmem:s19+$0x0] =	vst v16;
	v7 =	vadd.s32 v10, v14;
	v8 =	vadd.f32 v9, v8;
	v9 =	vor.u32 s26, v11  }
0x113: {  	v12 =	vshll.u32 v12, $0xA;
	[tilespmem:s21+$0x2000] =	vst v13;
	v7 =	vsel vm1, $0xFFFFFFFF, v7  }
0x114: {  	s30 =	simm.s32 $0x1;
	vm0 =	veq.s32 v19, $0xFFFFFFFF;
	v12 =	vadd.s32 v10, v12;
	[tilespmem:s19+$0xFFFFFFC0] =	vst v7  }
0x115: {  	s29 =	simm.s32 $0x3;
	v10 =	vsel vm0, $0xFFFFFFFF, v12;
	v7 =	vor.u32 s30, v11;
	[tilespmem:s20+$0xFFFFFF80] =	vst v8  }
0x116: {  	v8 =	vor.u32 s29, v11;
	[tilespmem:s19+$0xFFFFFF80] =	vst v10  }
0x117: {  	v13 =	vld.idx.msk [tilespmem:v9+s11+$0x0], $0xffff  }
0x118: {  	s21 =	simm.s32 $0x7  }
0x119: {  	s31 =	simm.s32 $0x0;
	v26 =	vor.u32 s21, v11  }
0x11a: {  	v9 =	vor.u32 s31, v11;
	v15 =	vld.idx.msk [tilespmem:v7+s11+$0x0], $0xffff  }
0x11b: {  	v14 =	vld.idx.msk [tilespmem:v8+s11+$0x0], $0xffff  }
0x11c: {  	v10 =	vld.idx.msk [tilespmem:v4+s31+$0x0], $0xffff;
	vm0 =	vgt.s32 v13, $0x0  }
0x11d: {  	v7 =	vld.idx.msk [tilespmem:v4+s13+$0x0], $0xffff;
	v19 =	vnsel vm0, $0x0, v13  }
0x11e: {  	v57 =	vld.idx.msk [tilespmem:v26+s11+$0x0], $0xffff  }
0x11f: {  	v18 =	vld.idx.msk [tilespmem:v9+s11+$0x0], $0xffff;
	vm1 =	vgt.s32 v15, $0x0  }
0x120: {  	v8 =	vld.idx.msk [tilespmem:v4+s14+$0x0], $0xffff;
	v21 =	vnsel vm1, $0x0, v15;
	vm0 =	vgt.s32 v14, $0x0  }
0x121: {  	v9 =	vld.idx.msk [tilespmem:v4+s12+$0x0], $0xffff;
	v20 =	vnsel vm0, $0x0, v14  }
0x122: {  	v12 =	vld.idx.msk [tilespmem:v19+s13+$0x0], $0xffff  }
0x123: {  	v16 =	vld.idx.msk [tilespmem:v19+s12+$0x0], $0xffff  }
0x124: {  	vm0 =	vgt.s32 v18, $0x0;
	v17 =	vld.idx.msk [tilespmem:v19+s2+$0x0], $0xffff  }
0x125: {  	v22 =	vnsel vm0, $0x0, v18;
	v25 =	vld.idx.msk [tilespmem:v21+s2+$0x0], $0xffff  }
0x126: {  	s20 =	simm.s32 $0x6;
	v23 =	vld.idx.msk [tilespmem:v20+s14+$0x0], $0xffff  }
0x127: {  	s22 =	simm.s32 $0x4;
	v24 =	vor.u32 s20, v11;
	v27 =	vld.idx.msk [tilespmem:v20+s12+$0x0], $0xffff  }
0x128: {  	v28 =	vor.u32 s22, v11;
	v31 =	vld.idx.msk [tilespmem:v20+s2+$0x0], $0xffff  }
0x129: {  	s23 =	simm.s32 $0x5;
	v20 =	vld.idx.msk [tilespmem:v20+s13+$0x0], $0xffff  }
0x12a: {  	s24 =	simm.s32 $0x8;
	v30 =	vor.u32 s23, v11;
	s26 =	simm.s32 $0xB;
	s30 =	simm.s32 $0xA;
	v29 =	vld.idx.msk [tilespmem:v22+s2+$0x0], $0xffff  }
0x12b: {  	v61 =	vor.u32 s24, v11;
	v38 =	vor.u32 s26, v11;
	v40 =	vor.u32 s30, v11;
	v54 =	vld.idx.msk [tilespmem:v22+s12+$0x0], $0xffff  }
0x12c: {  	vm2 =	veq.s32 v13, $0xFFFFFFFF;
	v16 =	vsub.f32 v9, v16;
	v55 =	vsub.f32 v7, v12;
	v12 =	vld.idx.msk [tilespmem:v24+s11+$0x0], $0xffff  }
0x12d: {  	vm5 =	vgt.s32 v57, $0x0;
	v8 =	vshll.u32 v8, $0xC;
	v24 =	vsub.f32 v10, v17;
	v17 =	vld.idx.msk [tilespmem:v28+s11+$0x0], $0xffff  }
0x12e: {  	v28 =	vld.idx.msk [tilespmem:v21+s12+$0x0], $0xffff;
	v56 =	vmul.f32 v16, v16;
	v16 =	vshll.u32 v23, $0xA;
	v23 =	vsub.f32 v10, v25  }
0x12f: {  	v27 =	vsub.f32 v9, v27;
	v31 =	vsub.f32 v10, v31;
	v25 =	vadd.s32 v8, v16;
	v16 =	vld.idx.msk [tilespmem:v30+s11+$0x0], $0xffff  }
0x130: {  	vm0 =	veq.s32 v14, $0xFFFFFFFF;
	v14 =	vmul.f32 v24, v24;
	v30 =	vld.idx.msk [tilespmem:v19+s14+$0x0], $0xffff;
	v19 =	vnsel vm5, $0x0, v57  }
0x131: {  	s29 =	simm.s32 $0xC0;
	v24 =	vld.idx.msk [tilespmem:v22+s13+$0x0], $0xffff;
	v20 =	vsub.f32 v7, v20;
	v27 =	vmul.f32 v27, v27;
	v31 =	vmul.f32 v31, v31  }
0x132: {  	s31 =	sor.u32 $0x70, s29;
	v22 =	vld.idx.msk [tilespmem:v22+s14+$0x0], $0xffff;
	v25 =	vsel vm0, $0xFFFFFFFF, v25;
	v58 =	vmul.f32 v23, v23;
	vm3 =	vgt.s32 v12, $0x0  }
0x133: {  	v23 =	vld.idx.msk [tilespmem:v21+s13+$0x0], $0xffff;
	v20 =	vmul.f32 v20, v20;
	[tilespmem:s31+$0x3000] =	vst v25;
	v13 =	vnsel vm3, $0x0, v12;
	v25 =	vadd.f32 v27, v31  }
0x134: {  	vm1 =	veq.s32 v15, $0xFFFFFFFF;
	v26 =	vmul.f32 v55, v55;
	v14 =	vadd.f32 v56, v14;
	v21 =	vld.idx.msk [tilespmem:v21+s14+$0x0], $0xffff  }
0x135: {  	vm0 =	veq.s32 v18, $0xFFFFFFFF;
	v18 =	vsub.f32 v9, v54;
	v41 =	vld.idx.msk [tilespmem:v19+s14+$0x0], $0xffff;
	v20 =	vadd.f32 v20, v25  }
0x136: {  	v29 =	vsub.f32 v10, v29;
	v28 =	vsub.f32 v9, v28;
	vm4 =	vgt.s32 v16, $0x0;
	v43 =	vld.idx.msk [tilespmem:v19+s12+$0x0], $0xffff  }
0x137: {  	v26 =	vadd.f32 v26, v14;
	vm3 =	vgt.s32 v17, $0x0;
	v15 =	vnsel vm4, $0x0, v16;
	[tilespmem:s31+$0x2000] =	vst v20;
	v20 =	vld.idx.msk [tilespmem:v40+s11+$0x0], $0xffff  }
0x138: {  	v18 =	vmul.f32 v18, v18;
	v14 =	vnsel vm3, $0x0, v17;
	v59 =	vsub.f32 v7, v24;
	v60 =	vld.idx.msk [tilespmem:v13+s13+$0x0], $0xffff  }
0x139: {  	s25 =	simm.s32 $0x9;
	v29 =	vmul.f32 v29, v29;
	v22 =	vshll.u32 v22, $0xA;
	v23 =	vsub.f32 v7, v23;
	v62 =	vld.idx.msk [tilespmem:v13+s12+$0x0], $0xffff  }
0x13a: {  	v24 =	vor.u32 s25, v11;
	v30 =	vshll.u32 v30, $0xA;
	v25 =	vadd.s32 v8, v22;
	v39 =	vld.idx.msk [tilespmem:v13+s2+$0x0], $0xffff  }
0x13b: {  	s23 =	simm.s32 $0x20B0;
	v30 =	vadd.s32 v8, v30;
	v32 =	vmul.f32 v59, v59;
	v44 =	vmul.f32 v23, v23;
	v23 =	vld.idx.msk [tilespmem:v19+s2+$0x0], $0xffff  }
0x13c: {  	s24 =	simm.s32 $0x30B0;
	[tilespmem:s23+$0x0] =	vst v26;
	v42 =	vshll.u32 v21, $0xA;
	v18 =	vadd.f32 v18, v29;
	v22 =	vsel vm2, $0xFFFFFFFF, v30;
	v27 =	vld.idx.msk [tilespmem:v15+s2+$0x0], $0xffff  }
0x13d: {  	v26 =	vmul.f32 v28, v28;
	v33 =	vadd.s32 v8, v42;
	vm2 =	veq.s32 v57, $0xFFFFFFFF;
	[tilespmem:s24+$0x0] =	vst v22;
	v22 =	vld.idx.msk [tilespmem:v38+s11+$0x0], $0xffff  }
0x13e: {  	v63 =	vadd.f32 v32, v18;
	v21 =	vld.idx.msk [tilespmem:v14+s2+$0x0], $0xffff;
	v30 =	vshll.u32 v41, $0xA;
	v29 =	vsub.f32 v7, v60  }
0x13f: {  	v18 =	vadd.f32 v26, v58;
	v28 =	vld.idx.msk [tilespmem:v14+s12+$0x0], $0xffff;
	v34 =	vadd.s32 v8, v30;
	v31 =	vsub.f32 v9, v62  }
0x140: {  	s28 =	simm.s32 $0xC;
	s22 =	simm.s32 $0x1C0;
	s21 =	simm.s32 $0x31B0;
	[tilespmem:s23+$0xFFFFFF80] =	vst v63;
	v32 =	vsub.f32 v10, v39;
	v30 =	vmul.f32 v29, v29;
	v29 =	vsub.f32 v9, v43  }
0x141: {  	s20 =	simm.s32 $0x21B0;
	s19 =	simm.s32 $0x32B0;
	s25 =	simm.s32 $0x1C0;
	v31 =	vmul.f32 v31, v31;
	v26 =	vsub.f32 v10, v27;
	v27 =	vadd.f32 v44, v18;
	v18 =	vld.idx.msk [tilespmem:v61+s11+$0x0], $0xffff  }
.LBB2_8:
0x142: {  	s22 =	sadd.s32 $0x100, s22;
	s29 =	smov.u32 s28  }
0x143: {  	v24 =	vld.idx.msk [tilespmem:v24+s11+$0x0], $0xffff;
	v32 =	vmul.f32 v32, v32;
	v34 =	vsel vm2, $0xFFFFFFFF, v34;
	v33 =	vsel vm1, $0xFFFFFFFF, v33;
	[tilespmem:s23+$0xFFFFFFC0] =	vst v27;
	s26 =	sadd.s32 $0x4, s28;
	s23 =	smov.u32 s20;
	s20 =	sadd.s32 $0x100, s20  }
0x144: {  	p0 =	slt.u32 s28, $0x3C;
	v25 =	vsel vm0, $0xFFFFFFFF, v25;
	vm0 =	veq.s32 v17, $0xFFFFFFFF;
	v27 =	vld.idx.msk [tilespmem:v14+s13+$0x0], $0xffff;
	[tilespmem:s24+$0xFFFFFFC0] =	vst v33  }
0x145: {  	s28 =	sor.u32 $0x70, s25;
	v33 =	vsub.f32 v9, v28;
	s25 =	smov.u32 s22;
	v28 =	vadd.f32 v31, v32;
	v31 =	vld.idx.msk [tilespmem:v19+s13+$0x0], $0xffff;
	[tilespmem:s24+$0xFFFFFF80] =	vst v25;
	s24 =	smov.u32 s21  }
0x146: {  	vm1 =	veq.s32 v16, $0xFFFFFFFF;
	vm2 =	veq.s32 v12, $0xFFFFFFFF;
	vm3 =	vgt.s32 v20, $0x0;
	v12 =	vmovc v20;
	s21 =	smov.u32 s19;
	v25 =	vld.idx.msk [tilespmem:v15+s12+$0x0], $0xffff;
	[tilespmem:s28+$0x3000] =	vst v34  }
0x147: {  	v20 =	vmul.f32 v33, v33;
	v35 =	vmovc v22;
	v32 =	vld.idx.msk [tilespmem:v13+s14+$0x0], $0xffff;
	v13 =	vnsel vm3, $0x0, v12;
	v19 =	vadd.f32 v30, v28  }
0x148: {  	v26 =	vmul.f32 v26, v26;
	vm3 =	vgt.s32 v18, $0x0;
	v28 =	vmul.f32 v29, v29;
	v17 =	vmovc v18;
	v22 =	vld.idx.msk [tilespmem:v15+s13+$0x0], $0xffff  }
0x149: {  	vm5 =	vgt.s32 v35, $0x0;
	v18 =	vsub.f32 v10, v21;
	vm4 =	vgt.s32 v24, $0x0;
	v16 =	vmovc v24;
	[tilespmem:s23+$0x0] =	vst v19  }
0x14a: {  	v23 =	vsub.f32 v10, v23;
	v21 =	vnsel vm3, $0x0, v17;
	v19 =	vnsel vm5, $0x0, v35;
	v29 =	vld.idx.msk [tilespmem:v15+s14+$0x0], $0xffff  }
0x14b: {  	v27 =	vsub.f32 v7, v27;
	v15 =	vnsel vm4, $0x0, v16;
	v31 =	vsub.f32 v7, v31;
	v30 =	vld.idx.msk [tilespmem:v14+s14+$0x0], $0xffff;
	v14 =	vmovc v21  }
0x14c: {  	s30 =	sadd.s32 $0x1, s29;
	v18 =	vmul.f32 v18, v18;
	v21 =	vsub.f32 v9, v25;
	v33 =	vld.idx.msk [tilespmem:v13+s13+$0x0], $0xffff  }
0x14d: {  	v36 =	vor.u32 s29, v11;
	v24 =	vor.u32 s30, v11;
	s30 =	sadd.s32 $0x3, s29;
	v32 =	vshll.u32 v32, $0xA;
	v25 =	vld.idx.msk [tilespmem:v13+s12+$0x0], $0xffff  }
0x14e: {  	v23 =	vmul.f32 v23, v23;
	s29 =	sadd.s32 $0x2, s29;
	v34 =	vor.u32 s30, v11;
	v38 =	vadd.s32 v8, v32;
	v37 =	vld.idx.msk [tilespmem:v13+s2+$0x0], $0xffff  }
0x14f: {  	v39 =	vor.u32 s29, v11;
	v27 =	vmul.f32 v27, v27;
	v22 =	vsub.f32 v7, v22;
	v40 =	vld.idx.msk [tilespmem:v19+s14+$0x0], $0xffff  }
0x150: {  	v23 =	vadd.f32 v28, v23;
	v28 =	vmul.f32 v31, v31;
	v29 =	vshll.u32 v29, $0xA;
	v41 =	vld.idx.msk [tilespmem:v15+s2+$0x0], $0xffff  }
0x151: {  	v18 =	vadd.f32 v20, v18;
	v20 =	vshll.u32 v30, $0xA;
	v30 =	vmul.f32 v21, v21;
	v42 =	vld.idx.msk [tilespmem:v19+s12+$0x0], $0xffff  }
0x152: {  	v44 =	vmul.f32 v22, v22;
	v22 =	vadd.f32 v28, v23;
	v43 =	vsub.f32 v7, v33;
	v21 =	vld.idx.msk [tilespmem:v14+s2+$0x0], $0xffff  }
.Ltmp3:
0x153: {  	v45 =	vadd.f32 v27, v18;
	v31 =	vsub.f32 v9, v25;
	v25 =	vadd.s32 v8, v20;
	v23 =	vld.idx.msk [tilespmem:v19+s2+$0x0], $0xffff;
	(pc) =	sbr.rel @p0 .LBB2_8-.Ltmp3, $4  }
0x154: {  	v18 =	vadd.f32 v30, v26;
	v26 =	vsel vm2, $0xFFFFFFFF, v38;
	v32 =	vsub.f32 v10, v37;
	v28 =	vld.idx.msk [tilespmem:v14+s12+$0x0], $0xffff;
	[tilespmem:s28+$0x2000] =	vst v22  }
0x155: {  	v33 =	vadd.s32 v8, v29;
	v31 =	vmul.f32 v31, v31;
	v27 =	vshll.u32 v40, $0xA;
	v20 =	vld.idx.msk [tilespmem:v39+s11+$0x0], $0xffff;
	[tilespmem:s24+$0x0] =	vst v26  }
0x156: {  	v26 =	vsub.f32 v10, v41;
	v22 =	vld.idx.msk [tilespmem:v34+s11+$0x0], $0xffff;
	v34 =	vadd.s32 v8, v27;
	v27 =	vadd.f32 v44, v18  }
0x157: {  	s19 =	sadd.s32 $0x100, s19;
	vm2 =	veq.s32 v35, $0xFFFFFFFF;
	v30 =	vmul.f32 v43, v43;
	s28 =	smov.u32 s26;
	v29 =	vsub.f32 v9, v42;
	v18 =	vld.idx.msk [tilespmem:v36+s11+$0x0], $0xffff;
	[tilespmem:s23+$0xFFFFFF80] =	vst v45  }
0x158: {  	_ =	sdelay $0x3  }
0x159: {  	v11 =	vld.idx.msk [tilespmem:v24+s11+$0x0], $0xffff  }
0x15a: {  	v47 =	vld.idx.msk [tilespmem:v14+s13+$0x0], $0xffff  }
0x15b: {  	v19 =	vld.idx.msk [tilespmem:v19+s13+$0x0], $0xffff;
	vm4 =	vgt.s32 v20, $0x0  }
0x15c: {  	v45 =	vmul.f32 v32, v32;
	v46 =	vsel vm2, $0xFFFFFFFF, v34;
	v49 =	vld.idx.msk [tilespmem:v15+s12+$0x0], $0xffff;
	v50 =	vnsel vm4, $0x0, v20  }
0x15d: {  	v33 =	vsel vm1, $0xFFFFFFFF, v33;
	vm8 =	veq.s32 v17, $0xFFFFFFFF;
	vm9 =	veq.s32 v16, $0xFFFFFFFF;
	v13 =	vld.idx.msk [tilespmem:v13+s14+$0x0], $0xffff  }
0x15e: {  	vm3 =	veq.s32 v12, $0xFFFFFFFF;
	v53 =	vld.idx.msk [tilespmem:v15+s13+$0x0], $0xffff;
	v23 =	vsub.f32 v10, v23;
	v21 =	vsub.f32 v10, v21  }
0x15f: {  	v55 =	vld.idx.msk [tilespmem:v15+s14+$0x0], $0xffff;
	v26 =	vmul.f32 v26, v26;
	v25 =	vsel vm0, $0xFFFFFFFF, v25;
	vm5 =	vgt.s32 v22, $0x0  }
0x160: {  	v57 =	vld.idx.msk [tilespmem:v14+s14+$0x0], $0xffff;
	v48 =	vsub.f32 v9, v28;
	v29 =	vmul.f32 v29, v29;
	v54 =	vnsel vm5, $0x0, v22  }
0x161: {  	v24 =	vadd.f32 v31, v45;
	v23 =	vmul.f32 v23, v23;
	v21 =	vmul.f32 v21, v21;
	v36 =	vld.idx.msk [tilespmem:v50+s13+$0x0], $0xffff  }
0x162: {  	vm13 =	veq.s32 v20, $0xFFFFFFFF;
	v51 =	vmul.f32 v48, v48;
	vm12 =	veq.s32 v22, $0xFFFFFFFF;
	v58 =	vld.idx.msk [tilespmem:v50+s12+$0x0], $0xffff  }
0x163: {  	v52 =	vadd.f32 v30, v24;
	vm10 =	vgt.s32 v18, $0x0;
	v23 =	vadd.f32 v29, v23;
	v59 =	vld.idx.msk [tilespmem:v50+s2+$0x0], $0xffff  }
0x164: {  	v19 =	vsub.f32 v7, v19;
	v35 =	vnsel vm10, $0x0, v18;
	v34 =	vsub.f32 v7, v47;
	v12 =	vld.idx.msk [tilespmem:v50+s14+$0x0], $0xffff  }
0x165: {  	vm11 =	vgt.s32 v11, $0x0;
	v28 =	vsub.f32 v9, v49;
	v16 =	vadd.f32 v51, v21;
	v60 =	vld.idx.msk [tilespmem:v54+s14+$0x0], $0xffff  }
0x166: {  	v13 =	vshll.u32 v13, $0xA;
	v24 =	vsub.f32 v7, v53;
	v15 =	vshll.u32 v55, $0xA;
	v62 =	vld.idx.msk [tilespmem:v54+s12+$0x0], $0xffff  }
0x167: {  	v14 =	vshll.u32 v57, $0xA;
	v56 =	vnsel vm11, $0x0, v11;
	v28 =	vmul.f32 v28, v28;
	v39 =	vld.idx.msk [tilespmem:v54+s2+$0x0], $0xffff  }
0x168: {  	v13 =	vadd.s32 v8, v13;
	v14 =	vadd.s32 v8, v14;
	v19 =	vmul.f32 v19, v19;
	v41 =	vld.idx.msk [tilespmem:v54+s13+$0x0], $0xffff  }
0x169: {  	v34 =	vmul.f32 v34, v34;
	v24 =	vmul.f32 v24, v24;
	v26 =	vadd.f32 v28, v26;
	v63 =	vld.idx.msk [tilespmem:v35+s2+$0x0], $0xffff  }
0x16a: {  	[tilespmem:s23+$0xFFFFFFC0] =	vst v27;
	v15 =	vadd.s32 v8, v15;
	v13 =	vsel vm3, $0xFFFFFFFF, v13;
	v19 =	vadd.f32 v19, v23;
	v38 =	vld.idx.msk [tilespmem:v35+s12+$0x0], $0xffff  }
0x16b: {  	[tilespmem:s24+$0xFFFFFFC0] =	vst v33;
	v15 =	vsel vm9, $0xFFFFFFFF, v15;
	v16 =	vadd.f32 v34, v16;
	v40 =	vld.idx.msk [tilespmem:v35+s13+$0x0], $0xffff;
	v24 =	vadd.f32 v24, v26  }
0x16c: {  	s30 =	sor.u32 $0x70, s25;
	[tilespmem:s24+$0xFFFFFF80] =	vst v25;
	v45 =	vsel vm8, $0xFFFFFFFF, v14;
	v61 =	vld.idx.msk [tilespmem:v56+s2+$0x0], $0xffff;
	v36 =	vsub.f32 v7, v36;
	v29 =	vsub.f32 v9, v58  }
0x16d: {  	[tilespmem:s30+$0x3000] =	vst v46;
	v43 =	vld.idx.msk [tilespmem:v56+s12+$0x0], $0xffff;
	v21 =	vsub.f32 v10, v59;
	v12 =	vshll.u32 v12, $0xA;
	v28 =	vsub.f32 v9, v62  }
0x16e: {  	[tilespmem:s20+$0x0] =	vst v52;
	v46 =	vld.idx.msk [tilespmem:v56+s13+$0x0], $0xffff;
	v23 =	vshll.u32 v60, $0xA;
	v47 =	vsub.f32 v10, v39;
	v51 =	vsub.f32 v7, v41  }
0x16f: {  	[tilespmem:s21+$0x0] =	vst v13;
	v29 =	vmul.f32 v29, v29;
	v23 =	vadd.s32 v8, v23;
	v21 =	vmul.f32 v21, v21  }
0x170: {  	[tilespmem:s30+$0x2000] =	vst v19;
	v42 =	vmul.f32 v36, v36;
	v44 =	vsub.f32 v9, v38;
	v50 =	vsub.f32 v10, v63  }
0x171: {  	v57 =	vld.idx.msk [tilespmem:v35+s14+$0x0], $0xffff;
	[tilespmem:s20+$0xFFFFFF80] =	vst v16;
	v53 =	vsub.f32 v7, v40;
	v34 =	vsub.f32 v10, v61;
	v23 =	vsel vm12, $0xFFFFFFFF, v23  }
0x172: {  	v55 =	vld.idx.msk [tilespmem:v56+s14+$0x0], $0xffff;
	v49 =	vmul.f32 v28, v28;
	v20 =	vmul.f32 v47, v47;
	v54 =	vsub.f32 v9, v43  }
0x173: {  	[tilespmem:s21+$0xFFFFFF80] =	vst v45;
	v56 =	vmul.f32 v51, v51;
	v7 =	vsub.f32 v7, v46;
	v21 =	vadd.f32 v29, v21  }
0x174: {  	s22 =	sadd.s32 $0x100, s22;
	[tilespmem:s20+$0xFFFFFFC0] =	vst v24;
	v48 =	vmul.f32 v44, v44;
	v10 =	vmul.f32 v50, v50;
	v19 =	vadd.f32 v49, v20  }
0x175: {  	s22 =	sor.u32 $0x70, s22;
	[tilespmem:s21+$0xFFFFFFC0] =	vst v15;
	v52 =	vmul.f32 v34, v34;
	v9 =	vmul.f32 v54, v54;
	v17 =	vadd.f32 v42, v21  }
0x176: {  	s31 =	sadd.s32 $0x100, s20;
	[tilespmem:s22+$0x3000] =	vst v23;
	v58 =	vmul.f32 v53, v53;
	v10 =	vadd.f32 v48, v10;
	v59 =	vadd.f32 v56, v19  }
0x177: {  	v12 =	vadd.s32 v8, v12;
	v7 =	vmul.f32 v7, v7;
	v9 =	vadd.f32 v9, v52;
	[tilespmem:s31+$0x0] =	vst v17  }
0x178: {  	v12 =	vsel vm13, $0xFFFFFFFF, v12;
	v10 =	vadd.f32 v58, v10;
	[tilespmem:s22+$0x2000] =	vst v59  }
0x179: {  	v60 =	vshll.u32 v55, $0xA;
	[tilespmem:s19+$0x0] =	vst v12;
	v7 =	vadd.f32 v7, v9  }
0x17a: {  	vm14 =	veq.s32 v11, $0xFFFFFFFF;
	v61 =	vshll.u32 v57, $0xA;
	v62 =	vadd.s32 v8, v60;
	[tilespmem:s31+$0xFFFFFF80] =	vst v10  }
0x17b: {  	vm15 =	veq.s32 v18, $0xFFFFFFFF;
	v8 =	vadd.s32 v8, v61;
	v63 =	vsel vm14, $0xFFFFFFFF, v62;
	[tilespmem:s31+$0xFFFFFFC0] =	vst v7  }
0x17c: {  	v7 =	vsel vm15, $0xFFFFFFFF, v8;
	[tilespmem:s19+$0xFFFFFFC0] =	vst v63  }
0x17d: {  	[tilespmem:s19+$0xFFFFFF80] =	vst v7  }
0x17e: {  	[hbm4b:s8+s2] =	stream.linear.scatter [tilespmem:s16], [sflag:$0x1], $0x1000, $0x38;
	[tilespmem:$0x4000] =	vst v63  }
0x17f: {  	s18 =	sadd.s32 $0x1, s18  }
0x180: {  	[hbm4b:s9+s2] =	stream.linear.scatter [tilespmem:s17], [sflag:$0x1], $0x1000, $0x38;
	[tilespmem:$0x4000] =	vst v63  }
0x181: {  	p0 =	sne.s32 s18, s10;
	_ =	swait.ge [sflag:s15], $0x1000  }
.Ltmp4:
0x182: {  	[sflag:s15] =	ssyncset.done $0x0;
	(pc) =	sbr.rel @p0 .LBB2_1-.Ltmp4, $4  }
0x183: {  	[sflag:s15] =	ssyncadd.s32 $0xFFFFF000  }
0x184: {  	_ =	swait.ge [sflag:s15], $0x1000  }
0x185: {  	[sflag:s15] =	ssyncset.done $0x0  }
0x186: {  	[sflag:s15] =	ssyncadd.s32 $0xFFFFF000  }
0x187: {  	_ =	sfence.sel $0x180000  }
0x188: {  	[bflag:$0x0] =	sbarrier.arrive $0xFFFF  }
0x189: {  	p0 =	sne.s32 s1, $0x0;
	_ =	strace $0x90000047  }
0x18a: {  	s0 =	sadd.s32 @!p0 $0x100000, s0;
	[bflag:$0x2] =	sbarrier.arrive $0xFFFF  }
0x18b: {  	[sflag:s0] =	ssyncadd.tile.s32 @!p0 $0x1;
	_ =	shalt  }
.Lfunc_end2:
_tile_overlayer_lowered:
.L_overlay_start_2:
0x18c: {  	(tag) =	ssettag $0x2  }
0x18d: {  	s0 =	rddreg [dreg:$0x0];
	s2 =	stileid.u32  }
0x18e: {  	s1 =	rddreg [dreg:$0x1];
	p0 =	sne.s32 s2, $0x0  }
0x18f: {  	s3 =	rddreg [dreg:$0x2];
	[bflag:$0x3] =	sbarrier.arrive $0xFFFF;
	s2 =	simm.s32 @!p0 $0x1C02  }
0x190: {  	[timem:s3], [sflag:s2] =	dma.local @!p0 [hbm:s0], s1  }
0x191: {  	s0 =	simm.s32 @!p0 $0x2  }
0x192: {  	_ =	swait.ge @!p0 [sflag:s0], s1  }
0x193: {  	s1 =	ssub.s32 @!p0 $0x0, s1;
	[sflag:s0] =	ssyncset.done @!p0 $0x0  }
0x194: {  	[sflag:s0] =	ssyncadd.s32 @!p0 s1  }
0x195: {  	[bflag:$0x3] =	sbarrier.arrive $0xFFFF  }
0x196: {  	_ =	shalt  }

// kernel: _pair_tab.8.cloned.1.call-start
scs
__scs_entry_jumppad:
0x0: {  	(pc) =	sbr.rel $0x88, $3  }
0x1: {  	(tag) =	ssettag $0x0;
	lr =	simm.s32 $0x1  }
0x2: {  	[smem:$0x3F9C] =	sst lr;
	_ =	strace $0xD0000000  }
0x3: {  	_ = 	snop  }
0x4: {  	_ = 	snop  }
0x5: {  	_ = 	snop  }
0x6: {  	_ = 	snop  }
0x7: {  	_ = 	snop  }
__scs_overlays_trampoline_lowered:
0x8: {  	[smem:$0x3FAB] =	sst s0  }
0x9: {  	[smem:$0x3FAC] =	sst s1  }
0xa: {  	[smem:$0x3FAD] =	sst s2  }
0xb: {  	[smem:$0x3FAE] =	sst s3  }
0xc: {  	[smem:$0x3FAF] =	sst s4  }
0xd: {  	[smem:$0x3FB0] =	sst s5  }
0xe: {  	[smem:$0x3FB1] =	sst s6  }
0xf: {  	[smem:$0x3FB2] =	sst s7  }
0x10: {  	[smem:$0x3FB3] =	sst s8  }
0x11: {  	[smem:$0x3FB4] =	sst s9;
	s0 =	simm.s32 @!p0 $0x0  }
0x12: {  	s1 =	sld [smem:$0x3F9A];
	s0 =	simm.s32 @p0 $0x1  }
0x13: {  	[smem:$0x3FB5] =	sst s0;
	s0 =	simm.s32 @!p1 $0x0  }
0x14: {  	s2 =	sld [smem:$0x3F99];
	s0 =	simm.s32 @p1 $0x1  }
0x15: {  	[smem:$0x3FB6] =	sst s0;
	s0 =	simm.s32 @!p2 $0x0  }
0x16: {  	s3 =	sld [smem:$0x3FDB];
	s0 =	simm.s32 @p2 $0x1  }
0x17: {  	s4 =	simm.s32 $0x1BF5;
	[smem:$0x3FB8] =	sst s0  }
0x18: {  	s0 =	sld [smem:$0x3F9B];
	_ =	swait.ge [sflag:s4], $0x0  }
0x19: {  	s7 =	sld [smem:$0x3F9C]  }
0x1a: {  	s8 =	sadd.s32 $0xFFFFE003, lr  }
0x1b: {  	s9 =	sadd.s32 $0xFFFFFEF7, lr;
	s5 =	simm.s32 $0xFFFFFFFF;
	p2 =	slt.u32 s8, $0xFFFFF086  }
0x1c: {  	p1 =	slt.u32 s9, $0xF7A;
	s5 =	simm.s32 @!p2 $0x0  }
0x1d: {  	s5 =	simm.s32 @p1 $0x1;
	p0 =	seq.s32 s7, s2  }
0x1e: {  	s7 =	smul.u32 @!p0 $0xF7A, s2;
	p2 =	seq.s32 @!p0 s5, $0x0  }
0x1f: {  	s9 =	smul.u32 $0xF7A, s1;
	s8 =	simm.s32 @!p0 $0x1BF5;
	p2 =	por !p2, p0  }
0x20: {  	[sflag:s8] =	ssyncset.s32 @!p0 $0xFFFFF086;
	s6 =	sadd.s32 @!p0 s3, s7;
	s7 =	simm.s32 @!p0 $0x108  }
0x21: {  	s3 =	sadd.s32 s3, s9;
	s6 =	sadd.s32 @!p0 $0x88, s6;
	s7 =	simm.s32 @p2 $0x1082  }
0x22: {  	[simem:s7], [sflag:s8] =	dma.local @!p0 [hbm:s6], $0xF7A  }
0x23: {  	s9 =	sor.u32 $0xD0000000, s2;
	s6 =	simm.s32 $0x108;
	_ =	swait.ge @!p0 [sflag:s8], $0x0  }
0x24: {  	s3 =	sadd.s32 $0x88, s3;
	s6 =	simm.s32 @!p1 $0x1082;
	[sflag:s4] =	ssyncset.s32 $0xFFFFF086  }
0x25: {  	[simem:s6], [sflag:s4] =	dma.local [hbm:s3], $0xF7A  }
0x26: {  	[smem:$0x3F9C] =	sst s1;
	(tag) =	ssettag s2;
	_ =	strace s9  }
0x27: {  	s1 =	sld [smem:$0x3FAC]  }
0x28: {  	s2 =	sld [smem:$0x3FAD]  }
0x29: {  	s4 =	sld [smem:$0x3FAF]  }
0x2a: {  	p0 =	seq.s32 s5, $0x0;
	s5 =	sld [smem:$0x3FB0]  }
0x2b: {  	s6 =	sld [smem:$0x3FB1]  }
0x2c: {  	s7 =	sld [smem:$0x3FB2]  }
0x2d: {  	s3 =	simm.s32 $0x108;
	s8 =	sld [smem:$0x3FB3]  }
0x2e: {  	s3 =	simm.s32 @!p0 $0x1082;
	s9 =	sld [smem:$0x3FB4]  }
0x2f: {  	lr =	sadd.s32 s0, s3;
	s0 =	sld [smem:$0x3FAB]  }
0x30: {  	s3 =	sld [smem:$0x3FAE]  }
0x31: {  	[smem:$0x3FB7] =	sst s10  }
0x32: {  	s10 =	sld [smem:$0x3FB5];
	_ =	sdelay $0x3  }
0x33: {  	p0 =	seq.s32 s10, $0x1;
	s10 =	sld [smem:$0x3FB7];
	_ =	sdelay $0x3  }
0x34: {  	[smem:$0x3FB7] =	sst s10  }
0x35: {  	s10 =	sld [smem:$0x3FB6];
	_ =	sdelay $0x3  }
0x36: {  	p1 =	seq.s32 s10, $0x1;
	s10 =	sld [smem:$0x3FB7];
	_ =	sdelay $0x3  }
0x37: {  	[smem:$0x3FB7] =	sst s10  }
0x38: {  	s10 =	sld [smem:$0x3FB8]  }
0x39: {  	_ = 	snop;
	(pc) =	sbr.ind lr, $3  }
0x3a: {  	_ = 	snop  }
0x3b: {  	_ = 	snop  }
0x3c: {  	p2 =	seq.s32 s10, $0x1;
	s10 =	sld [smem:$0x3FB7]  }
0x3d: {  	_ =	shalt  }
0x3e: {  	_ =	shalt  }
0x3f: {  	_ =	shalt  }
0x40: {  	_ =	shalt  }
0x41: {  	_ =	shalt  }
0x42: {  	_ =	shalt  }
0x43: {  	_ =	shalt  }
0x44: {  	_ =	shalt  }
0x45: {  	_ =	shalt  }
0x46: {  	_ =	shalt  }
0x47: {  	_ =	shalt  }
0x48: {  	_ =	shalt  }
0x49: {  	_ =	shalt  }
0x4a: {  	_ =	shalt  }
0x4b: {  	_ =	shalt  }
0x4c: {  	_ =	shalt  }
0x4d: {  	_ =	shalt  }
0x4e: {  	_ =	shalt  }
0x4f: {  	_ =	shalt  }
0x50: {  	_ =	shalt  }
0x51: {  	_ =	shalt  }
0x52: {  	_ =	shalt  }
0x53: {  	_ =	shalt  }
0x54: {  	_ =	shalt  }
0x55: {  	_ =	shalt  }
0x56: {  	_ =	shalt  }
0x57: {  	_ =	shalt  }
0x58: {  	_ =	shalt  }
0x59: {  	_ =	shalt  }
0x5a: {  	_ =	shalt  }
0x5b: {  	_ =	shalt  }
0x5c: {  	_ =	shalt  }
0x5d: {  	_ =	shalt  }
0x5e: {  	_ =	shalt  }
0x5f: {  	_ =	shalt  }
0x60: {  	_ =	shalt  }
0x61: {  	_ =	shalt  }
0x62: {  	_ =	shalt  }
0x63: {  	_ =	shalt  }
0x64: {  	_ =	shalt  }
0x65: {  	_ =	shalt  }
0x66: {  	_ =	shalt  }
0x67: {  	_ =	shalt  }
0x68: {  	_ =	shalt  }
0x69: {  	_ =	shalt  }
0x6a: {  	_ =	shalt  }
0x6b: {  	_ =	shalt  }
0x6c: {  	_ =	shalt  }
0x6d: {  	_ =	shalt  }
0x6e: {  	_ =	shalt  }
0x6f: {  	_ =	shalt  }
0x70: {  	_ =	shalt  }
0x71: {  	_ =	shalt  }
0x72: {  	_ =	shalt  }
0x73: {  	_ =	shalt  }
0x74: {  	_ =	shalt  }
0x75: {  	_ =	shalt  }
0x76: {  	_ =	shalt  }
0x77: {  	_ =	shalt  }
0x78: {  	_ =	shalt  }
0x79: {  	_ =	shalt  }
0x7a: {  	_ =	shalt  }
0x7b: {  	_ =	shalt  }
0x7c: {  	_ =	shalt  }
0x7d: {  	_ =	shalt  }
0x7e: {  	_ =	shalt  }
0x7f: {  	_ =	shalt  }
0x80: {  	_ =	shalt  }
0x81: {  	_ =	shalt  }
0x82: {  	_ =	shalt  }
0x83: {  	_ =	shalt  }
0x84: {  	_ =	shalt  }
0x85: {  	_ =	shalt  }
0x86: {  	_ =	shalt  }
0x87: {  	_ =	shalt  }
.Lfunc_end0:
.L_simem_size_0:
called_computation.1_lowered:
.L_overlay_start_0:
0x88: {  	s2 =	sld [smem:$0x3FD9]  }
0x89: {  	s3 =	sld [smem:$0x3FFE];
	_ =	sdelay $0x1  }
0x8a: {  	s1 =	srdreg.scid  }
0x8b: {  	s0 =	sand.u32 $0x1, s1  }
0x8c: {  	s17 =	sshll.u32 s0, $0xA;
	s2 =	sadd.s32 s3, s2  }
0x8d: {  	s2 =	sadd.s32 s2, s17  }
0x8e: {  	[smem:$0x3FC3] =	sst s2  }
0x8f: {  	_ = 	snop  }
0x90: {  	s2 =	sld [smem:$0x3FC6]  }
0x91: {  	s18 =	sld [smem:$0x3FD0];
	(tm) =	ssettm $0x1  }
0x92: {  	s4 =	sld [smem:$0x3FFB];
	_ =	sdelay $0x3  }
0x93: {  	_ =	strace s4  }
0x94: {  	s4 =	sld [smem:$0x3FFC];
	_ =	sdelay $0x3  }
0x95: {  	_ =	strace s4  }
0x96: {  	s4 =	sld [smem:$0x3FFD];
	_ =	sdelay $0x3  }
0x97: {  	_ =	strace s4  }
0x98: {  	_ =	strace $0x8FFFFFFF  }
0x99: {  	s19 =	sld [smem:$0x3FDB];
	_ =	sdelay $0x1  }
0x9a: {  	s5 =	simm.s32 $_scs_section_size  }
0x9b: {  	s6 =	simm.s32 $_size__tile_overlayer_lowered;
	s7 =	simm.s32 $_tile_overlayer_lowered  }
0x9c: {  	s22 =	simm.s32 $0x1BFF;
	s21 =	sshll.u32 s7, $0x1;
	s4 =	sadd.s32 s5, s19  }
0x9d: {  	s8 =	simm.s32 $0x0;
	s20 =	sshll.u32 s6, $0x1;
	s6 =	sadd.s32 s21, s4  }
0x9e: {  	[timem:s8], [sflag:s22] =	dma.local [hbm:s6], s20  }
0x9f: {  	_ =	swait.ge [sflag:s22], s20  }
0xa0: {  	s5 =	ssub.s32 $0x0, s20;
	[sflag:s22] =	ssyncset.done $0x0  }
0xa1: {  	[sflag:s22] =	ssyncadd.s32 s5;
	_ =	sdelay $0x1  }
0xa2: {  	s23 =	simm.s32 $0x1B8B  }
0xa3: {  	_ =	swait.ge [sflag:s23], $0x1  }
0xa4: {  	[sflag:s23] =	ssyncset.done $0x0  }
0xa5: {  	s25 =	simm.s32 $0x1B8E;
	s24 =	sld [smem:$0x3FFE];
	[sflag:s23] =	ssyncadd.s32 $0xFFFFFFFF  }
0xa6: {  	s26 =	simm.s32 $execute0_lowered;
	[smem:$0x3FD2] =	sst s25  }
0xa7: {  	s6 =	sshll.u32 s26, $0x1;
	_ =	strace $0x80000049;
	[dreg:$0x1] =	wrdreg $0xFFFFFFFF  }
0xa8: {  	s28 =	simm.s32 $_size_execute0_lowered;
	s4 =	sadd.s32 s4, s6;
	[dreg:$0x0] =	wrdreg $0x0  }
0xa9: {  	s6 =	sshll.u32 s28, $0x1;
	[dreg:$0x2] =	wrdreg s4  }
0xaa: {  	[dreg:$0x3] =	wrdreg s6  }
0xab: {  	[dreg:$0x4] =	wrdreg $0xC0  }
0xac: {  	_ =	task [dreg:s8], $0x5FFFF  }
0xad: {  	[dreg:$0x1] =	wrdreg $0xFFFFFFFF  }
0xae: {  	[dreg:$0x0] =	wrdreg $0x60  }
0xaf: {  	[dreg:$0x2] =	wrdreg s24  }
0xb0: {  	[dreg:$0x3] =	wrdreg s2  }
0xb1: {  	[dreg:$0x4] =	wrdreg s18  }
0xb2: {  	[dreg:$0x5] =	wrdreg $0x9  }
0xb3: {  	_ =	task.clear_ibuf [dreg:s8], $0x6FFFF;
	_ =	strace $0x90000049  }
0xb4: {  	s29 =	simm.s32 $0x9;
	_ =	strace $0x8000004B  }
0xb5: {  	_ =	swait.ge [sflag:s29], $0x1  }
0xb6: {  	[sflag:s29] =	ssyncadd.s32 $0xFFFFFFFF  }
0xb7: {  	_ =	strace $0x9000004B  }
0xb8: {  	_ =	sfence  }
0xb9: {  	s30 =	sld [smem:$0x0];
	_ =	sdelay $0x2  }
0xba: {  	s31 =	sshll.u32 s1, $0xD;
	s1 =	sshrl.u32 s1, $0x2  }
0xbb: {  	s3 =	sand.u32 $0x4000, s31;
	s1 =	sadd.s32 s1, s30  }
0xbc: {  	s0 =	sor.u32 s3, s0;
	s1 =	sshll.u32 s1, $0x11  }
0xbd: {  	s0 =	sor.u32 s1, s0  }
0xbe: {  	s0 =	sadd.s32 $0x8F2B, s0  }
0xbf: {  	[sflag:s0] =	ssyncadd.remote.s32 $0x1  }
0xc0: {  	_ =	sfence.sel $0xFFFF  }
0xc1: {  	[dreg:$0x0] =	wrdreg $0xFFFFFFFF;
	(pc) =	sbr.abs _section_cstart, $3  }
0xc2: {  	[dreg:$0x1] =	wrdreg $0xFFFFFFFF  }
0xc3: {  	_ =	task.clear_ibuf [dreg:s8], $0x2FFFF;
	_ =	strace $0x9FFFFFFF  }
0xc4: {  	(tm) =	ssettm $0x7FFFFFFF  }
0xc5: {  	_ =	shalt  }
tec
execute0_lowered:
.L_overlay_start_1:
0x0: {  	(tag) =	ssettag $0x1  }
0x1: {  	s4 =	rddreg [dreg:$0x0]  }
0x2: {  	s2 =	rddreg [dreg:$0x1]  }
0x3: {  	s1 =	srdreg.scid;
	s0 =	stileid.u32  }
0x4: {  	s9 =	rddreg [dreg:$0x2];
	s3 =	simm.s32 $0x0;
	s12 =	simm.s32 $0x2000  }
0x5: {  	s13 =	simm.s32 $0x6000;
	s14 =	simm.s32 $0xA000;
	s15 =	simm.s32 $0xE000  }
0x6: {  	s16 =	simm.s32 $0x1;
	s17 =	simm.s32 $0x12000;
	s18 =	simm.s32 $0x2  }
0x7: {  	s19 =	simm.s32 $0x0;
	s5 =	sand.u32 $0x1, s1;
	s1 =	rddreg [dreg:$0x3]  }
0x8: {  	s6 =	sshll.u32 s0, $0x1;
	[smem:$0x7FF] =	sst s3;
	s7 =	sadd.s32 $0x1000, s2  }
0x9: {  	s8 =	sor.u32 s5, s6;
	s5 =	ssub.s32 $0x2, s5;
	_ =	strace $0x8000004A  }
0xa: {  	s6 =	sshll.u32 s8, $0x9;
	s31 =	sshrl.u32 s5, $0x1;
	s11 =	sshll.u32 s8, $0x3  }
0xb: {  	s8 =	sadd.s32 $0x1800, s2;
	s6 =	sadd.s32 s6, s4;
	s10 =	ssub.s32 s5, s31  }
0xc: {  	s9 =	sadd.s32 s9, s11;
	s11 =	simm.s32 $0x1000;
	s4 =	sadd.s32 $0x1800, s6  }
0xd: {  	s5 =	sadd.s32 $0x5800, s6;
	s6 =	sadd.s32 $0x800, s2;
	s10 =	smax.u32 s10, $0x1  }
.LBB2_1:
0xe: {  	[tilespmem:s3], [sflag:$0x1] =	stream.linear.gather [hbm4b:s4+s3], $0x1000, $0x38;
	[tilespmem:$0x12080] =	vst v63  }
0xf: {  	_ = 	snop  }
0x10: {  	[tilespmem:s11], [sflag:$0x1] =	stream.linear.gather [hbm4b:s5+s3], $0x1000, $0x38;
	[tilespmem:$0x12080] =	vst v63  }
0x11: {  	_ = 	snop  }
0x12: {  	[tilespmem:s12], [sflag:$0x1] =	stream.linear.gather [hbm4b:s2+s3], $0x4000, $0x38;
	[tilespmem:$0x12080] =	vst v63  }
0x13: {  	_ = 	snop  }
0x14: {  	[tilespmem:s13], [sflag:$0x1] =	stream.linear.gather [hbm4b:s6+s3], $0x4000, $0x38;
	[tilespmem:$0x12080] =	vst v63  }
0x15: {  	_ = 	snop  }
0x16: {  	[tilespmem:s14], [sflag:$0x1] =	stream.linear.gather [hbm4b:s7+s3], $0x4000, $0x38;
	[tilespmem:$0x12080] =	vst v63  }
0x17: {  	_ = 	snop  }
0x18: {  	[tilespmem:s15], [sflag:$0x1] =	stream.linear.gather [hbm4b:s8+s3], $0x4000, $0x38;
	[tilespmem:$0x12080] =	vst v63  }
0x19: {  	_ =	swait.ge [sflag:s16], $0x1000  }
0x1a: {  	[sflag:s16] =	ssyncset.done $0x0  }
0x1b: {  	[sflag:s16] =	ssyncadd.s32 $0xFFFFF000  }
0x1c: {  	_ =	swait.ge [sflag:s16], $0x1000  }
0x1d: {  	[sflag:s16] =	ssyncset.done $0x0  }
0x1e: {  	[sflag:s16] =	ssyncadd.s32 $0xFFFFF000  }
0x1f: {  	_ =	swait.ge [sflag:s16], $0x4000  }
0x20: {  	[sflag:s16] =	ssyncset.done $0x0  }
0x21: {  	[sflag:s16] =	ssyncadd.s32 $0xFFFFC000  }
0x22: {  	_ =	swait.ge [sflag:s16], $0x4000  }
0x23: {  	[sflag:s16] =	ssyncset.done $0x0  }
0x24: {  	[sflag:s16] =	ssyncadd.s32 $0xFFFFC000  }
0x25: {  	_ =	swait.ge [sflag:s16], $0x4000  }
0x26: {  	[sflag:s16] =	ssyncset.done $0x0  }
0x27: {  	[sflag:s16] =	ssyncadd.s32 $0xFFFFC000  }
0x28: {  	_ =	swait.ge [sflag:s16], $0x4000  }
0x29: {  	[sflag:s16] =	ssyncset.done $0x0  }
0x2a: {  	s20 =	simm.s32 $0x1080;
	[sflag:s16] =	ssyncadd.s32 $0xFFFFC000  }
0x2b: {  	v0 =	vld [tilespmem:s20+$0xFFFFFF80];
	_ =	sdelay $0x1  }
0x2c: {  	s21 =	simm.s32 $0x80;
	v1 =	vld [tilespmem:s20+$0xFFFFFFC0]  }
0x2d: {  	v4 =	vld [tilespmem:s21+$0x40]  }
0x2e: {  	v2 =	vld [tilespmem:s20+$0x0]  }
0x2f: {  	v3 =	vld [tilespmem:s20+$0x40];
	vm3 =	vlt.s32 v0, $0x0  }
0x30: {  	v5 =	vld [tilespmem:s21+$0x0];
	v0 =	vsel vm3, $0x0, v0  }
0x31: {  	v6 =	vld [tilespmem:s21+$0xFFFFFFC0]  }
0x32: {  	s31 =	simm.s32 $0x1180;
	v7 =	vld [tilespmem:s21+$0xFFFFFF80];
	vm1 =	vlt.s32 v1, $0x0  }
0x33: {  	v8 =	vld [tilespmem:s31+$0xFFFFFF80];
	v1 =	vsel vm1, $0x0, v1  }
0x34: {  	v60 =	vld [tilespmem:s31+$0xFFFFFFC0];
	vm0 =	vlt.s32 v2, $0x0  }
0x35: {  	vm2 =	vlt.s32 v3, $0x0;
	v2 =	vsel vm0, $0x0, v2;
	v9 =	vld.idx.msk [tilespmem:v0+s14+$0x0], $0xffff  }
0x36: {  	v3 =	vsel vm2, $0x0, v3;
	v10 =	vld.idx.msk [tilespmem:v0+s12+$0x0], $0xffff  }
0x37: {  	v11 =	vld.idx.msk [tilespmem:v0+s13+$0x0], $0xffff  }
0x38: {  	v12 =	vld.idx.msk [tilespmem:v1+s12+$0x0], $0xffff  }
0x39: {  	v13 =	vld.idx.msk [tilespmem:v1+s13+$0x0], $0xffff  }
0x3a: {  	v14 =	vld.idx.msk [tilespmem:v2+s12+$0x0], $0xffff  }
0x3b: {  	v15 =	vld.idx.msk [tilespmem:v3+s12+$0x0], $0xffff;
	v10 =	vmul.f32 v10, v7  }
0x3c: {  	v16 =	vld.idx.msk [tilespmem:v2+s13+$0x0], $0xffff  }
0x3d: {  	v17 =	vld.idx.msk [tilespmem:v3+s13+$0x0], $0xffff;
	v12 =	vmul.f32 v12, v6;
	v10 =	vadd.f32 v11, v10  }
0x3e: {  	v11 =	vld.idx.msk [tilespmem:v1+s14+$0x0], $0xffff  }
0x3f: {  	v18 =	vld.idx.msk [tilespmem:v0+s15+$0x0], $0xffff;
	v57 =	vmul.f32 v14, v5;
	v0 =	vmul.f32 v10, v7;
	v10 =	vadd.f32 v13, v12  }
0x40: {  	v56 =	vld.idx.msk [tilespmem:v2+s14+$0x0], $0xffff;
	v15 =	vmul.f32 v15, v4  }
0x41: {  	v58 =	vld.idx.msk [tilespmem:v3+s14+$0x0], $0xffff;
	v0 =	vadd.f32 v0, v9;
	v9 =	vmul.f32 v10, v6;
	v10 =	vadd.f32 v16, v57  }
0x42: {  	v59 =	vimm.f32 $0.0e+00;
	vm5 =	vlt.s32 v8, $0x0;
	v1 =	vld.idx.msk [tilespmem:v1+s15+$0x0], $0xffff;
	v15 =	vadd.f32 v17, v15  }
0x43: {  	s20 =	simm.s32 $0x180;
	v7 =	vmul.f32 v0, v7;
	v9 =	vadd.f32 v9, v11;
	v11 =	vld.idx.msk [tilespmem:v2+s15+$0x0], $0xffff;
	v2 =	vmul.f32 v10, v5  }
0x44: {  	vm3 =	vmmov vm3;
	vm4 =	vmmov vm1;
	v0 =	vld [tilespmem:s20+$0x40];
	v10 =	vmul.f32 v15, v4  }
0x45: {  	v61 =	vadd.f32 v7, v18;
	v9 =	vmul.f32 v9, v6;
	v2 =	vadd.f32 v2, v56;
	v6 =	vld.idx.msk [tilespmem:v3+s15+$0x0], $0xffff  }
0x46: {  	vm1 =	vmmov vm2;
	v3 =	vsel vm5, $0x0, v8;
	v8 =	vld [tilespmem:s31+$0x0];
	v10 =	vadd.f32 v10, v58  }
0x47: {  	v7 =	vld [tilespmem:s31+$0x40];
	v62 =	vsel vm3, $0x0, v61;
	v9 =	vadd.f32 v9, v1;
	v5 =	vmul.f32 v2, v5  }
0x48: {  	vm2 =	vmmov vm5;
	vm3 =	vlt.s32 v60, $0x0;
	v1 =	vld [tilespmem:s20+$0x0];
	v12 =	vadd.f32 v62, v59  }
0x49: {  	v2 =	vld [tilespmem:s20+$0xFFFFFFC0];
	v63 =	vsel vm4, $0x0, v9;
	v11 =	vadd.f32 v5, v11;
	v9 =	vmul.f32 v10, v4  }
0x4a: {  	s22 =	simm.s32 $0x1280;
	s21 =	simm.s32 $0x4;
	v4 =	vld [tilespmem:s20+$0xFFFFFF80];
	v5 =	vsel vm3, $0x0, v60;
	vm3 =	vmmov vm3;
	v10 =	vadd.f32 v63, v12  }
.LBB2_2:
0x4b: {  	v12 =	vld [tilespmem:s22+$0xFFFFFF80];
	v11 =	vsel vm0, $0x0, v11;
	vm0 =	vlt.s32 v8, $0x0;
	v6 =	vadd.f32 v9, v6  }
0x4c: {  	v9 =	vld.idx.msk [tilespmem:v3+s14+$0x0], $0xffff;
	v8 =	vsel vm0, $0x0, v8;
	vm4 =	vlt.s32 v7, $0x0;
	v10 =	vadd.f32 v11, v10  }
0x4d: {  	v11 =	vld.idx.msk [tilespmem:v3+s12+$0x0], $0xffff;
	v7 =	vsel vm4, $0x0, v7;
	v6 =	vsel vm1, $0x0, v6;
	vm1 =	vmmov vm4  }
0x4e: {  	v13 =	vld.idx.msk [tilespmem:v3+s13+$0x0], $0xffff;
	v10 =	vadd.f32 v6, v10  }
0x4f: {  	v6 =	vld.idx.msk [tilespmem:v5+s12+$0x0], $0xffff  }
0x50: {  	v14 =	vld.idx.msk [tilespmem:v5+s13+$0x0], $0xffff  }
0x51: {  	v15 =	vld.idx.msk [tilespmem:v8+s12+$0x0], $0xffff  }
0x52: {  	v16 =	vld.idx.msk [tilespmem:v7+s12+$0x0], $0xffff  }
0x53: {  	v11 =	vmul.f32 v11, v4;
	v17 =	vld.idx.msk [tilespmem:v8+s13+$0x0], $0xffff  }
0x54: {  	v18 =	vld.idx.msk [tilespmem:v7+s13+$0x0], $0xffff  }
0x55: {  	v11 =	vadd.f32 v13, v11;
	v6 =	vmul.f32 v6, v2;
	v13 =	vld.idx.msk [tilespmem:v5+s14+$0x0], $0xffff  }
0x56: {  	v3 =	vld.idx.msk [tilespmem:v3+s15+$0x0], $0xffff  }
0x57: {  	v11 =	vmul.f32 v11, v4;
	v6 =	vadd.f32 v14, v6;
	v15 =	vmul.f32 v15, v1;
	v14 =	vld.idx.msk [tilespmem:v8+s14+$0x0], $0xffff  }
0x58: {  	v16 =	vmul.f32 v16, v0;
	v19 =	vld.idx.msk [tilespmem:v7+s14+$0x0], $0xffff  }
0x59: {  	v9 =	vadd.f32 v11, v9;
	v6 =	vmul.f32 v6, v2;
	v11 =	vadd.f32 v17, v15;
	v5 =	vld.idx.msk [tilespmem:v5+s15+$0x0], $0xffff  }
0x5a: {  	s21 =	sadd.s32 $0x4, s21;
	v16 =	vadd.f32 v18, v16;
	v15 =	vld [tilespmem:s22+$0xFFFFFFC0]  }
0x5b: {  	s20 =	sadd.s32 $0x100, s20;
	p0 =	slt.u32 s21, $0x3C;
	v4 =	vmul.f32 v9, v4;
	v6 =	vadd.f32 v6, v13;
	v9 =	vld.idx.msk [tilespmem:v8+s15+$0x0], $0xffff;
	v8 =	vmul.f32 v11, v1  }
0x5c: {  	vm4 =	vlt.s32 v12, $0x0;
	v11 =	vmul.f32 v16, v0;
	v13 =	vld [tilespmem:s20+$0x40]  }
0x5d: {  	v4 =	vadd.f32 v4, v3;
	v2 =	vmul.f32 v6, v2;
	v14 =	vadd.f32 v8, v14;
	v6 =	vld.idx.msk [tilespmem:v7+s15+$0x0], $0xffff  }
.Ltmp0:
0x5e: {  	v3 =	vsel vm4, $0x0, v12;
	v12 =	vadd.f32 v11, v19;
	v8 =	vld [tilespmem:s22+$0x0];
	(pc) =	sbr.rel @p0 .LBB2_2-.Ltmp0, $4  }
0x5f: {  	v4 =	vsel vm2, $0x0, v4;
	v5 =	vadd.f32 v2, v5;
	v7 =	vld [tilespmem:s22+$0x40];
	v11 =	vmul.f32 v14, v1  }
0x60: {  	vm2 =	vmmov vm4;
	vm5 =	vlt.s32 v15, $0x0;
	v10 =	vadd.f32 v4, v10;
	v1 =	vld [tilespmem:s20+$0x0]  }
0x61: {  	v14 =	vsel vm3, $0x0, v5;
	v2 =	vld [tilespmem:s20+$0xFFFFFFC0];
	v11 =	vadd.f32 v11, v9;
	v9 =	vmul.f32 v12, v0;
	v0 =	vmovc v13  }
0x62: {  	s22 =	sadd.s32 $0x100, s22;
	v5 =	vsel vm5, $0x0, v15;
	vm3 =	vmmov vm5;
	v10 =	vadd.f32 v14, v10;
	v4 =	vld [tilespmem:s20+$0xFFFFFF80]  }
0x63: {  	_ =	sdelay $0x2  }
0x64: {  	vm4 =	vlt.s32 v8, $0x0  }
0x65: {  	v12 =	vld.idx.msk [tilespmem:v3+s14+$0x0], $0xffff;
	v8 =	vsel vm4, $0x0, v8  }
0x66: {  	v13 =	vld.idx.msk [tilespmem:v3+s12+$0x0], $0xffff;
	vm5 =	vlt.s32 v7, $0x0  }
0x67: {  	v15 =	vld.idx.msk [tilespmem:v5+s12+$0x0], $0xffff;
	v7 =	vsel vm5, $0x0, v7  }
0x68: {  	v14 =	vld.idx.msk [tilespmem:v3+s13+$0x0], $0xffff  }
0x69: {  	v16 =	vld.idx.msk [tilespmem:v5+s13+$0x0], $0xffff  }
0x6a: {  	v17 =	vld.idx.msk [tilespmem:v8+s12+$0x0], $0xffff  }
0x6b: {  	v13 =	vmul.f32 v13, v4;
	v19 =	vld.idx.msk [tilespmem:v8+s13+$0x0], $0xffff  }
0x6c: {  	v42 =	vmul.f32 v15, v2;
	v18 =	vld.idx.msk [tilespmem:v7+s12+$0x0], $0xffff  }
0x6d: {  	v43 =	vld.idx.msk [tilespmem:v5+s14+$0x0], $0xffff;
	v13 =	vadd.f32 v14, v13  }
0x6e: {  	v20 =	vld.idx.msk [tilespmem:v7+s13+$0x0], $0xffff;
	v14 =	vadd.f32 v16, v42  }
0x6f: {  	v3 =	vld.idx.msk [tilespmem:v3+s15+$0x0], $0xffff;
	v13 =	vmul.f32 v13, v4;
	v44 =	vmul.f32 v17, v1  }
0x70: {  	v45 =	vld.idx.msk [tilespmem:v8+s14+$0x0], $0xffff;
	v14 =	vmul.f32 v14, v2  }
0x71: {  	v5 =	vld.idx.msk [tilespmem:v5+s15+$0x0], $0xffff;
	v12 =	vadd.f32 v13, v12;
	v18 =	vmul.f32 v18, v0;
	v46 =	vadd.f32 v19, v44  }
0x72: {  	v11 =	vsel vm0, $0x0, v11;
	v6 =	vadd.f32 v9, v6;
	v47 =	vld.idx.msk [tilespmem:v7+s14+$0x0], $0xffff;
	v48 =	vadd.f32 v14, v43  }
0x73: {  	v4 =	vmul.f32 v12, v4;
	v9 =	vadd.f32 v20, v18;
	v13 =	vmul.f32 v46, v1  }
0x74: {  	v10 =	vadd.f32 v11, v10;
	v6 =	vsel vm1, $0x0, v6;
	v8 =	vld.idx.msk [tilespmem:v8+s15+$0x0], $0xffff;
	v2 =	vmul.f32 v48, v2  }
0x75: {  	v3 =	vadd.f32 v4, v3;
	v9 =	vmul.f32 v9, v0;
	v4 =	vadd.f32 v13, v45  }
0x76: {  	v6 =	vadd.f32 v6, v10;
	v7 =	vld.idx.msk [tilespmem:v7+s15+$0x0], $0xffff;
	v2 =	vadd.f32 v2, v5  }
0x77: {  	v3 =	vsel vm2, $0x0, v3;
	v9 =	vadd.f32 v9, v47;
	v1 =	vmul.f32 v4, v1  }
0x78: {  	v3 =	vadd.f32 v3, v6  }
0x79: {  	v2 =	vsel vm3, $0x0, v2;
	v0 =	vmul.f32 v9, v0;
	v1 =	vadd.f32 v1, v8  }
0x7a: {  	v2 =	vadd.f32 v2, v3  }
0x7b: {  	v0 =	vadd.f32 v0, v7;
	v1 =	vsel vm4, $0x0, v1  }
0x7c: {  	vm0 =	vmmov vm5;
	v1 =	vadd.f32 v1, v2  }
0x7d: {  	v0 =	vsel vm0, $0x0, v0  }
0x7e: {  	v0 =	vadd.f32 v0, v1;
	_ =	sdelay $0x1  }
0x7f: {  	v0 =	vmul.f32 $5.000000000e-01, v0;
	_ =	sdelay $0x1  }
0x80: {  	s20 =	simm.s32 $0x1090;
	[tilespmem:$0x12000] =	vst v0  }
0x81: {  	v0 =	vld [tilespmem:s20+$0xFFFFFF80];
	_ =	sdelay $0x1  }
0x82: {  	s21 =	simm.s32 $0x90;
	v1 =	vld [tilespmem:s20+$0xFFFFFFC0]  }
0x83: {  	v4 =	vld [tilespmem:s21+$0x40]  }
0x84: {  	v2 =	vld [tilespmem:s20+$0x0]  }
0x85: {  	v3 =	vld [tilespmem:s20+$0x40];
	vm3 =	vlt.s32 v0, $0x0  }
0x86: {  	v5 =	vld [tilespmem:s21+$0x0];
	v0 =	vsel vm3, $0x0, v0  }
0x87: {  	v6 =	vld [tilespmem:s21+$0xFFFFFFC0]  }
0x88: {  	s31 =	simm.s32 $0x1190;
	v7 =	vld [tilespmem:s21+$0xFFFFFF80];
	vm1 =	vlt.s32 v1, $0x0  }
0x89: {  	v8 =	vld [tilespmem:s31+$0xFFFFFF80];
	v1 =	vsel vm1, $0x0, v1  }
0x8a: {  	v60 =	vld [tilespmem:s31+$0xFFFFFFC0];
	vm0 =	vlt.s32 v2, $0x0  }
0x8b: {  	vm2 =	vlt.s32 v3, $0x0;
	v2 =	vsel vm0, $0x0, v2;
	v9 =	vld.idx.msk [tilespmem:v0+s14+$0x0], $0xffff  }
0x8c: {  	v3 =	vsel vm2, $0x0, v3;
	v10 =	vld.idx.msk [tilespmem:v0+s12+$0x0], $0xffff  }
0x8d: {  	v11 =	vld.idx.msk [tilespmem:v0+s13+$0x0], $0xffff  }
0x8e: {  	v49 =	vld.idx.msk [tilespmem:v1+s12+$0x0], $0xffff  }
0x8f: {  	v50 =	vld.idx.msk [tilespmem:v1+s13+$0x0], $0xffff  }
0x90: {  	v51 =	vld.idx.msk [tilespmem:v2+s12+$0x0], $0xffff  }
0x91: {  	v52 =	vld.idx.msk [tilespmem:v3+s12+$0x0], $0xffff;
	v10 =	vmul.f32 v10, v7  }
0x92: {  	v53 =	vld.idx.msk [tilespmem:v2+s13+$0x0], $0xffff  }
0x93: {  	v54 =	vld.idx.msk [tilespmem:v3+s13+$0x0], $0xffff;
	v12 =	vmul.f32 v49, v6;
	v10 =	vadd.f32 v11, v10  }
0x94: {  	v11 =	vld.idx.msk [tilespmem:v1+s14+$0x0], $0xffff  }
0x95: {  	v55 =	vld.idx.msk [tilespmem:v0+s15+$0x0], $0xffff;
	v57 =	vmul.f32 v51, v5;
	v0 =	vmul.f32 v10, v7;
	v10 =	vadd.f32 v50, v12  }
0x96: {  	v56 =	vld.idx.msk [tilespmem:v2+s14+$0x0], $0xffff;
	v15 =	vmul.f32 v52, v4  }
0x97: {  	v58 =	vld.idx.msk [tilespmem:v3+s14+$0x0], $0xffff;
	v0 =	vadd.f32 v0, v9;
	v9 =	vmul.f32 v10, v6;
	v10 =	vadd.f32 v53, v57  }
0x98: {  	v59 =	vimm.f32 $0.0e+00;
	vm5 =	vlt.s32 v8, $0x0;
	v1 =	vld.idx.msk [tilespmem:v1+s15+$0x0], $0xffff;
	v15 =	vadd.f32 v54, v15  }
0x99: {  	s20 =	simm.s32 $0x190;
	v7 =	vmul.f32 v0, v7;
	v9 =	vadd.f32 v9, v11;
	v11 =	vld.idx.msk [tilespmem:v2+s15+$0x0], $0xffff;
	v2 =	vmul.f32 v10, v5  }
0x9a: {  	vm3 =	vmmov vm3;
	vm4 =	vmmov vm1;
	v0 =	vld [tilespmem:s20+$0x40];
	v10 =	vmul.f32 v15, v4  }
0x9b: {  	v61 =	vadd.f32 v7, v55;
	v9 =	vmul.f32 v9, v6;
	v2 =	vadd.f32 v2, v56;
	v6 =	vld.idx.msk [tilespmem:v3+s15+$0x0], $0xffff  }
0x9c: {  	vm1 =	vmmov vm2;
	v3 =	vsel vm5, $0x0, v8;
	v8 =	vld [tilespmem:s31+$0x0];
	v10 =	vadd.f32 v10, v58  }
0x9d: {  	v7 =	vld [tilespmem:s31+$0x40];
	v62 =	vsel vm3, $0x0, v61;
	v9 =	vadd.f32 v9, v1;
	v5 =	vmul.f32 v2, v5  }
0x9e: {  	vm2 =	vmmov vm5;
	vm3 =	vlt.s32 v60, $0x0;
	v1 =	vld [tilespmem:s20+$0x0];
	v12 =	vadd.f32 v62, v59  }
0x9f: {  	v2 =	vld [tilespmem:s20+$0xFFFFFFC0];
	v63 =	vsel vm4, $0x0, v9;
	v11 =	vadd.f32 v5, v11;
	v9 =	vmul.f32 v10, v4  }
0xa0: {  	s22 =	simm.s32 $0x1290;
	s21 =	simm.s32 $0x4;
	v4 =	vld [tilespmem:s20+$0xFFFFFF80];
	v5 =	vsel vm3, $0x0, v60;
	vm3 =	vmmov vm3;
	v10 =	vadd.f32 v63, v12  }
.LBB2_4:
0xa1: {  	v12 =	vld [tilespmem:s22+$0xFFFFFF80];
	v11 =	vsel vm0, $0x0, v11;
	vm0 =	vlt.s32 v8, $0x0;
	v6 =	vadd.f32 v9, v6  }
0xa2: {  	v9 =	vld.idx.msk [tilespmem:v3+s14+$0x0], $0xffff;
	v8 =	vsel vm0, $0x0, v8;
	vm4 =	vlt.s32 v7, $0x0;
	v10 =	vadd.f32 v11, v10  }
0xa3: {  	v11 =	vld.idx.msk [tilespmem:v3+s12+$0x0], $0xffff;
	v7 =	vsel vm4, $0x0, v7;
	v6 =	vsel vm1, $0x0, v6;
	vm1 =	vmmov vm4  }
0xa4: {  	v13 =	vld.idx.msk [tilespmem:v3+s13+$0x0], $0xffff;
	v10 =	vadd.f32 v6, v10  }
0xa5: {  	v6 =	vld.idx.msk [tilespmem:v5+s12+$0x0], $0xffff  }
0xa6: {  	v14 =	vld.idx.msk [tilespmem:v5+s13+$0x0], $0xffff  }
0xa7: {  	v15 =	vld.idx.msk [tilespmem:v8+s12+$0x0], $0xffff  }
0xa8: {  	v16 =	vld.idx.msk [tilespmem:v7+s12+$0x0], $0xffff  }
0xa9: {  	v11 =	vmul.f32 v11, v4;
	v17 =	vld.idx.msk [tilespmem:v8+s13+$0x0], $0xffff  }
0xaa: {  	v18 =	vld.idx.msk [tilespmem:v7+s13+$0x0], $0xffff  }
0xab: {  	v11 =	vadd.f32 v13, v11;
	v6 =	vmul.f32 v6, v2;
	v13 =	vld.idx.msk [tilespmem:v5+s14+$0x0], $0xffff  }
0xac: {  	v3 =	vld.idx.msk [tilespmem:v3+s15+$0x0], $0xffff  }
0xad: {  	v11 =	vmul.f32 v11, v4;
	v6 =	vadd.f32 v14, v6;
	v15 =	vmul.f32 v15, v1;
	v14 =	vld.idx.msk [tilespmem:v8+s14+$0x0], $0xffff  }
0xae: {  	v16 =	vmul.f32 v16, v0;
	v19 =	vld.idx.msk [tilespmem:v7+s14+$0x0], $0xffff  }
0xaf: {  	v9 =	vadd.f32 v11, v9;
	v6 =	vmul.f32 v6, v2;
	v11 =	vadd.f32 v17, v15;
	v5 =	vld.idx.msk [tilespmem:v5+s15+$0x0], $0xffff  }
0xb0: {  	s21 =	sadd.s32 $0x4, s21;
	v16 =	vadd.f32 v18, v16;
	v15 =	vld [tilespmem:s22+$0xFFFFFFC0]  }
0xb1: {  	s20 =	sadd.s32 $0x100, s20;
	p0 =	slt.u32 s21, $0x3C;
	v4 =	vmul.f32 v9, v4;
	v6 =	vadd.f32 v6, v13;
	v9 =	vld.idx.msk [tilespmem:v8+s15+$0x0], $0xffff;
	v8 =	vmul.f32 v11, v1  }
0xb2: {  	vm4 =	vlt.s32 v12, $0x0;
	v11 =	vmul.f32 v16, v0;
	v13 =	vld [tilespmem:s20+$0x40]  }
0xb3: {  	v4 =	vadd.f32 v4, v3;
	v2 =	vmul.f32 v6, v2;
	v14 =	vadd.f32 v8, v14;
	v6 =	vld.idx.msk [tilespmem:v7+s15+$0x0], $0xffff  }
.Ltmp1:
0xb4: {  	v3 =	vsel vm4, $0x0, v12;
	v12 =	vadd.f32 v11, v19;
	v8 =	vld [tilespmem:s22+$0x0];
	(pc) =	sbr.rel @p0 .LBB2_4-.Ltmp1, $4  }
0xb5: {  	v4 =	vsel vm2, $0x0, v4;
	v5 =	vadd.f32 v2, v5;
	v7 =	vld [tilespmem:s22+$0x40];
	v11 =	vmul.f32 v14, v1  }
0xb6: {  	vm2 =	vmmov vm4;
	vm5 =	vlt.s32 v15, $0x0;
	v10 =	vadd.f32 v4, v10;
	v1 =	vld [tilespmem:s20+$0x0]  }
0xb7: {  	v14 =	vsel vm3, $0x0, v5;
	v2 =	vld [tilespmem:s20+$0xFFFFFFC0];
	v11 =	vadd.f32 v11, v9;
	v9 =	vmul.f32 v12, v0;
	v0 =	vmovc v13  }
0xb8: {  	s22 =	sadd.s32 $0x100, s22;
	v5 =	vsel vm5, $0x0, v15;
	vm3 =	vmmov vm5;
	v10 =	vadd.f32 v14, v10;
	v4 =	vld [tilespmem:s20+$0xFFFFFF80]  }
0xb9: {  	_ =	sdelay $0x2  }
0xba: {  	vm4 =	vlt.s32 v8, $0x0  }
0xbb: {  	v12 =	vld.idx.msk [tilespmem:v3+s14+$0x0], $0xffff;
	v8 =	vsel vm4, $0x0, v8  }
0xbc: {  	v13 =	vld.idx.msk [tilespmem:v3+s12+$0x0], $0xffff;
	vm5 =	vlt.s32 v7, $0x0  }
0xbd: {  	v15 =	vld.idx.msk [tilespmem:v5+s12+$0x0], $0xffff;
	v7 =	vsel vm5, $0x0, v7  }
0xbe: {  	v14 =	vld.idx.msk [tilespmem:v3+s13+$0x0], $0xffff  }
0xbf: {  	v16 =	vld.idx.msk [tilespmem:v5+s13+$0x0], $0xffff  }
0xc0: {  	v17 =	vld.idx.msk [tilespmem:v8+s12+$0x0], $0xffff  }
0xc1: {  	v13 =	vmul.f32 v13, v4;
	v19 =	vld.idx.msk [tilespmem:v8+s13+$0x0], $0xffff  }
0xc2: {  	v42 =	vmul.f32 v15, v2;
	v18 =	vld.idx.msk [tilespmem:v7+s12+$0x0], $0xffff  }
0xc3: {  	v43 =	vld.idx.msk [tilespmem:v5+s14+$0x0], $0xffff;
	v13 =	vadd.f32 v14, v13  }
0xc4: {  	v20 =	vld.idx.msk [tilespmem:v7+s13+$0x0], $0xffff;
	v14 =	vadd.f32 v16, v42  }
0xc5: {  	v3 =	vld.idx.msk [tilespmem:v3+s15+$0x0], $0xffff;
	v13 =	vmul.f32 v13, v4;
	v44 =	vmul.f32 v17, v1  }
0xc6: {  	v45 =	vld.idx.msk [tilespmem:v8+s14+$0x0], $0xffff;
	v14 =	vmul.f32 v14, v2  }
0xc7: {  	v5 =	vld.idx.msk [tilespmem:v5+s15+$0x0], $0xffff;
	v12 =	vadd.f32 v13, v12;
	v18 =	vmul.f32 v18, v0;
	v46 =	vadd.f32 v19, v44  }
0xc8: {  	v11 =	vsel vm0, $0x0, v11;
	v6 =	vadd.f32 v9, v6;
	v47 =	vld.idx.msk [tilespmem:v7+s14+$0x0], $0xffff;
	v48 =	vadd.f32 v14, v43  }
0xc9: {  	v4 =	vmul.f32 v12, v4;
	v9 =	vadd.f32 v20, v18;
	v13 =	vmul.f32 v46, v1  }
0xca: {  	v10 =	vadd.f32 v11, v10;
	v6 =	vsel vm1, $0x0, v6;
	v8 =	vld.idx.msk [tilespmem:v8+s15+$0x0], $0xffff;
	v2 =	vmul.f32 v48, v2  }
0xcb: {  	v3 =	vadd.f32 v4, v3;
	v9 =	vmul.f32 v9, v0;
	v4 =	vadd.f32 v13, v45  }
0xcc: {  	v6 =	vadd.f32 v6, v10;
	v7 =	vld.idx.msk [tilespmem:v7+s15+$0x0], $0xffff;
	v2 =	vadd.f32 v2, v5  }
0xcd: {  	v3 =	vsel vm2, $0x0, v3;
	v9 =	vadd.f32 v9, v47;
	v1 =	vmul.f32 v4, v1  }
0xce: {  	v3 =	vadd.f32 v3, v6  }
0xcf: {  	v2 =	vsel vm3, $0x0, v2;
	v0 =	vmul.f32 v9, v0;
	v1 =	vadd.f32 v1, v8  }
0xd0: {  	v2 =	vadd.f32 v2, v3  }
0xd1: {  	v0 =	vadd.f32 v0, v7;
	v1 =	vsel vm4, $0x0, v1  }
0xd2: {  	vm0 =	vmmov vm5;
	v1 =	vadd.f32 v1, v2  }
0xd3: {  	v0 =	vsel vm0, $0x0, v0  }
0xd4: {  	v0 =	vadd.f32 v0, v1;
	_ =	sdelay $0x1  }
0xd5: {  	v0 =	vmul.f32 $5.000000000e-01, v0;
	_ =	sdelay $0x1  }
0xd6: {  	s20 =	simm.s32 $0x10A0;
	[tilespmem:$0x12010] =	vst v0  }
0xd7: {  	v0 =	vld [tilespmem:s20+$0xFFFFFF80];
	_ =	sdelay $0x1  }
0xd8: {  	s21 =	simm.s32 $0xA0;
	v1 =	vld [tilespmem:s20+$0xFFFFFFC0]  }
0xd9: {  	v4 =	vld [tilespmem:s21+$0x40]  }
0xda: {  	v2 =	vld [tilespmem:s20+$0x0]  }
0xdb: {  	v3 =	vld [tilespmem:s20+$0x40];
	vm3 =	vlt.s32 v0, $0x0  }
0xdc: {  	v5 =	vld [tilespmem:s21+$0x0];
	v0 =	vsel vm3, $0x0, v0  }
0xdd: {  	v6 =	vld [tilespmem:s21+$0xFFFFFFC0]  }
0xde: {  	s31 =	simm.s32 $0x11A0;
	v7 =	vld [tilespmem:s21+$0xFFFFFF80];
	vm1 =	vlt.s32 v1, $0x0  }
0xdf: {  	v8 =	vld [tilespmem:s31+$0xFFFFFF80];
	v1 =	vsel vm1, $0x0, v1  }
0xe0: {  	v60 =	vld [tilespmem:s31+$0xFFFFFFC0];
	vm0 =	vlt.s32 v2, $0x0  }
0xe1: {  	vm2 =	vlt.s32 v3, $0x0;
	v2 =	vsel vm0, $0x0, v2;
	v9 =	vld.idx.msk [tilespmem:v0+s14+$0x0], $0xffff  }
0xe2: {  	v3 =	vsel vm2, $0x0, v3;
	v10 =	vld.idx.msk [tilespmem:v0+s12+$0x0], $0xffff  }
0xe3: {  	v11 =	vld.idx.msk [tilespmem:v0+s13+$0x0], $0xffff  }
0xe4: {  	v49 =	vld.idx.msk [tilespmem:v1+s12+$0x0], $0xffff  }
0xe5: {  	v50 =	vld.idx.msk [tilespmem:v1+s13+$0x0], $0xffff  }
0xe6: {  	v51 =	vld.idx.msk [tilespmem:v2+s12+$0x0], $0xffff  }
0xe7: {  	v52 =	vld.idx.msk [tilespmem:v3+s12+$0x0], $0xffff;
	v10 =	vmul.f32 v10, v7  }
0xe8: {  	v53 =	vld.idx.msk [tilespmem:v2+s13+$0x0], $0xffff  }
0xe9: {  	v54 =	vld.idx.msk [tilespmem:v3+s13+$0x0], $0xffff;
	v12 =	vmul.f32 v49, v6;
	v10 =	vadd.f32 v11, v10  }
0xea: {  	v11 =	vld.idx.msk [tilespmem:v1+s14+$0x0], $0xffff  }
0xeb: {  	v55 =	vld.idx.msk [tilespmem:v0+s15+$0x0], $0xffff;
	v57 =	vmul.f32 v51, v5;
	v0 =	vmul.f32 v10, v7;
	v10 =	vadd.f32 v50, v12  }
0xec: {  	v56 =	vld.idx.msk [tilespmem:v2+s14+$0x0], $0xffff;
	v15 =	vmul.f32 v52, v4  }
0xed: {  	v58 =	vld.idx.msk [tilespmem:v3+s14+$0x0], $0xffff;
	v0 =	vadd.f32 v0, v9;
	v9 =	vmul.f32 v10, v6;
	v10 =	vadd.f32 v53, v57  }
0xee: {  	v59 =	vimm.f32 $0.0e+00;
	vm5 =	vlt.s32 v8, $0x0;
	v1 =	vld.idx.msk [tilespmem:v1+s15+$0x0], $0xffff;
	v15 =	vadd.f32 v54, v15  }
0xef: {  	s20 =	simm.s32 $0x1A0;
	v7 =	vmul.f32 v0, v7;
	v9 =	vadd.f32 v9, v11;
	v11 =	vld.idx.msk [tilespmem:v2+s15+$0x0], $0xffff;
	v2 =	vmul.f32 v10, v5  }
0xf0: {  	vm3 =	vmmov vm3;
	vm4 =	vmmov vm1;
	v0 =	vld [tilespmem:s20+$0x40];
	v10 =	vmul.f32 v15, v4  }
0xf1: {  	v61 =	vadd.f32 v7, v55;
	v9 =	vmul.f32 v9, v6;
	v2 =	vadd.f32 v2, v56;
	v6 =	vld.idx.msk [tilespmem:v3+s15+$0x0], $0xffff  }
0xf2: {  	vm1 =	vmmov vm2;
	v3 =	vsel vm5, $0x0, v8;
	v8 =	vld [tilespmem:s31+$0x0];
	v10 =	vadd.f32 v10, v58  }
0xf3: {  	v7 =	vld [tilespmem:s31+$0x40];
	v62 =	vsel vm3, $0x0, v61;
	v9 =	vadd.f32 v9, v1;
	v5 =	vmul.f32 v2, v5  }
0xf4: {  	vm2 =	vmmov vm5;
	vm3 =	vlt.s32 v60, $0x0;
	v1 =	vld [tilespmem:s20+$0x0];
	v12 =	vadd.f32 v62, v59  }
0xf5: {  	v2 =	vld [tilespmem:s20+$0xFFFFFFC0];
	v63 =	vsel vm4, $0x0, v9;
	v11 =	vadd.f32 v5, v11;
	v9 =	vmul.f32 v10, v4  }
0xf6: {  	s22 =	simm.s32 $0x12A0;
	s21 =	simm.s32 $0x4;
	v4 =	vld [tilespmem:s20+$0xFFFFFF80];
	v5 =	vsel vm3, $0x0, v60;
	vm3 =	vmmov vm3;
	v10 =	vadd.f32 v63, v12  }
.LBB2_6:
0xf7: {  	v12 =	vld [tilespmem:s22+$0xFFFFFF80];
	v11 =	vsel vm0, $0x0, v11;
	vm0 =	vlt.s32 v8, $0x0;
	v6 =	vadd.f32 v9, v6  }
0xf8: {  	v9 =	vld.idx.msk [tilespmem:v3+s14+$0x0], $0xffff;
	v8 =	vsel vm0, $0x0, v8;
	vm4 =	vlt.s32 v7, $0x0;
	v10 =	vadd.f32 v11, v10  }
0xf9: {  	v11 =	vld.idx.msk [tilespmem:v3+s12+$0x0], $0xffff;
	v7 =	vsel vm4, $0x0, v7;
	v6 =	vsel vm1, $0x0, v6;
	vm1 =	vmmov vm4  }
0xfa: {  	v13 =	vld.idx.msk [tilespmem:v3+s13+$0x0], $0xffff;
	v10 =	vadd.f32 v6, v10  }
0xfb: {  	v6 =	vld.idx.msk [tilespmem:v5+s12+$0x0], $0xffff  }
0xfc: {  	v14 =	vld.idx.msk [tilespmem:v5+s13+$0x0], $0xffff  }
0xfd: {  	v15 =	vld.idx.msk [tilespmem:v8+s12+$0x0], $0xffff  }
0xfe: {  	v16 =	vld.idx.msk [tilespmem:v7+s12+$0x0], $0xffff  }
0xff: {  	v11 =	vmul.f32 v11, v4;
	v17 =	vld.idx.msk [tilespmem:v8+s13+$0x0], $0xffff  }
0x100: {  	v18 =	vld.idx.msk [tilespmem:v7+s13+$0x0], $0xffff  }
0x101: {  	v11 =	vadd.f32 v13, v11;
	v6 =	vmul.f32 v6, v2;
	v13 =	vld.idx.msk [tilespmem:v5+s14+$0x0], $0xffff  }
0x102: {  	v3 =	vld.idx.msk [tilespmem:v3+s15+$0x0], $0xffff  }
0x103: {  	v11 =	vmul.f32 v11, v4;
	v6 =	vadd.f32 v14, v6;
	v15 =	vmul.f32 v15, v1;
	v14 =	vld.idx.msk [tilespmem:v8+s14+$0x0], $0xffff  }
0x104: {  	v16 =	vmul.f32 v16, v0;
	v19 =	vld.idx.msk [tilespmem:v7+s14+$0x0], $0xffff  }
0x105: {  	v9 =	vadd.f32 v11, v9;
	v6 =	vmul.f32 v6, v2;
	v11 =	vadd.f32 v17, v15;
	v5 =	vld.idx.msk [tilespmem:v5+s15+$0x0], $0xffff  }
0x106: {  	s21 =	sadd.s32 $0x4, s21;
	v16 =	vadd.f32 v18, v16;
	v15 =	vld [tilespmem:s22+$0xFFFFFFC0]  }
0x107: {  	s20 =	sadd.s32 $0x100, s20;
	p0 =	slt.u32 s21, $0x3C;
	v4 =	vmul.f32 v9, v4;
	v6 =	vadd.f32 v6, v13;
	v9 =	vld.idx.msk [tilespmem:v8+s15+$0x0], $0xffff;
	v8 =	vmul.f32 v11, v1  }
0x108: {  	vm4 =	vlt.s32 v12, $0x0;
	v11 =	vmul.f32 v16, v0;
	v13 =	vld [tilespmem:s20+$0x40]  }
0x109: {  	v4 =	vadd.f32 v4, v3;
	v2 =	vmul.f32 v6, v2;
	v14 =	vadd.f32 v8, v14;
	v6 =	vld.idx.msk [tilespmem:v7+s15+$0x0], $0xffff  }
.Ltmp2:
0x10a: {  	v3 =	vsel vm4, $0x0, v12;
	v12 =	vadd.f32 v11, v19;
	v8 =	vld [tilespmem:s22+$0x0];
	(pc) =	sbr.rel @p0 .LBB2_6-.Ltmp2, $4  }
0x10b: {  	v4 =	vsel vm2, $0x0, v4;
	v5 =	vadd.f32 v2, v5;
	v7 =	vld [tilespmem:s22+$0x40];
	v11 =	vmul.f32 v14, v1  }
0x10c: {  	vm2 =	vmmov vm4;
	vm5 =	vlt.s32 v15, $0x0;
	v10 =	vadd.f32 v4, v10;
	v1 =	vld [tilespmem:s20+$0x0]  }
0x10d: {  	v14 =	vsel vm3, $0x0, v5;
	v2 =	vld [tilespmem:s20+$0xFFFFFFC0];
	v11 =	vadd.f32 v11, v9;
	v9 =	vmul.f32 v12, v0;
	v0 =	vmovc v13  }
0x10e: {  	s22 =	sadd.s32 $0x100, s22;
	v5 =	vsel vm5, $0x0, v15;
	vm3 =	vmmov vm5;
	v10 =	vadd.f32 v14, v10;
	v4 =	vld [tilespmem:s20+$0xFFFFFF80]  }
0x10f: {  	_ =	sdelay $0x2  }
0x110: {  	vm4 =	vlt.s32 v8, $0x0  }
0x111: {  	v12 =	vld.idx.msk [tilespmem:v3+s14+$0x0], $0xffff;
	v8 =	vsel vm4, $0x0, v8  }
0x112: {  	v13 =	vld.idx.msk [tilespmem:v3+s12+$0x0], $0xffff;
	vm5 =	vlt.s32 v7, $0x0  }
0x113: {  	v15 =	vld.idx.msk [tilespmem:v5+s12+$0x0], $0xffff;
	v7 =	vsel vm5, $0x0, v7  }
0x114: {  	v14 =	vld.idx.msk [tilespmem:v3+s13+$0x0], $0xffff  }
0x115: {  	v16 =	vld.idx.msk [tilespmem:v5+s13+$0x0], $0xffff  }
0x116: {  	v17 =	vld.idx.msk [tilespmem:v8+s12+$0x0], $0xffff  }
0x117: {  	v13 =	vmul.f32 v13, v4;
	v19 =	vld.idx.msk [tilespmem:v8+s13+$0x0], $0xffff  }
0x118: {  	v42 =	vmul.f32 v15, v2;
	v18 =	vld.idx.msk [tilespmem:v7+s12+$0x0], $0xffff  }
0x119: {  	v43 =	vld.idx.msk [tilespmem:v5+s14+$0x0], $0xffff;
	v13 =	vadd.f32 v14, v13  }
0x11a: {  	v20 =	vld.idx.msk [tilespmem:v7+s13+$0x0], $0xffff;
	v14 =	vadd.f32 v16, v42  }
0x11b: {  	v3 =	vld.idx.msk [tilespmem:v3+s15+$0x0], $0xffff;
	v13 =	vmul.f32 v13, v4;
	v44 =	vmul.f32 v17, v1  }
0x11c: {  	v45 =	vld.idx.msk [tilespmem:v8+s14+$0x0], $0xffff;
	v14 =	vmul.f32 v14, v2  }
0x11d: {  	v5 =	vld.idx.msk [tilespmem:v5+s15+$0x0], $0xffff;
	v12 =	vadd.f32 v13, v12;
	v18 =	vmul.f32 v18, v0;
	v46 =	vadd.f32 v19, v44  }
0x11e: {  	v11 =	vsel vm0, $0x0, v11;
	v6 =	vadd.f32 v9, v6;
	v47 =	vld.idx.msk [tilespmem:v7+s14+$0x0], $0xffff;
	v48 =	vadd.f32 v14, v43  }
0x11f: {  	v4 =	vmul.f32 v12, v4;
	v9 =	vadd.f32 v20, v18;
	v13 =	vmul.f32 v46, v1  }
0x120: {  	v10 =	vadd.f32 v11, v10;
	v6 =	vsel vm1, $0x0, v6;
	v8 =	vld.idx.msk [tilespmem:v8+s15+$0x0], $0xffff;
	v2 =	vmul.f32 v48, v2  }
0x121: {  	v3 =	vadd.f32 v4, v3;
	v9 =	vmul.f32 v9, v0;
	v4 =	vadd.f32 v13, v45  }
0x122: {  	v6 =	vadd.f32 v6, v10;
	v7 =	vld.idx.msk [tilespmem:v7+s15+$0x0], $0xffff;
	v2 =	vadd.f32 v2, v5  }
0x123: {  	v3 =	vsel vm2, $0x0, v3;
	v9 =	vadd.f32 v9, v47;
	v1 =	vmul.f32 v4, v1  }
0x124: {  	v3 =	vadd.f32 v3, v6  }
0x125: {  	v2 =	vsel vm3, $0x0, v2;
	v0 =	vmul.f32 v9, v0;
	v1 =	vadd.f32 v1, v8  }
0x126: {  	v2 =	vadd.f32 v2, v3  }
0x127: {  	v0 =	vadd.f32 v0, v7;
	v1 =	vsel vm4, $0x0, v1  }
0x128: {  	vm0 =	vmmov vm5;
	v1 =	vadd.f32 v1, v2  }
0x129: {  	v0 =	vsel vm0, $0x0, v0  }
0x12a: {  	v0 =	vadd.f32 v0, v1;
	_ =	sdelay $0x1  }
0x12b: {  	v0 =	vmul.f32 $5.000000000e-01, v0;
	_ =	sdelay $0x1  }
0x12c: {  	s20 =	simm.s32 $0x10B0;
	[tilespmem:$0x12020] =	vst v0  }
0x12d: {  	v0 =	vld [tilespmem:s20+$0xFFFFFF80];
	_ =	sdelay $0x1  }
0x12e: {  	s21 =	simm.s32 $0xB0;
	v1 =	vld [tilespmem:s20+$0xFFFFFFC0]  }
0x12f: {  	v4 =	vld [tilespmem:s21+$0x40]  }
0x130: {  	v2 =	vld [tilespmem:s20+$0x0]  }
0x131: {  	v3 =	vld [tilespmem:s20+$0x40];
	vm3 =	vlt.s32 v0, $0x0  }
0x132: {  	v5 =	vld [tilespmem:s21+$0x0];
	v0 =	vsel vm3, $0x0, v0  }
0x133: {  	v6 =	vld [tilespmem:s21+$0xFFFFFFC0]  }
0x134: {  	s31 =	simm.s32 $0x11B0;
	v7 =	vld [tilespmem:s21+$0xFFFFFF80];
	vm1 =	vlt.s32 v1, $0x0  }
0x135: {  	v8 =	vld [tilespmem:s31+$0xFFFFFF80];
	v1 =	vsel vm1, $0x0, v1  }
0x136: {  	v60 =	vld [tilespmem:s31+$0xFFFFFFC0];
	vm0 =	vlt.s32 v2, $0x0  }
0x137: {  	vm2 =	vlt.s32 v3, $0x0;
	v2 =	vsel vm0, $0x0, v2;
	v9 =	vld.idx.msk [tilespmem:v0+s14+$0x0], $0xffff  }
0x138: {  	v3 =	vsel vm2, $0x0, v3;
	v10 =	vld.idx.msk [tilespmem:v0+s12+$0x0], $0xffff  }
0x139: {  	v11 =	vld.idx.msk [tilespmem:v0+s13+$0x0], $0xffff  }
0x13a: {  	v49 =	vld.idx.msk [tilespmem:v1+s12+$0x0], $0xffff  }
0x13b: {  	v50 =	vld.idx.msk [tilespmem:v1+s13+$0x0], $0xffff  }
0x13c: {  	v51 =	vld.idx.msk [tilespmem:v2+s12+$0x0], $0xffff  }
0x13d: {  	v52 =	vld.idx.msk [tilespmem:v3+s12+$0x0], $0xffff;
	v10 =	vmul.f32 v10, v7  }
0x13e: {  	v53 =	vld.idx.msk [tilespmem:v2+s13+$0x0], $0xffff  }
0x13f: {  	v54 =	vld.idx.msk [tilespmem:v3+s13+$0x0], $0xffff;
	v12 =	vmul.f32 v49, v6;
	v10 =	vadd.f32 v11, v10  }
0x140: {  	v11 =	vld.idx.msk [tilespmem:v1+s14+$0x0], $0xffff  }
0x141: {  	v55 =	vld.idx.msk [tilespmem:v0+s15+$0x0], $0xffff;
	v57 =	vmul.f32 v51, v5;
	v0 =	vmul.f32 v10, v7;
	v10 =	vadd.f32 v50, v12  }
0x142: {  	v56 =	vld.idx.msk [tilespmem:v2+s14+$0x0], $0xffff;
	v15 =	vmul.f32 v52, v4  }
0x143: {  	v58 =	vld.idx.msk [tilespmem:v3+s14+$0x0], $0xffff;
	v0 =	vadd.f32 v0, v9;
	v9 =	vmul.f32 v10, v6;
	v10 =	vadd.f32 v53, v57  }
0x144: {  	v59 =	vimm.f32 $0.0e+00;
	vm5 =	vlt.s32 v8, $0x0;
	v1 =	vld.idx.msk [tilespmem:v1+s15+$0x0], $0xffff;
	v15 =	vadd.f32 v54, v15  }
0x145: {  	s20 =	simm.s32 $0x1B0;
	v7 =	vmul.f32 v0, v7;
	v9 =	vadd.f32 v9, v11;
	v11 =	vld.idx.msk [tilespmem:v2+s15+$0x0], $0xffff;
	v2 =	vmul.f32 v10, v5  }
0x146: {  	vm3 =	vmmov vm3;
	vm4 =	vmmov vm1;
	v0 =	vld [tilespmem:s20+$0x40];
	v10 =	vmul.f32 v15, v4  }
0x147: {  	v61 =	vadd.f32 v7, v55;
	v9 =	vmul.f32 v9, v6;
	v2 =	vadd.f32 v2, v56;
	v6 =	vld.idx.msk [tilespmem:v3+s15+$0x0], $0xffff  }
0x148: {  	vm1 =	vmmov vm2;
	v3 =	vsel vm5, $0x0, v8;
	v8 =	vld [tilespmem:s31+$0x0];
	v10 =	vadd.f32 v10, v58  }
0x149: {  	v7 =	vld [tilespmem:s31+$0x40];
	v62 =	vsel vm3, $0x0, v61;
	v9 =	vadd.f32 v9, v1;
	v5 =	vmul.f32 v2, v5  }
0x14a: {  	vm2 =	vmmov vm5;
	vm3 =	vlt.s32 v60, $0x0;
	v1 =	vld [tilespmem:s20+$0x0];
	v12 =	vadd.f32 v62, v59  }
0x14b: {  	v2 =	vld [tilespmem:s20+$0xFFFFFFC0];
	v63 =	vsel vm4, $0x0, v9;
	v11 =	vadd.f32 v5, v11;
	v9 =	vmul.f32 v10, v4  }
0x14c: {  	s22 =	simm.s32 $0x12B0;
	s21 =	simm.s32 $0x4;
	v4 =	vld [tilespmem:s20+$0xFFFFFF80];
	v5 =	vsel vm3, $0x0, v60;
	vm3 =	vmmov vm3;
	v10 =	vadd.f32 v63, v12  }
.LBB2_8:
0x14d: {  	v12 =	vld [tilespmem:s22+$0xFFFFFF80];
	v11 =	vsel vm0, $0x0, v11;
	vm0 =	vlt.s32 v8, $0x0;
	v6 =	vadd.f32 v9, v6  }
0x14e: {  	v9 =	vld.idx.msk [tilespmem:v3+s14+$0x0], $0xffff;
	v8 =	vsel vm0, $0x0, v8;
	vm4 =	vlt.s32 v7, $0x0;
	v10 =	vadd.f32 v11, v10  }
0x14f: {  	v11 =	vld.idx.msk [tilespmem:v3+s12+$0x0], $0xffff;
	v7 =	vsel vm4, $0x0, v7;
	v6 =	vsel vm1, $0x0, v6;
	vm1 =	vmmov vm4  }
0x150: {  	v13 =	vld.idx.msk [tilespmem:v3+s13+$0x0], $0xffff;
	v10 =	vadd.f32 v6, v10  }
0x151: {  	v6 =	vld.idx.msk [tilespmem:v5+s12+$0x0], $0xffff  }
0x152: {  	v14 =	vld.idx.msk [tilespmem:v5+s13+$0x0], $0xffff  }
0x153: {  	v15 =	vld.idx.msk [tilespmem:v8+s12+$0x0], $0xffff  }
0x154: {  	v16 =	vld.idx.msk [tilespmem:v7+s12+$0x0], $0xffff  }
0x155: {  	v11 =	vmul.f32 v11, v4;
	v17 =	vld.idx.msk [tilespmem:v8+s13+$0x0], $0xffff  }
0x156: {  	v18 =	vld.idx.msk [tilespmem:v7+s13+$0x0], $0xffff  }
0x157: {  	v11 =	vadd.f32 v13, v11;
	v6 =	vmul.f32 v6, v2;
	v13 =	vld.idx.msk [tilespmem:v5+s14+$0x0], $0xffff  }
0x158: {  	v3 =	vld.idx.msk [tilespmem:v3+s15+$0x0], $0xffff  }
0x159: {  	v11 =	vmul.f32 v11, v4;
	v6 =	vadd.f32 v14, v6;
	v15 =	vmul.f32 v15, v1;
	v14 =	vld.idx.msk [tilespmem:v8+s14+$0x0], $0xffff  }
0x15a: {  	v16 =	vmul.f32 v16, v0;
	v19 =	vld.idx.msk [tilespmem:v7+s14+$0x0], $0xffff  }
0x15b: {  	v9 =	vadd.f32 v11, v9;
	v6 =	vmul.f32 v6, v2;
	v11 =	vadd.f32 v17, v15;
	v5 =	vld.idx.msk [tilespmem:v5+s15+$0x0], $0xffff  }
0x15c: {  	s21 =	sadd.s32 $0x4, s21;
	v16 =	vadd.f32 v18, v16;
	v15 =	vld [tilespmem:s22+$0xFFFFFFC0]  }
0x15d: {  	s20 =	sadd.s32 $0x100, s20;
	p0 =	slt.u32 s21, $0x3C;
	v4 =	vmul.f32 v9, v4;
	v6 =	vadd.f32 v6, v13;
	v9 =	vld.idx.msk [tilespmem:v8+s15+$0x0], $0xffff;
	v8 =	vmul.f32 v11, v1  }
0x15e: {  	vm4 =	vlt.s32 v12, $0x0;
	v11 =	vmul.f32 v16, v0;
	v13 =	vld [tilespmem:s20+$0x40]  }
0x15f: {  	v4 =	vadd.f32 v4, v3;
	v2 =	vmul.f32 v6, v2;
	v14 =	vadd.f32 v8, v14;
	v6 =	vld.idx.msk [tilespmem:v7+s15+$0x0], $0xffff  }
.Ltmp3:
0x160: {  	v3 =	vsel vm4, $0x0, v12;
	v12 =	vadd.f32 v11, v19;
	v8 =	vld [tilespmem:s22+$0x0];
	(pc) =	sbr.rel @p0 .LBB2_8-.Ltmp3, $4  }
0x161: {  	v4 =	vsel vm2, $0x0, v4;
	v5 =	vadd.f32 v2, v5;
	v7 =	vld [tilespmem:s22+$0x40];
	v11 =	vmul.f32 v14, v1  }
0x162: {  	vm2 =	vmmov vm4;
	vm5 =	vlt.s32 v15, $0x0;
	v10 =	vadd.f32 v4, v10;
	v1 =	vld [tilespmem:s20+$0x0]  }
0x163: {  	v14 =	vsel vm3, $0x0, v5;
	v2 =	vld [tilespmem:s20+$0xFFFFFFC0];
	v11 =	vadd.f32 v11, v9;
	v9 =	vmul.f32 v12, v0;
	v0 =	vmovc v13  }
0x164: {  	s22 =	sadd.s32 $0x100, s22;
	v5 =	vsel vm5, $0x0, v15;
	vm3 =	vmmov vm5;
	v10 =	vadd.f32 v14, v10;
	v4 =	vld [tilespmem:s20+$0xFFFFFF80]  }
0x165: {  	_ =	sdelay $0x2  }
0x166: {  	vm4 =	vlt.s32 v8, $0x0  }
0x167: {  	v12 =	vld.idx.msk [tilespmem:v3+s14+$0x0], $0xffff;
	v8 =	vsel vm4, $0x0, v8  }
0x168: {  	v13 =	vld.idx.msk [tilespmem:v3+s12+$0x0], $0xffff;
	vm5 =	vlt.s32 v7, $0x0  }
0x169: {  	v15 =	vld.idx.msk [tilespmem:v5+s12+$0x0], $0xffff;
	v7 =	vsel vm5, $0x0, v7  }
0x16a: {  	v14 =	vld.idx.msk [tilespmem:v3+s13+$0x0], $0xffff  }
0x16b: {  	v16 =	vld.idx.msk [tilespmem:v5+s13+$0x0], $0xffff  }
0x16c: {  	v17 =	vld.idx.msk [tilespmem:v8+s12+$0x0], $0xffff  }
0x16d: {  	v13 =	vmul.f32 v13, v4;
	v19 =	vld.idx.msk [tilespmem:v8+s13+$0x0], $0xffff  }
0x16e: {  	v49 =	vmul.f32 v15, v2;
	v18 =	vld.idx.msk [tilespmem:v7+s12+$0x0], $0xffff  }
0x16f: {  	v50 =	vld.idx.msk [tilespmem:v5+s14+$0x0], $0xffff;
	v13 =	vadd.f32 v14, v13  }
0x170: {  	v20 =	vld.idx.msk [tilespmem:v7+s13+$0x0], $0xffff;
	v14 =	vadd.f32 v16, v49  }
0x171: {  	v51 =	vld.idx.msk [tilespmem:v3+s15+$0x0], $0xffff;
	v13 =	vmul.f32 v13, v4;
	v52 =	vmul.f32 v17, v1  }
0x172: {  	v53 =	vld.idx.msk [tilespmem:v8+s14+$0x0], $0xffff;
	v14 =	vmul.f32 v14, v2  }
0x173: {  	v57 =	vld.idx.msk [tilespmem:v5+s15+$0x0], $0xffff;
	v12 =	vadd.f32 v13, v12;
	v18 =	vmul.f32 v18, v0;
	v54 =	vadd.f32 v19, v52  }
0x174: {  	v11 =	vsel vm0, $0x0, v11;
	v6 =	vadd.f32 v9, v6;
	v55 =	vld.idx.msk [tilespmem:v7+s14+$0x0], $0xffff;
	v59 =	vadd.f32 v14, v50  }
0x175: {  	v58 =	vmul.f32 v12, v4;
	v56 =	vadd.f32 v20, v18;
	v13 =	vmul.f32 v54, v1  }
0x176: {  	v10 =	vadd.f32 v11, v10;
	v6 =	vsel vm1, $0x0, v6;
	v8 =	vld.idx.msk [tilespmem:v8+s15+$0x0], $0xffff;
	v60 =	vmul.f32 v59, v2  }
0x177: {  	v3 =	vadd.f32 v58, v51;
	v9 =	vmul.f32 v56, v0;
	v61 =	vadd.f32 v13, v53  }
0x178: {  	v6 =	vadd.f32 v6, v10;
	v7 =	vld.idx.msk [tilespmem:v7+s15+$0x0], $0xffff;
	v2 =	vadd.f32 v60, v57  }
0x179: {  	v3 =	vsel vm2, $0x0, v3;
	v9 =	vadd.f32 v9, v55;
	v62 =	vmul.f32 v61, v1  }
0x17a: {  	v3 =	vadd.f32 v3, v6  }
0x17b: {  	v2 =	vsel vm3, $0x0, v2;
	v63 =	vmul.f32 v9, v0;
	v1 =	vadd.f32 v62, v8  }
0x17c: {  	v2 =	vadd.f32 v2, v3  }
0x17d: {  	v0 =	vadd.f32 v63, v7;
	v1 =	vsel vm4, $0x0, v1  }
0x17e: {  	vm15 =	vmmov vm5;
	v1 =	vadd.f32 v1, v2  }
0x17f: {  	v0 =	vsel vm15, $0x0, v0  }
0x180: {  	v0 =	vadd.f32 v0, v1;
	_ =	sdelay $0x1  }
0x181: {  	s19 =	sadd.s32 $0x1, s19;
	v0 =	vmul.f32 $5.000000000e-01, v0  }
0x182: {  	p0 =	sne.s32 s19, s10  }
.Ltmp4:
0x183: {  	[tilespmem:$0x12030] =	vst v0;
	(pc) =	sbr.rel @p0 .LBB2_1-.Ltmp4, $4  }
0x184: {  	[hbm4b:s9+s3] =	stream.linear.scatter [tilespmem:s17], [sflag:$0x2], $0x40, $0x38;
	[tilespmem:$0x12080] =	vst v63  }
0x185: {  	_ =	swait.ge [sflag:s18], $0x40  }
0x186: {  	[sflag:s18] =	ssyncset.done $0x0  }
0x187: {  	[sflag:s18] =	ssyncadd.s32 $0xFFFFFFC0  }
0x188: {  	_ =	sfence.sel $0x180000  }
0x189: {  	[bflag:$0x0] =	sbarrier.arrive $0xFFFF  }
0x18a: {  	p0 =	sne.s32 s0, $0x0;
	_ =	strace $0x9000004A  }
0x18b: {  	s0 =	sadd.s32 @!p0 $0x100000, s1;
	[bflag:$0x2] =	sbarrier.arrive $0xFFFF  }
0x18c: {  	[sflag:s0] =	ssyncadd.tile.s32 @!p0 $0x1;
	_ =	shalt  }
.Lfunc_end2:
_tile_overlayer_lowered:
.L_overlay_start_2:
0x18d: {  	(tag) =	ssettag $0x2  }
0x18e: {  	s0 =	rddreg [dreg:$0x0];
	s2 =	stileid.u32  }
0x18f: {  	s1 =	rddreg [dreg:$0x1];
	p0 =	sne.s32 s2, $0x0  }
0x190: {  	s3 =	rddreg [dreg:$0x2];
	[bflag:$0x3] =	sbarrier.arrive $0xFFFF;
	s2 =	simm.s32 @!p0 $0x1C02  }
0x191: {  	[timem:s3], [sflag:s2] =	dma.local @!p0 [hbm:s0], s1  }
0x192: {  	s0 =	simm.s32 @!p0 $0x2  }
0x193: {  	_ =	swait.ge @!p0 [sflag:s0], s1  }
0x194: {  	s1 =	ssub.s32 @!p0 $0x0, s1;
	[sflag:s0] =	ssyncset.done @!p0 $0x0  }
0x195: {  	[sflag:s0] =	ssyncadd.s32 @!p0 s1  }
0x196: {  	[bflag:$0x3] =	sbarrier.arrive $0xFFFF  }
0x197: {  	_ =	shalt  }

</sc_bundles>
